<compile_context>
chip_gen: v7x
topology: tpu7x:2x2x1
jax: 0.10.2.dev20260603
libtpu: 0.0.44.dev20260713+nightly
codegen_flags: <defaults>
</compile_context>

<pallas_src>
import jax
import jax.numpy as jnp
from jax import lax
from jax.experimental import pallas as pl
from jax.experimental.pallas import tpu as pltpu
from jax.experimental.pallas import tpu_sc as plsc

PATCH = 66
IMG = 512
SPAN = IMG - PATCH
ROWS = 80
PLANE = 128
NC = 2
NS = 16
NW = NC * NS


def _body(imgs_hbm, act_hbm, out_hbm, act_v,
          buf0a, buf0b, buf1a, buf1b, out_v, sem0, sem1):
    cid = lax.axis_index("c")
    sid = lax.axis_index("s")
    wid = sid * NC + cid
    ppw = (64 * 3) // NW

    pltpu.sync_copy(act_hbm, act_v)
    lanes = lax.iota(jnp.int32, 16)
    bufs = ((buf0a, buf0b), (buf1a, buf1b))
    sems = (sem0, sem1)

    def coords(pair):
        b = pair // 3
        e0 = 2 * b
        chunk = (e0 // 16) * 16
        lane = e0 - chunk
        v = act_v[pl.ds(chunk, 16)] * jnp.float32(SPAN)
        ci = v.astype(jnp.int32)
        ci = jnp.minimum(jnp.maximum(ci, 0), SPAN)
        y = jnp.max(jnp.where(lanes == lane, ci, 0))
        x = jnp.max(jnp.where(lanes == lane + 1, ci, 0))
        return b, pair - b * 3, y, x

    def issue(p):
        pair = wid * ppw + p
        b, ch, y, x = coords(pair)
        y0 = jnp.minimum((y // 8) * 8, IMG - ROWS)
        y0 = pl.multiple_of(y0, 8)
        x0 = jnp.minimum((x // 128) * 128, IMG - 2 * PLANE)
        x0 = pl.multiple_of(x0, 128)
        cps = tuple(
            pltpu.async_copy(
                imgs_hbm.at[b, ch, pl.ds(y0, ROWS),
                            pl.ds(pl.multiple_of(x0 + t * PLANE, 128), PLANE)],
                bufs[p % 2][t],
                sems[p % 2],
            )
            for t in (0, 1)
        )
        return cps, y - y0, x - x0

    def realign(bufa, bufb, offy, offx):
        m = 128 - offx

        def row(r, _):
            for o in (0, 16, 32, 48, 50):
                va = bufa[offy + r, pl.ds(offx + o, 16)]
                vb = bufb[offy + r, pl.ds(offx + o - 128, 16)]
                out_v[r, pl.ds(o, 16)] = jnp.where(lanes + o < m, va, vb)
            return 0

        lax.fori_loop(0, PATCH, row, 0, unroll=1)

    cps, offy, offx = issue(0)
    for p in range(ppw):
        for cp in cps:
            cp.wait()
        nxt = issue(p + 1) if p + 1 < ppw else (None, None, None)
        pair = wid * ppw + p
        realign(bufs[p % 2][0], bufs[p % 2][1], offy, offx)
        pltpu.sync_copy(out_v, out_hbm.at[pair])
        cps, offy, offx = nxt


@jax.jit
def kernel(imgs, action):
    batch, chans = imgs.shape[0], imgs.shape[1]
    mesh = plsc.VectorSubcoreMesh(
        core_axis_name="c", subcore_axis_name="s", num_cores=NC, num_subcores=NS
    )
    out = pl.kernel(
        _body,
        out_type=jax.ShapeDtypeStruct((batch * chans, PATCH, PATCH), jnp.float32),
        mesh=mesh,
        scratch_types=[
            pltpu.VMEM((2 * batch,), jnp.float32),
            pltpu.VMEM((ROWS, PLANE), jnp.float32),
            pltpu.VMEM((ROWS, PLANE), jnp.float32),
            pltpu.VMEM((ROWS, PLANE), jnp.float32),
            pltpu.VMEM((ROWS, PLANE), jnp.float32),
            pltpu.VMEM((PATCH, PATCH), jnp.float32),
            pltpu.SemaphoreType.DMA,
            pltpu.SemaphoreType.DMA,
        ],
        compiler_params=pltpu.CompilerParams(
            use_tc_tiling_on_sc=True, needs_layout_passes=False
        ),
    )(imgs, action.reshape(-1))
    return out.reshape(batch, chans, PATCH, PATCH)

# --- scband reference (transcript-rebuilt; emitter-appended) ---
"""Pipeline reference for scband-patch-sampler-44367012168423 (READ-ONLY COPY).

The authoritative reference and input builder live on the scoring server;
editing this copy changes nothing except your own understanding.
"""

import jax, jax.numpy as jnp
import numpy as np

PATCH_SIZE = 66


def setup_inputs(seed: int = 0) -> dict:
    key = jax.random.key(seed)
    k1, k2 = jax.random.split(key)
    imgs = jax.random.normal(k1, (64, 3, 512, 512), dtype=jnp.float32)
    action = jax.random.uniform(k2, (64, 2), dtype=jnp.float32)
    return {"imgs": imgs, "action": action}


def reference(imgs, action):
    # get_patch(imgs, action, size): crop a size x size patch per image at
    # coordinates floor(action * (image_size - size)), action in [0, 1]^2.
    patch_size = PATCH_SIZE
    image_size = imgs.shape[2]
    coords = jnp.floor(action * (image_size - patch_size)).astype(jnp.int32)

    def crop_one(img, c):
        # img: [C, H, W], c: [2] int32
        return jax.lax.dynamic_slice(
            img, (jnp.int32(0), c[0], c[1]), (img.shape[0], patch_size, patch_size)
        )

    patches = jax.vmap(crop_one)(imgs, coords)  # [B, C, patch, patch]
    return patches

if __name__ == "__main__":
    import jax
    _d = setup_inputs()
    print(jax.jit(kernel)(*tuple(_d.values())))

</pallas_src>

<mosaic_0001>
#map = affine_map<(d0, d1) -> (0, 0, 0, 0)>
#map1 = affine_map<(d0, d1) -> (0)>
#map2 = affine_map<(d0, d1) -> (0, 0, 0)>
module attributes {stable_mosaic.version = 14 : i64} {
  func.func @_body(%arg0: i32, %arg1: i32, %arg2: memref<64x3x512x512xf32, #tpu.memory_space<hbm>>, %arg3: memref<128xf32, #tpu.memory_space<hbm>>, %arg4: memref<192x66x66xf32, #tpu.memory_space<hbm>>, %arg5: memref<128xf32, #tpu.memory_space<vmem>>, %arg6: memref<80x128xf32, #tpu.memory_space<vmem>>, %arg7: memref<80x128xf32, #tpu.memory_space<vmem>>, %arg8: memref<80x128xf32, #tpu.memory_space<vmem>>, %arg9: memref<80x128xf32, #tpu.memory_space<vmem>>, %arg10: memref<66x66xf32, #tpu.memory_space<vmem>>, %arg11: memref<!tpu.dma_semaphore, #tpu.memory_space<semaphore_mem>>, %arg12: memref<!tpu.dma_semaphore, #tpu.memory_space<semaphore_mem>>) attributes {dimension_semantics = [#tpu.dimension_semantics<core_parallel>, #tpu.dimension_semantics<subcore_parallel>], iteration_bounds = array<i64: 2, 16>, scalar_prefetch = 0 : i64, scratch_operands = 8 : i64, tpu.core_type = #tpu.core_type<sc_vector_subcore>, window_params = [{transform_indices = #map}, {transform_indices = #map1}, {transform_indices = #map2}]} {
    %mul3A = arith.constant 2 : i32
    %mul3A_0 = arith.muli %arg1, %mul3A : i32
    %add3A = arith.addi %mul3A_0, %arg0 : i32
    "tpu.region"() ({
      %run_scoped3A = tpu.sem_alloc : memref<!tpu.dma_semaphore, #tpu.memory_space<semaphore_mem>>
      tpu.enqueue_dma source(%arg3 : memref<128xf32, #tpu.memory_space<hbm>>) target(%arg5 : memref<128xf32, #tpu.memory_space<vmem>>) target_semaphore(%run_scoped3A : memref<!tpu.dma_semaphore, #tpu.memory_space<semaphore_mem>>)
      tpu.wait_dma2 semaphore(%run_scoped3A : memref<!tpu.dma_semaphore, #tpu.memory_space<semaphore_mem>>) src(%arg3 : memref<128xf32, #tpu.memory_space<hbm>>) dst(%arg5 : memref<128xf32, #tpu.memory_space<vmem>>)
      tpu.yield
    }) : () -> ()
    %iota3A = tpu.iota {dimensions = array<i32: 0>} : vector<16xi32>
    %mul3A_1 = arith.constant 6 : i32
    %mul3A_2 = arith.muli %add3A, %mul3A_1 : i32
    %add3A_3 = arith.constant 0 : i32
    %add3A_4 = arith.addi %mul3A_2, %add3A_3 : i32
    %jit3A = arith.constant 3 : i32
    %div3A = arith.divsi %add3A_4, %jit3A : i32
    %sign3A = arith.constant 0 : i32
    %sign3A_5 = arith.cmpi sgt, %add3A_4, %sign3A : i32
    %sign3A_6 = arith.extui %sign3A_5 : i1 to i32
    %sign3A_7 = arith.constant 0 : i32
    %sign3A_8 = arith.cmpi slt, %add3A_4, %sign3A_7 : i32
    %sign3A_9 = arith.extui %sign3A_8 : i1 to i32
    %sign3A_10 = arith.subi %sign3A_6, %sign3A_9 : i32
    %sign3A_11 = arith.constant 0 : i32
    %sign3A_12 = arith.cmpi sgt, %jit3A, %sign3A_11 : i32
    %sign3A_13 = arith.extui %sign3A_12 : i1 to i32
    %sign3A_14 = arith.constant 0 : i32
    %sign3A_15 = arith.cmpi slt, %jit3A, %sign3A_14 : i32
    %sign3A_16 = arith.extui %sign3A_15 : i1 to i32
    %sign3A_17 = arith.subi %sign3A_13, %sign3A_16 : i32
    %ne3A = arith.cmpi ne, %sign3A_10, %sign3A_17 : i32
    %rem3A = arith.remsi %add3A_4, %jit3A : i32
    %ne3A_18 = arith.constant 0 : i32
    %ne3A_19 = arith.cmpi ne, %rem3A, %ne3A_18 : i32
    %and3A = arith.andi %ne3A, %ne3A_19 : i1
    %sub3A = arith.constant 1 : i32
    %sub3A_20 = arith.subi %div3A, %sub3A : i32
    %select_n3A = arith.select %and3A, %sub3A_20, %div3A : i32
    %mul3A_21 = arith.constant 2 : i32
    %mul3A_22 = arith.muli %mul3A_21, %select_n3A : i32
    %jit3A_23 = arith.constant 16 : i32
    %div3A_24 = arith.divsi %mul3A_22, %jit3A_23 : i32
    %sign3A_25 = arith.constant 0 : i32
    %sign3A_26 = arith.cmpi sgt, %mul3A_22, %sign3A_25 : i32
    %sign3A_27 = arith.extui %sign3A_26 : i1 to i32
    %sign3A_28 = arith.constant 0 : i32
    %sign3A_29 = arith.cmpi slt, %mul3A_22, %sign3A_28 : i32
    %sign3A_30 = arith.extui %sign3A_29 : i1 to i32
    %sign3A_31 = arith.subi %sign3A_27, %sign3A_30 : i32
    %sign3A_32 = arith.constant 0 : i32
    %sign3A_33 = arith.cmpi sgt, %jit3A_23, %sign3A_32 : i32
    %sign3A_34 = arith.extui %sign3A_33 : i1 to i32
    %sign3A_35 = arith.constant 0 : i32
    %sign3A_36 = arith.cmpi slt, %jit3A_23, %sign3A_35 : i32
    %sign3A_37 = arith.extui %sign3A_36 : i1 to i32
    %sign3A_38 = arith.subi %sign3A_34, %sign3A_37 : i32
    %ne3A_39 = arith.cmpi ne, %sign3A_31, %sign3A_38 : i32
    %rem3A_40 = arith.remsi %mul3A_22, %jit3A_23 : i32
    %ne3A_41 = arith.constant 0 : i32
    %ne3A_42 = arith.cmpi ne, %rem3A_40, %ne3A_41 : i32
    %and3A_43 = arith.andi %ne3A_39, %ne3A_42 : i1
    %sub3A_44 = arith.constant 1 : i32
    %sub3A_45 = arith.subi %div3A_24, %sub3A_44 : i32
    %select_n3A_46 = arith.select %and3A_43, %sub3A_45, %div3A_24 : i32
    %mul3A_47 = arith.constant 16 : i32
    %mul3A_48 = arith.muli %select_n3A_46, %mul3A_47 : i32
    %sub3A_49 = arith.subi %mul3A_22, %mul3A_48 : i32
    %get3A = arith.index_cast %mul3A_48 : i32 to index
    %get3A_50 = tpu.vector_load %arg5[%get3A] {strides = array<i32>} : memref<128xf32, #tpu.memory_space<vmem>>, vector<16xf32>,
    %mul3A_51 = arith.constant 4.460000e+02 : f32
    %mul3A_52 = vector.broadcast %mul3A_51 : f32 to vector<16xf32>
    %mul3A_53 = arith.mulf %get3A_50, %mul3A_52 : vector<16xf32>
    %convert_element_type3A = arith.fptosi %mul3A_53 : vector<16xf32> to vector<16xi32>
    %max3A = arith.constant 0 : i32
    %max3A_54 = vector.broadcast %max3A : i32 to vector<16xi32>
    %max3A_55 = arith.maxsi %convert_element_type3A, %max3A_54 : vector<16xi32>
    %min3A = arith.constant 446 : i32
    %min3A_56 = vector.broadcast %min3A : i32 to vector<16xi32>
    %min3A_57 = arith.minsi %max3A_55, %min3A_56 : vector<16xi32>
    %eq3A = vector.broadcast %sub3A_49 : i32 to vector<16xi32>
    %eq3A_58 = arith.cmpi eq, %iota3A, %eq3A : vector<16xi32>
    %jit3A_59 = arith.constant 0 : i32
    %broadcast_in_dim3A = vector.broadcast %jit3A_59 : i32 to vector<16xi32>
    %select_n3A_60 = arith.select %eq3A_58, %min3A_57, %broadcast_in_dim3A : vector<16xi1>, vector<16xi32>
    %reduce_max3A = arith.constant true
    %reduce_max3A_61 = vector.broadcast %reduce_max3A : i1 to vector<16xi1>
    %reduce_max3A_62 = arith.constant -2147483648 : i32
    %reduce_max3A_63 = vector.broadcast %reduce_max3A_62 : i32 to vector<16xi32>
    %reduce_max3A_64 = arith.xori %select_n3A_60, %reduce_max3A_63 : vector<16xi32>
    %reduce_max3A_65 = tpu.scan <max>, %reduce_max3A_64 masked %reduce_max3A_61 : vector<16xi32>, vector<16xi1> -> vector<16xi32>
    %reduce_max3A_66 = arith.xori %reduce_max3A_65, %reduce_max3A_63 : vector<16xi32>
    %reduce_max3A_67 = vector.extract %reduce_max3A_66[15] : i32 from vector<16xi32>
    %add3A_68 = arith.constant 1 : i32
    %add3A_69 = arith.addi %sub3A_49, %add3A_68 : i32
    %eq3A_70 = vector.broadcast %add3A_69 : i32 to vector<16xi32>
    %eq3A_71 = arith.cmpi eq, %iota3A, %eq3A_70 : vector<16xi32>
    %jit3A_72 = arith.constant 0 : i32
    %broadcast_in_dim3A_73 = vector.broadcast %jit3A_72 : i32 to vector<16xi32>
    %select_n3A_74 = arith.select %eq3A_71, %min3A_57, %broadcast_in_dim3A_73 : vector<16xi1>, vector<16xi32>
    %reduce_max3A_75 = arith.constant true
    %reduce_max3A_76 = vector.broadcast %reduce_max3A_75 : i1 to vector<16xi1>
    %reduce_max3A_77 = arith.constant -2147483648 : i32
    %reduce_max3A_78 = vector.broadcast %reduce_max3A_77 : i32 to vector<16xi32>
    %reduce_max3A_79 = arith.xori %select_n3A_74, %reduce_max3A_78 : vector<16xi32>
    %reduce_max3A_80 = tpu.scan <max>, %reduce_max3A_79 masked %reduce_max3A_76 : vector<16xi32>, vector<16xi1> -> vector<16xi32>
    %reduce_max3A_81 = arith.xori %reduce_max3A_80, %reduce_max3A_78 : vector<16xi32>
    %reduce_max3A_82 = vector.extract %reduce_max3A_81[15] : i32 from vector<16xi32>
    %mul3A_83 = arith.constant 3 : i32
    %mul3A_84 = arith.muli %select_n3A, %mul3A_83 : i32
    %sub3A_85 = arith.subi %add3A_4, %mul3A_84 : i32
    %jit3A_86 = arith.constant 8 : i32
    %div3A_87 = arith.divsi %reduce_max3A_67, %jit3A_86 : i32
    %sign3A_88 = arith.constant 0 : i32
    %sign3A_89 = arith.cmpi sgt, %reduce_max3A_67, %sign3A_88 : i32
    %sign3A_90 = arith.extui %sign3A_89 : i1 to i32
    %sign3A_91 = arith.constant 0 : i32
    %sign3A_92 = arith.cmpi slt, %reduce_max3A_67, %sign3A_91 : i32
    %sign3A_93 = arith.extui %sign3A_92 : i1 to i32
    %sign3A_94 = arith.subi %sign3A_90, %sign3A_93 : i32
    %sign3A_95 = arith.constant 0 : i32
    %sign3A_96 = arith.cmpi sgt, %jit3A_86, %sign3A_95 : i32
    %sign3A_97 = arith.extui %sign3A_96 : i1 to i32
    %sign3A_98 = arith.constant 0 : i32
    %sign3A_99 = arith.cmpi slt, %jit3A_86, %sign3A_98 : i32
    %sign3A_100 = arith.extui %sign3A_99 : i1 to i32
    %sign3A_101 = arith.subi %sign3A_97, %sign3A_100 : i32
    %ne3A_102 = arith.cmpi ne, %sign3A_94, %sign3A_101 : i32
    %rem3A_103 = arith.remsi %reduce_max3A_67, %jit3A_86 : i32
    %ne3A_104 = arith.constant 0 : i32
    %ne3A_105 = arith.cmpi ne, %rem3A_103, %ne3A_104 : i32
    %and3A_106 = arith.andi %ne3A_102, %ne3A_105 : i1
    %sub3A_107 = arith.constant 1 : i32
    %sub3A_108 = arith.subi %div3A_87, %sub3A_107 : i32
    %select_n3A_109 = arith.select %and3A_106, %sub3A_108, %div3A_87 : i32
    %mul3A_110 = arith.constant 8 : i32
    %mul3A_111 = arith.muli %select_n3A_109, %mul3A_110 : i32
    %min3A_112 = arith.constant 432 : i32
    %min3A_113 = arith.minsi %mul3A_111, %min3A_112 : i32
    %multiple_of3A = tpu.assume_multiple %min3A_113, 8 : i32
    %jit3A_114 = arith.constant 128 : i32
    %div3A_115 = arith.divsi %reduce_max3A_82, %jit3A_114 : i32
    %sign3A_116 = arith.constant 0 : i32
    %sign3A_117 = arith.cmpi sgt, %reduce_max3A_82, %sign3A_116 : i32
    %sign3A_118 = arith.extui %sign3A_117 : i1 to i32
    %sign3A_119 = arith.constant 0 : i32
    %sign3A_120 = arith.cmpi slt, %reduce_max3A_82, %sign3A_119 : i32
    %sign3A_121 = arith.extui %sign3A_120 : i1 to i32
    %sign3A_122 = arith.subi %sign3A_118, %sign3A_121 : i32
    %sign3A_123 = arith.constant 0 : i32
    %sign3A_124 = arith.cmpi sgt, %jit3A_114, %sign3A_123 : i32
    %sign3A_125 = arith.extui %sign3A_124 : i1 to i32
    %sign3A_126 = arith.constant 0 : i32
    %sign3A_127 = arith.cmpi slt, %jit3A_114, %sign3A_126 : i32
    %sign3A_128 = arith.extui %sign3A_127 : i1 to i32
    %sign3A_129 = arith.subi %sign3A_125, %sign3A_128 : i32
    %ne3A_130 = arith.cmpi ne, %sign3A_122, %sign3A_129 : i32
    %rem3A_131 = arith.remsi %reduce_max3A_82, %jit3A_114 : i32
    %ne3A_132 = arith.constant 0 : i32
    %ne3A_133 = arith.cmpi ne, %rem3A_131, %ne3A_132 : i32
    %and3A_134 = arith.andi %ne3A_130, %ne3A_133 : i1
    %sub3A_135 = arith.constant 1 : i32
    %sub3A_136 = arith.subi %div3A_115, %sub3A_135 : i32
    %select_n3A_137 = arith.select %and3A_134, %sub3A_136, %div3A_115 : i32
    %mul3A_138 = arith.constant 128 : i32
    %mul3A_139 = arith.muli %select_n3A_137, %mul3A_138 : i32
    %min3A_140 = arith.constant 256 : i32
    %min3A_141 = arith.minsi %mul3A_139, %min3A_140 : i32
    %multiple_of3A_142 = tpu.assume_multiple %min3A_141, 128 : i32
    %add3A_143 = arith.constant 0 : i32
    %add3A_144 = arith.addi %multiple_of3A_142, %add3A_143 : i32
    %multiple_of3A_145 = tpu.assume_multiple %add3A_144, 128 : i32
    %dma_start3A = tpu.memref_slice %arg2[%select_n3A, %sub3A_85, %multiple_of3A, %multiple_of3A_145] : memref<64x3x512x512xf32, #tpu.memory_space<hbm>> -> memref<1x1x80x128xf32, #tpu.memory_space<hbm>>
    %dma_start3A_146 = tpu.memref_squeeze %dma_start3A : memref<1x1x80x128xf32, #tpu.memory_space<hbm>> -> memref<80x128xf32, #tpu.memory_space<hbm>>
    %dma_start3A_147 = tpu.memref_slice %arg2[%select_n3A, %sub3A_85, %multiple_of3A, %multiple_of3A_145] : memref<64x3x512x512xf32, #tpu.memory_space<hbm>> -> memref<1x1x80x128xf32, #tpu.memory_space<hbm>>
    %dma_start3A_148 = tpu.memref_squeeze %dma_start3A_147 : memref<1x1x80x128xf32, #tpu.memory_space<hbm>> -> memref<80x128xf32, #tpu.memory_space<hbm>>
    tpu.enqueue_dma source(%dma_start3A_148 : memref<80x128xf32, #tpu.memory_space<hbm>>) target(%arg6 : memref<80x128xf32, #tpu.memory_space<vmem>>) target_semaphore(%arg11 : memref<!tpu.dma_semaphore, #tpu.memory_space<semaphore_mem>>)
    %add3A_149 = arith.constant 128 : i32
    %add3A_150 = arith.addi %multiple_of3A_142, %add3A_149 : i32
    %multiple_of3A_151 = tpu.assume_multiple %add3A_150, 128 : i32
    %dma_start3A_152 = tpu.memref_slice %arg2[%select_n3A, %sub3A_85, %multiple_of3A, %multiple_of3A_151] : memref<64x3x512x512xf32, #tpu.memory_space<hbm>> -> memref<1x1x80x128xf32, #tpu.memory_space<hbm>>
    %dma_start3A_153 = tpu.memref_squeeze %dma_start3A_152 : memref<1x1x80x128xf32, #tpu.memory_space<hbm>> -> memref<80x128xf32, #tpu.memory_space<hbm>>
    %dma_start3A_154 = tpu.memref_slice %arg2[%select_n3A, %sub3A_85, %multiple_of3A, %multiple_of3A_151] : memref<64x3x512x512xf32, #tpu.memory_space<hbm>> -> memref<1x1x80x128xf32, #tpu.memory_space<hbm>>
    %dma_start3A_155 = tpu.memref_squeeze %dma_start3A_154 : memref<1x1x80x128xf32, #tpu.memory_space<hbm>> -> memref<80x128xf32, #tpu.memory_space<hbm>>
    tpu.enqueue_dma source(%dma_start3A_155 : memref<80x128xf32, #tpu.memory_space<hbm>>) target(%arg7 : memref<80x128xf32, #tpu.memory_space<vmem>>) target_semaphore(%arg11 : memref<!tpu.dma_semaphore, #tpu.memory_space<semaphore_mem>>)
    %sub3A_156 = arith.subi %reduce_max3A_67, %multiple_of3A : i32
    %sub3A_157 = arith.subi %reduce_max3A_82, %multiple_of3A_142 : i32
    %dma_wait3A = tpu.memref_slice %arg2[%select_n3A, %sub3A_85, %multiple_of3A, %multiple_of3A_145] : memref<64x3x512x512xf32, #tpu.memory_space<hbm>> -> memref<1x1x80x128xf32, #tpu.memory_space<hbm>>
    %dma_wait3A_158 = tpu.memref_squeeze %dma_wait3A : memref<1x1x80x128xf32, #tpu.memory_space<hbm>> -> memref<80x128xf32, #tpu.memory_space<hbm>>
    %dma_wait3A_159 = tpu.memref_slice %arg2[%select_n3A, %sub3A_85, %multiple_of3A, %multiple_of3A_145] : memref<64x3x512x512xf32, #tpu.memory_space<hbm>> -> memref<1x1x80x128xf32, #tpu.memory_space<hbm>>
    %dma_wait3A_160 = tpu.memref_squeeze %dma_wait3A_159 : memref<1x1x80x128xf32, #tpu.memory_space<hbm>> -> memref<80x128xf32, #tpu.memory_space<hbm>>
    tpu.wait_dma2 semaphore(%arg11 : memref<!tpu.dma_semaphore, #tpu.memory_space<semaphore_mem>>) src(%dma_wait3A_160 : memref<80x128xf32, #tpu.memory_space<hbm>>) dst(%arg6 : memref<80x128xf32, #tpu.memory_space<vmem>>)
    %dma_wait3A_161 = tpu.memref_slice %arg2[%select_n3A, %sub3A_85, %multiple_of3A, %multiple_of3A_151] : memref<64x3x512x512xf32, #tpu.memory_space<hbm>> -> memref<1x1x80x128xf32, #tpu.memory_space<hbm>>
    %dma_wait3A_162 = tpu.memref_squeeze %dma_wait3A_161 : memref<1x1x80x128xf32, #tpu.memory_space<hbm>> -> memref<80x128xf32, #tpu.memory_space<hbm>>
    %dma_wait3A_163 = tpu.memref_slice %arg2[%select_n3A, %sub3A_85, %multiple_of3A, %multiple_of3A_151] : memref<64x3x512x512xf32, #tpu.memory_space<hbm>> -> memref<1x1x80x128xf32, #tpu.memory_space<hbm>>
    %dma_wait3A_164 = tpu.memref_squeeze %dma_wait3A_163 : memref<1x1x80x128xf32, #tpu.memory_space<hbm>> -> memref<80x128xf32, #tpu.memory_space<hbm>>
    tpu.wait_dma2 semaphore(%arg11 : memref<!tpu.dma_semaphore, #tpu.memory_space<semaphore_mem>>) src(%dma_wait3A_164 : memref<80x128xf32, #tpu.memory_space<hbm>>) dst(%arg7 : memref<80x128xf32, #tpu.memory_space<vmem>>)
    %mul3A_165 = arith.constant 6 : i32
    %mul3A_166 = arith.muli %add3A, %mul3A_165 : i32
    %add3A_167 = arith.constant 1 : i32
    %add3A_168 = arith.addi %mul3A_166, %add3A_167 : i32
    %jit3A_169 = arith.constant 3 : i32
    %div3A_170 = arith.divsi %add3A_168, %jit3A_169 : i32
    %sign3A_171 = arith.constant 0 : i32
    %sign3A_172 = arith.cmpi sgt, %add3A_168, %sign3A_171 : i32
    %sign3A_173 = arith.extui %sign3A_172 : i1 to i32
    %sign3A_174 = arith.constant 0 : i32
    %sign3A_175 = arith.cmpi slt, %add3A_168, %sign3A_174 : i32
    %sign3A_176 = arith.extui %sign3A_175 : i1 to i32
    %sign3A_177 = arith.subi %sign3A_173, %sign3A_176 : i32
    %sign3A_178 = arith.constant 0 : i32
    %sign3A_179 = arith.cmpi sgt, %jit3A_169, %sign3A_178 : i32
    %sign3A_180 = arith.extui %sign3A_179 : i1 to i32
    %sign3A_181 = arith.constant 0 : i32
    %sign3A_182 = arith.cmpi slt, %jit3A_169, %sign3A_181 : i32
    %sign3A_183 = arith.extui %sign3A_182 : i1 to i32
    %sign3A_184 = arith.subi %sign3A_180, %sign3A_183 : i32
    %ne3A_185 = arith.cmpi ne, %sign3A_177, %sign3A_184 : i32
    %rem3A_186 = arith.remsi %add3A_168, %jit3A_169 : i32
    %ne3A_187 = arith.constant 0 : i32
    %ne3A_188 = arith.cmpi ne, %rem3A_186, %ne3A_187 : i32
    %and3A_189 = arith.andi %ne3A_185, %ne3A_188 : i1
    %sub3A_190 = arith.constant 1 : i32
    %sub3A_191 = arith.subi %div3A_170, %sub3A_190 : i32
    %select_n3A_192 = arith.select %and3A_189, %sub3A_191, %div3A_170 : i32
    %mul3A_193 = arith.constant 2 : i32
    %mul3A_194 = arith.muli %mul3A_193, %select_n3A_192 : i32
    %jit3A_195 = arith.constant 16 : i32
    %div3A_196 = arith.divsi %mul3A_194, %jit3A_195 : i32
    %sign3A_197 = arith.constant 0 : i32
    %sign3A_198 = arith.cmpi sgt, %mul3A_194, %sign3A_197 : i32
    %sign3A_199 = arith.extui %sign3A_198 : i1 to i32
    %sign3A_200 = arith.constant 0 : i32
    %sign3A_201 = arith.cmpi slt, %mul3A_194, %sign3A_200 : i32
    %sign3A_202 = arith.extui %sign3A_201 : i1 to i32
    %sign3A_203 = arith.subi %sign3A_199, %sign3A_202 : i32
    %sign3A_204 = arith.constant 0 : i32
    %sign3A_205 = arith.cmpi sgt, %jit3A_195, %sign3A_204 : i32
    %sign3A_206 = arith.extui %sign3A_205 : i1 to i32
    %sign3A_207 = arith.constant 0 : i32
    %sign3A_208 = arith.cmpi slt, %jit3A_195, %sign3A_207 : i32
    %sign3A_209 = arith.extui %sign3A_208 : i1 to i32
    %sign3A_210 = arith.subi %sign3A_206, %sign3A_209 : i32
    %ne3A_211 = arith.cmpi ne, %sign3A_203, %sign3A_210 : i32
    %rem3A_212 = arith.remsi %mul3A_194, %jit3A_195 : i32
    %ne3A_213 = arith.constant 0 : i32
    %ne3A_214 = arith.cmpi ne, %rem3A_212, %ne3A_213 : i32
    %and3A_215 = arith.andi %ne3A_211, %ne3A_214 : i1
    %sub3A_216 = arith.constant 1 : i32
    %sub3A_217 = arith.subi %div3A_196, %sub3A_216 : i32
    %select_n3A_218 = arith.select %and3A_215, %sub3A_217, %div3A_196 : i32
    %mul3A_219 = arith.constant 16 : i32
    %mul3A_220 = arith.muli %select_n3A_218, %mul3A_219 : i32
    %sub3A_221 = arith.subi %mul3A_194, %mul3A_220 : i32
    %get3A_222 = arith.index_cast %mul3A_220 : i32 to index
    %get3A_223 = tpu.vector_load %arg5[%get3A_222] {strides = array<i32>} : memref<128xf32, #tpu.memory_space<vmem>>, vector<16xf32>,
    %mul3A_224 = arith.constant 4.460000e+02 : f32
    %mul3A_225 = vector.broadcast %mul3A_224 : f32 to vector<16xf32>
    %mul3A_226 = arith.mulf %get3A_223, %mul3A_225 : vector<16xf32>
    %convert_element_type3A_227 = arith.fptosi %mul3A_226 : vector<16xf32> to vector<16xi32>
    %max3A_228 = arith.constant 0 : i32
    %max3A_229 = vector.broadcast %max3A_228 : i32 to vector<16xi32>
    %max3A_230 = arith.maxsi %convert_element_type3A_227, %max3A_229 : vector<16xi32>
    %min3A_231 = arith.constant 446 : i32
    %min3A_232 = vector.broadcast %min3A_231 : i32 to vector<16xi32>
    %min3A_233 = arith.minsi %max3A_230, %min3A_232 : vector<16xi32>
    %eq3A_234 = vector.broadcast %sub3A_221 : i32 to vector<16xi32>
    %eq3A_235 = arith.cmpi eq, %iota3A, %eq3A_234 : vector<16xi32>
    %jit3A_236 = arith.constant 0 : i32
    %broadcast_in_dim3A_237 = vector.broadcast %jit3A_236 : i32 to vector<16xi32>
    %select_n3A_238 = arith.select %eq3A_235, %min3A_233, %broadcast_in_dim3A_237 : vector<16xi1>, vector<16xi32>
    %reduce_max3A_239 = arith.constant true
    %reduce_max3A_240 = vector.broadcast %reduce_max3A_239 : i1 to vector<16xi1>
    %reduce_max3A_241 = arith.constant -2147483648 : i32
    %reduce_max3A_242 = vector.broadcast %reduce_max3A_241 : i32 to vector<16xi32>
    %reduce_max3A_243 = arith.xori %select_n3A_238, %reduce_max3A_242 : vector<16xi32>
    %reduce_max3A_244 = tpu.scan <max>, %reduce_max3A_243 masked %reduce_max3A_240 : vector<16xi32>, vector<16xi1> -> vector<16xi32>
    %reduce_max3A_245 = arith.xori %reduce_max3A_244, %reduce_max3A_242 : vector<16xi32>
    %reduce_max3A_246 = vector.extract %reduce_max3A_245[15] : i32 from vector<16xi32>
    %add3A_247 = arith.constant 1 : i32
    %add3A_248 = arith.addi %sub3A_221, %add3A_247 : i32
    %eq3A_249 = vector.broadcast %add3A_248 : i32 to vector<16xi32>
    %eq3A_250 = arith.cmpi eq, %iota3A, %eq3A_249 : vector<16xi32>
    %jit3A_251 = arith.constant 0 : i32
    %broadcast_in_dim3A_252 = vector.broadcast %jit3A_251 : i32 to vector<16xi32>
    %select_n3A_253 = arith.select %eq3A_250, %min3A_233, %broadcast_in_dim3A_252 : vector<16xi1>, vector<16xi32>
    %reduce_max3A_254 = arith.constant true
    %reduce_max3A_255 = vector.broadcast %reduce_max3A_254 : i1 to vector<16xi1>
    %reduce_max3A_256 = arith.constant -2147483648 : i32
    %reduce_max3A_257 = vector.broadcast %reduce_max3A_256 : i32 to vector<16xi32>
    %reduce_max3A_258 = arith.xori %select_n3A_253, %reduce_max3A_257 : vector<16xi32>
    %reduce_max3A_259 = tpu.scan <max>, %reduce_max3A_258 masked %reduce_max3A_255 : vector<16xi32>, vector<16xi1> -> vector<16xi32>
    %reduce_max3A_260 = arith.xori %reduce_max3A_259, %reduce_max3A_257 : vector<16xi32>
    %reduce_max3A_261 = vector.extract %reduce_max3A_260[15] : i32 from vector<16xi32>
    %mul3A_262 = arith.constant 3 : i32
    %mul3A_263 = arith.muli %select_n3A_192, %mul3A_262 : i32
    %sub3A_264 = arith.subi %add3A_168, %mul3A_263 : i32
    %jit3A_265 = arith.constant 8 : i32
    %div3A_266 = arith.divsi %reduce_max3A_246, %jit3A_265 : i32
    %sign3A_267 = arith.constant 0 : i32
    %sign3A_268 = arith.cmpi sgt, %reduce_max3A_246, %sign3A_267 : i32
    %sign3A_269 = arith.extui %sign3A_268 : i1 to i32
    %sign3A_270 = arith.constant 0 : i32
    %sign3A_271 = arith.cmpi slt, %reduce_max3A_246, %sign3A_270 : i32
    %sign3A_272 = arith.extui %sign3A_271 : i1 to i32
    %sign3A_273 = arith.subi %sign3A_269, %sign3A_272 : i32
    %sign3A_274 = arith.constant 0 : i32
    %sign3A_275 = arith.cmpi sgt, %jit3A_265, %sign3A_274 : i32
    %sign3A_276 = arith.extui %sign3A_275 : i1 to i32
    %sign3A_277 = arith.constant 0 : i32
    %sign3A_278 = arith.cmpi slt, %jit3A_265, %sign3A_277 : i32
    %sign3A_279 = arith.extui %sign3A_278 : i1 to i32
    %sign3A_280 = arith.subi %sign3A_276, %sign3A_279 : i32
    %ne3A_281 = arith.cmpi ne, %sign3A_273, %sign3A_280 : i32
    %rem3A_282 = arith.remsi %reduce_max3A_246, %jit3A_265 : i32
    %ne3A_283 = arith.constant 0 : i32
    %ne3A_284 = arith.cmpi ne, %rem3A_282, %ne3A_283 : i32
    %and3A_285 = arith.andi %ne3A_281, %ne3A_284 : i1
    %sub3A_286 = arith.constant 1 : i32
    %sub3A_287 = arith.subi %div3A_266, %sub3A_286 : i32
    %select_n3A_288 = arith.select %and3A_285, %sub3A_287, %div3A_266 : i32
    %mul3A_289 = arith.constant 8 : i32
    %mul3A_290 = arith.muli %select_n3A_288, %mul3A_289 : i32
    %min3A_291 = arith.constant 432 : i32
    %min3A_292 = arith.minsi %mul3A_290, %min3A_291 : i32
    %multiple_of3A_293 = tpu.assume_multiple %min3A_292, 8 : i32
    %jit3A_294 = arith.constant 128 : i32
    %div3A_295 = arith.divsi %reduce_max3A_261, %jit3A_294 : i32
    %sign3A_296 = arith.constant 0 : i32
    %sign3A_297 = arith.cmpi sgt, %reduce_max3A_261, %sign3A_296 : i32
    %sign3A_298 = arith.extui %sign3A_297 : i1 to i32
    %sign3A_299 = arith.constant 0 : i32
    %sign3A_300 = arith.cmpi slt, %reduce_max3A_261, %sign3A_299 : i32
    %sign3A_301 = arith.extui %sign3A_300 : i1 to i32
    %sign3A_302 = arith.subi %sign3A_298, %sign3A_301 : i32
    %sign3A_303 = arith.constant 0 : i32
    %sign3A_304 = arith.cmpi sgt, %jit3A_294, %sign3A_303 : i32
    %sign3A_305 = arith.extui %sign3A_304 : i1 to i32
    %sign3A_306 = arith.constant 0 : i32
    %sign3A_307 = arith.cmpi slt, %jit3A_294, %sign3A_306 : i32
    %sign3A_308 = arith.extui %sign3A_307 : i1 to i32
    %sign3A_309 = arith.subi %sign3A_305, %sign3A_308 : i32
    %ne3A_310 = arith.cmpi ne, %sign3A_302, %sign3A_309 : i32
    %rem3A_311 = arith.remsi %reduce_max3A_261, %jit3A_294 : i32
    %ne3A_312 = arith.constant 0 : i32
    %ne3A_313 = arith.cmpi ne, %rem3A_311, %ne3A_312 : i32
    %and3A_314 = arith.andi %ne3A_310, %ne3A_313 : i1
    %sub3A_315 = arith.constant 1 : i32
    %sub3A_316 = arith.subi %div3A_295, %sub3A_315 : i32
    %select_n3A_317 = arith.select %and3A_314, %sub3A_316, %div3A_295 : i32
    %mul3A_318 = arith.constant 128 : i32
    %mul3A_319 = arith.muli %select_n3A_317, %mul3A_318 : i32
    %min3A_320 = arith.constant 256 : i32
    %min3A_321 = arith.minsi %mul3A_319, %min3A_320 : i32
    %multiple_of3A_322 = tpu.assume_multiple %min3A_321, 128 : i32
    %add3A_323 = arith.constant 0 : i32
    %add3A_324 = arith.addi %multiple_of3A_322, %add3A_323 : i32
    %multiple_of3A_325 = tpu.assume_multiple %add3A_324, 128 : i32
    %dma_start3A_326 = tpu.memref_slice %arg2[%select_n3A_192, %sub3A_264, %multiple_of3A_293, %multiple_of3A_325] : memref<64x3x512x512xf32, #tpu.memory_space<hbm>> -> memref<1x1x80x128xf32, #tpu.memory_space<hbm>>
    %dma_start3A_327 = tpu.memref_squeeze %dma_start3A_326 : memref<1x1x80x128xf32, #tpu.memory_space<hbm>> -> memref<80x128xf32, #tpu.memory_space<hbm>>
    %dma_start3A_328 = tpu.memref_slice %arg2[%select_n3A_192, %sub3A_264, %multiple_of3A_293, %multiple_of3A_325] : memref<64x3x512x512xf32, #tpu.memory_space<hbm>> -> memref<1x1x80x128xf32, #tpu.memory_space<hbm>>
    %dma_start3A_329 = tpu.memref_squeeze %dma_start3A_328 : memref<1x1x80x128xf32, #tpu.memory_space<hbm>> -> memref<80x128xf32, #tpu.memory_space<hbm>>
    tpu.enqueue_dma source(%dma_start3A_329 : memref<80x128xf32, #tpu.memory_space<hbm>>) target(%arg8 : memref<80x128xf32, #tpu.memory_space<vmem>>) target_semaphore(%arg12 : memref<!tpu.dma_semaphore, #tpu.memory_space<semaphore_mem>>)
    %add3A_330 = arith.constant 128 : i32
    %add3A_331 = arith.addi %multiple_of3A_322, %add3A_330 : i32
    %multiple_of3A_332 = tpu.assume_multiple %add3A_331, 128 : i32
    %dma_start3A_333 = tpu.memref_slice %arg2[%select_n3A_192, %sub3A_264, %multiple_of3A_293, %multiple_of3A_332] : memref<64x3x512x512xf32, #tpu.memory_space<hbm>> -> memref<1x1x80x128xf32, #tpu.memory_space<hbm>>
    %dma_start3A_334 = tpu.memref_squeeze %dma_start3A_333 : memref<1x1x80x128xf32, #tpu.memory_space<hbm>> -> memref<80x128xf32, #tpu.memory_space<hbm>>
    %dma_start3A_335 = tpu.memref_slice %arg2[%select_n3A_192, %sub3A_264, %multiple_of3A_293, %multiple_of3A_332] : memref<64x3x512x512xf32, #tpu.memory_space<hbm>> -> memref<1x1x80x128xf32, #tpu.memory_space<hbm>>
    %dma_start3A_336 = tpu.memref_squeeze %dma_start3A_335 : memref<1x1x80x128xf32, #tpu.memory_space<hbm>> -> memref<80x128xf32, #tpu.memory_space<hbm>>
    tpu.enqueue_dma source(%dma_start3A_336 : memref<80x128xf32, #tpu.memory_space<hbm>>) target(%arg9 : memref<80x128xf32, #tpu.memory_space<vmem>>) target_semaphore(%arg12 : memref<!tpu.dma_semaphore, #tpu.memory_space<semaphore_mem>>)
    %sub3A_337 = arith.subi %reduce_max3A_246, %multiple_of3A_293 : i32
    %sub3A_338 = arith.subi %reduce_max3A_261, %multiple_of3A_322 : i32
    %mul3A_339 = arith.constant 6 : i32
    %mul3A_340 = arith.muli %add3A, %mul3A_339 : i32
    %add3A_341 = arith.constant 0 : i32
    %add3A_342 = arith.addi %mul3A_340, %add3A_341 : i32
    %sub3A_343 = arith.constant 128 : i32
    %sub3A_344 = arith.subi %sub3A_343, %sub3A_157 : i32
    %scan3A = arith.constant 0 : i32
    %scan3A_345 = arith.constant 0 : i32
    %scan3A_346 = arith.constant 66 : i32
    %scan3A_347 = arith.addi %scan3A_345, %scan3A_346 : i32
    %scan3A_348 = arith.constant 1 : i32
    %scan3A_349 = scf.for %scan3A_1152 = %scan3A_345 to %scan3A_347 step %scan3A_348 iter_args(%scan3A_1153 = %scan3A) -> (i32)  : i32 {
      %add3A_1154 = arith.addi %sub3A_156, %scan3A_1152 : i32
      %add3A_1155 = arith.constant 0 : i32
      %add3A_1156 = arith.addi %sub3A_157, %add3A_1155 : i32
      %get3A_1157 = arith.index_cast %add3A_1154 : i32 to index
      %get3A_1158 = arith.index_cast %add3A_1156 : i32 to index
      %get3A_1159 = tpu.vector_load %arg6[%get3A_1157, %get3A_1158] {strides = array<i32>} : memref<80x128xf32, #tpu.memory_space<vmem>>, vector<16xf32>,
      %add3A_1160 = arith.addi %sub3A_156, %scan3A_1152 : i32
      %add3A_1161 = arith.constant 0 : i32
      %add3A_1162 = arith.addi %sub3A_157, %add3A_1161 : i32
      %sub3A_1163 = arith.constant 128 : i32
      %sub3A_1164 = arith.subi %add3A_1162, %sub3A_1163 : i32
      %get3A_1165 = arith.index_cast %add3A_1160 : i32 to index
      %get3A_1166 = arith.index_cast %sub3A_1164 : i32 to index
      %get3A_1167 = tpu.vector_load %arg7[%get3A_1165, %get3A_1166] {strides = array<i32>} : memref<80x128xf32, #tpu.memory_space<vmem>>, vector<16xf32>,
      %add3A_1168 = arith.constant 0 : i32
      %add3A_1169 = vector.broadcast %add3A_1168 : i32 to vector<16xi32>
      %add3A_1170 = arith.addi %iota3A, %add3A_1169 : vector<16xi32>
      %lt3A = vector.broadcast %sub3A_344 : i32 to vector<16xi32>
      %lt3A_1171 = arith.cmpi slt, %add3A_1170, %lt3A : vector<16xi32>
      %select_n3A_1172 = arith.select %lt3A_1171, %get3A_1159, %get3A_1167 : vector<16xi1>, vector<16xf32>
      %swap3A = arith.index_cast %scan3A_1152 : i32 to index
      %swap3A_1173 = arith.constant 0 : index
      %swap3A_1174 = tpu.vector_load %arg10[%swap3A, %swap3A_1173] {strides = array<i32>} : memref<66x66xf32, #tpu.memory_space<vmem>>, vector<16xf32>,
      tpu.vector_store %arg10[%swap3A, %swap3A_1173], %select_n3A_1172 {strides = array<i32>} : memref<66x66xf32, #tpu.memory_space<vmem>>, vector<16xf32>,
      %add3A_1175 = arith.addi %sub3A_156, %scan3A_1152 : i32
      %add3A_1176 = arith.constant 16 : i32
      %add3A_1177 = arith.addi %sub3A_157, %add3A_1176 : i32
      %get3A_1178 = arith.index_cast %add3A_1175 : i32 to index
      %get3A_1179 = arith.index_cast %add3A_1177 : i32 to index
      %get3A_1180 = tpu.vector_load %arg6[%get3A_1178, %get3A_1179] {strides = array<i32>} : memref<80x128xf32, #tpu.memory_space<vmem>>, vector<16xf32>,
      %add3A_1181 = arith.addi %sub3A_156, %scan3A_1152 : i32
      %add3A_1182 = arith.constant 16 : i32
      %add3A_1183 = arith.addi %sub3A_157, %add3A_1182 : i32
      %sub3A_1184 = arith.constant 128 : i32
      %sub3A_1185 = arith.subi %add3A_1183, %sub3A_1184 : i32
      %get3A_1186 = arith.index_cast %add3A_1181 : i32 to index
      %get3A_1187 = arith.index_cast %sub3A_1185 : i32 to index
      %get3A_1188 = tpu.vector_load %arg7[%get3A_1186, %get3A_1187] {strides = array<i32>} : memref<80x128xf32, #tpu.memory_space<vmem>>, vector<16xf32>,
      %add3A_1189 = arith.constant 16 : i32
      %add3A_1190 = vector.broadcast %add3A_1189 : i32 to vector<16xi32>
      %add3A_1191 = arith.addi %iota3A, %add3A_1190 : vector<16xi32>
      %lt3A_1192 = vector.broadcast %sub3A_344 : i32 to vector<16xi32>
      %lt3A_1193 = arith.cmpi slt, %add3A_1191, %lt3A_1192 : vector<16xi32>
      %select_n3A_1194 = arith.select %lt3A_1193, %get3A_1180, %get3A_1188 : vector<16xi1>, vector<16xf32>
      %swap3A_1195 = arith.index_cast %scan3A_1152 : i32 to index
      %swap3A_1196 = arith.constant 16 : index
      %swap3A_1197 = tpu.vector_load %arg10[%swap3A_1195, %swap3A_1196] {strides = array<i32>} : memref<66x66xf32, #tpu.memory_space<vmem>>, vector<16xf32>,
      tpu.vector_store %arg10[%swap3A_1195, %swap3A_1196], %select_n3A_1194 {strides = array<i32>} : memref<66x66xf32, #tpu.memory_space<vmem>>, vector<16xf32>,
      %add3A_1198 = arith.addi %sub3A_156, %scan3A_1152 : i32
      %add3A_1199 = arith.constant 32 : i32
      %add3A_1200 = arith.addi %sub3A_157, %add3A_1199 : i32
      %get3A_1201 = arith.index_cast %add3A_1198 : i32 to index
      %get3A_1202 = arith.index_cast %add3A_1200 : i32 to index
      %get3A_1203 = tpu.vector_load %arg6[%get3A_1201, %get3A_1202] {strides = array<i32>} : memref<80x128xf32, #tpu.memory_space<vmem>>, vector<16xf32>,
      %add3A_1204 = arith.addi %sub3A_156, %scan3A_1152 : i32
      %add3A_1205 = arith.constant 32 : i32
      %add3A_1206 = arith.addi %sub3A_157, %add3A_1205 : i32
      %sub3A_1207 = arith.constant 128 : i32
      %sub3A_1208 = arith.subi %add3A_1206, %sub3A_1207 : i32
      %get3A_1209 = arith.index_cast %add3A_1204 : i32 to index
      %get3A_1210 = arith.index_cast %sub3A_1208 : i32 to index
      %get3A_1211 = tpu.vector_load %arg7[%get3A_1209, %get3A_1210] {strides = array<i32>} : memref<80x128xf32, #tpu.memory_space<vmem>>, vector<16xf32>,
      %add3A_1212 = arith.constant 32 : i32
      %add3A_1213 = vector.broadcast %add3A_1212 : i32 to vector<16xi32>
      %add3A_1214 = arith.addi %iota3A, %add3A_1213 : vector<16xi32>
      %lt3A_1215 = vector.broadcast %sub3A_344 : i32 to vector<16xi32>
      %lt3A_1216 = arith.cmpi slt, %add3A_1214, %lt3A_1215 : vector<16xi32>
      %select_n3A_1217 = arith.select %lt3A_1216, %get3A_1203, %get3A_1211 : vector<16xi1>, vector<16xf32>
      %swap3A_1218 = arith.index_cast %scan3A_1152 : i32 to index
      %swap3A_1219 = arith.constant 32 : index
      %swap3A_1220 = tpu.vector_load %arg10[%swap3A_1218, %swap3A_1219] {strides = array<i32>} : memref<66x66xf32, #tpu.memory_space<vmem>>, vector<16xf32>,
      tpu.vector_store %arg10[%swap3A_1218, %swap3A_1219], %select_n3A_1217 {strides = array<i32>} : memref<66x66xf32, #tpu.memory_space<vmem>>, vector<16xf32>,
      %add3A_1221 = arith.addi %sub3A_156, %scan3A_1152 : i32
      %add3A_1222 = arith.constant 48 : i32
      %add3A_1223 = arith.addi %sub3A_157, %add3A_1222 : i32
      %get3A_1224 = arith.index_cast %add3A_1221 : i32 to index
      %get3A_1225 = arith.index_cast %add3A_1223 : i32 to index
      %get3A_1226 = tpu.vector_load %arg6[%get3A_1224, %get3A_1225] {strides = array<i32>} : memref<80x128xf32, #tpu.memory_space<vmem>>, vector<16xf32>,
      %add3A_1227 = arith.addi %sub3A_156, %scan3A_1152 : i32
      %add3A_1228 = arith.constant 48 : i32
      %add3A_1229 = arith.addi %sub3A_157, %add3A_1228 : i32
      %sub3A_1230 = arith.constant 128 : i32
      %sub3A_1231 = arith.subi %add3A_1229, %sub3A_1230 : i32
      %get3A_1232 = arith.index_cast %add3A_1227 : i32 to index
      %get3A_1233 = arith.index_cast %sub3A_1231 : i32 to index
      %get3A_1234 = tpu.vector_load %arg7[%get3A_1232, %get3A_1233] {strides = array<i32>} : memref<80x128xf32, #tpu.memory_space<vmem>>, vector<16xf32>,
      %add3A_1235 = arith.constant 48 : i32
      %add3A_1236 = vector.broadcast %add3A_1235 : i32 to vector<16xi32>
      %add3A_1237 = arith.addi %iota3A, %add3A_1236 : vector<16xi32>
      %lt3A_1238 = vector.broadcast %sub3A_344 : i32 to vector<16xi32>
      %lt3A_1239 = arith.cmpi slt, %add3A_1237, %lt3A_1238 : vector<16xi32>
      %select_n3A_1240 = arith.select %lt3A_1239, %get3A_1226, %get3A_1234 : vector<16xi1>, vector<16xf32>
      %swap3A_1241 = arith.index_cast %scan3A_1152 : i32 to index
      %swap3A_1242 = arith.constant 48 : index
      %swap3A_1243 = tpu.vector_load %arg10[%swap3A_1241, %swap3A_1242] {strides = array<i32>} : memref<66x66xf32, #tpu.memory_space<vmem>>, vector<16xf32>,
      tpu.vector_store %arg10[%swap3A_1241, %swap3A_1242], %select_n3A_1240 {strides = array<i32>} : memref<66x66xf32, #tpu.memory_space<vmem>>, vector<16xf32>,
      %add3A_1244 = arith.addi %sub3A_156, %scan3A_1152 : i32
      %add3A_1245 = arith.constant 50 : i32
      %add3A_1246 = arith.addi %sub3A_157, %add3A_1245 : i32
      %get3A_1247 = arith.index_cast %add3A_1244 : i32 to index
      %get3A_1248 = arith.index_cast %add3A_1246 : i32 to index
      %get3A_1249 = tpu.vector_load %arg6[%get3A_1247, %get3A_1248] {strides = array<i32>} : memref<80x128xf32, #tpu.memory_space<vmem>>, vector<16xf32>,
      %add3A_1250 = arith.addi %sub3A_156, %scan3A_1152 : i32
      %add3A_1251 = arith.constant 50 : i32
      %add3A_1252 = arith.addi %sub3A_157, %add3A_1251 : i32
      %sub3A_1253 = arith.constant 128 : i32
      %sub3A_1254 = arith.subi %add3A_1252, %sub3A_1253 : i32
      %get3A_1255 = arith.index_cast %add3A_1250 : i32 to index
      %get3A_1256 = arith.index_cast %sub3A_1254 : i32 to index
      %get3A_1257 = tpu.vector_load %arg7[%get3A_1255, %get3A_1256] {strides = array<i32>} : memref<80x128xf32, #tpu.memory_space<vmem>>, vector<16xf32>,
      %add3A_1258 = arith.constant 50 : i32
      %add3A_1259 = vector.broadcast %add3A_1258 : i32 to vector<16xi32>
      %add3A_1260 = arith.addi %iota3A, %add3A_1259 : vector<16xi32>
      %lt3A_1261 = vector.broadcast %sub3A_344 : i32 to vector<16xi32>
      %lt3A_1262 = arith.cmpi slt, %add3A_1260, %lt3A_1261 : vector<16xi32>
      %select_n3A_1263 = arith.select %lt3A_1262, %get3A_1249, %get3A_1257 : vector<16xi1>, vector<16xf32>
      %swap3A_1264 = arith.index_cast %scan3A_1152 : i32 to index
      %swap3A_1265 = arith.constant 50 : index
      %swap3A_1266 = tpu.vector_load %arg10[%swap3A_1264, %swap3A_1265] {strides = array<i32>} : memref<66x66xf32, #tpu.memory_space<vmem>>, vector<16xf32>,
      tpu.vector_store %arg10[%swap3A_1264, %swap3A_1265], %select_n3A_1263 {strides = array<i32>} : memref<66x66xf32, #tpu.memory_space<vmem>>, vector<16xf32>,
      %scan3A_1267 = arith.constant 0 : i32
      scf.yield %scan3A_1267 : i32
    }
    %scan3A_350 = arith.constant 66 : i32
    "tpu.region"() ({
      %run_scoped3A = tpu.sem_alloc : memref<!tpu.dma_semaphore, #tpu.memory_space<semaphore_mem>>
      %dma_start3A_1152 = arith.constant 0 : i32
      %dma_start3A_1153 = arith.constant 0 : i32
      %dma_start3A_1154 = tpu.memref_slice %arg4[%add3A_342, %dma_start3A_1152, %dma_start3A_1153] : memref<192x66x66xf32, #tpu.memory_space<hbm>> -> memref<1x66x66xf32, #tpu.memory_space<hbm>>
      %dma_start3A_1155 = tpu.memref_squeeze %dma_start3A_1154 : memref<1x66x66xf32, #tpu.memory_space<hbm>> -> memref<66x66xf32, #tpu.memory_space<hbm>>
      %dma_start3A_1156 = arith.constant 0 : i32
      %dma_start3A_1157 = arith.constant 0 : i32
      %dma_start3A_1158 = tpu.memref_slice %arg4[%add3A_342, %dma_start3A_1156, %dma_start3A_1157] : memref<192x66x66xf32, #tpu.memory_space<hbm>> -> memref<1x66x66xf32, #tpu.memory_space<hbm>>
      %dma_start3A_1159 = tpu.memref_squeeze %dma_start3A_1158 : memref<1x66x66xf32, #tpu.memory_space<hbm>> -> memref<66x66xf32, #tpu.memory_space<hbm>>
      tpu.enqueue_dma source(%arg10 : memref<66x66xf32, #tpu.memory_space<vmem>>) target(%dma_start3A_1159 : memref<66x66xf32, #tpu.memory_space<hbm>>) target_semaphore(%run_scoped3A : memref<!tpu.dma_semaphore, #tpu.memory_space<semaphore_mem>>)
      %dma_wait3A_1160 = arith.constant 0 : i32
      %dma_wait3A_1161 = arith.constant 0 : i32
      %dma_wait3A_1162 = tpu.memref_slice %arg4[%add3A_342, %dma_wait3A_1160, %dma_wait3A_1161] : memref<192x66x66xf32, #tpu.memory_space<hbm>> -> memref<1x66x66xf32, #tpu.memory_space<hbm>>
      %dma_wait3A_1163 = tpu.memref_squeeze %dma_wait3A_1162 : memref<1x66x66xf32, #tpu.memory_space<hbm>> -> memref<66x66xf32, #tpu.memory_space<hbm>>
      %dma_wait3A_1164 = arith.constant 0 : i32
      %dma_wait3A_1165 = arith.constant 0 : i32
      %dma_wait3A_1166 = tpu.memref_slice %arg4[%add3A_342, %dma_wait3A_1164, %dma_wait3A_1165] : memref<192x66x66xf32, #tpu.memory_space<hbm>> -> memref<1x66x66xf32, #tpu.memory_space<hbm>>
      %dma_wait3A_1167 = tpu.memref_squeeze %dma_wait3A_1166 : memref<1x66x66xf32, #tpu.memory_space<hbm>> -> memref<66x66xf32, #tpu.memory_space<hbm>>
      tpu.wait_dma2 semaphore(%run_scoped3A : memref<!tpu.dma_semaphore, #tpu.memory_space<semaphore_mem>>) src(%arg10 : memref<66x66xf32, #tpu.memory_space<vmem>>) dst(%dma_wait3A_1167 : memref<66x66xf32, #tpu.memory_space<hbm>>)
      tpu.yield
    }) : () -> ()
    %dma_wait3A_351 = tpu.memref_slice %arg2[%select_n3A_192, %sub3A_264, %multiple_of3A_293, %multiple_of3A_325] : memref<64x3x512x512xf32, #tpu.memory_space<hbm>> -> memref<1x1x80x128xf32, #tpu.memory_space<hbm>>
    %dma_wait3A_352 = tpu.memref_squeeze %dma_wait3A_351 : memref<1x1x80x128xf32, #tpu.memory_space<hbm>> -> memref<80x128xf32, #tpu.memory_space<hbm>>
    %dma_wait3A_353 = tpu.memref_slice %arg2[%select_n3A_192, %sub3A_264, %multiple_of3A_293, %multiple_of3A_325] : memref<64x3x512x512xf32, #tpu.memory_space<hbm>> -> memref<1x1x80x128xf32, #tpu.memory_space<hbm>>
    %dma_wait3A_354 = tpu.memref_squeeze %dma_wait3A_353 : memref<1x1x80x128xf32, #tpu.memory_space<hbm>> -> memref<80x128xf32, #tpu.memory_space<hbm>>
    tpu.wait_dma2 semaphore(%arg12 : memref<!tpu.dma_semaphore, #tpu.memory_space<semaphore_mem>>) src(%dma_wait3A_354 : memref<80x128xf32, #tpu.memory_space<hbm>>) dst(%arg8 : memref<80x128xf32, #tpu.memory_space<vmem>>)
    %dma_wait3A_355 = tpu.memref_slice %arg2[%select_n3A_192, %sub3A_264, %multiple_of3A_293, %multiple_of3A_332] : memref<64x3x512x512xf32, #tpu.memory_space<hbm>> -> memref<1x1x80x128xf32, #tpu.memory_space<hbm>>
    %dma_wait3A_356 = tpu.memref_squeeze %dma_wait3A_355 : memref<1x1x80x128xf32, #tpu.memory_space<hbm>> -> memref<80x128xf32, #tpu.memory_space<hbm>>
    %dma_wait3A_357 = tpu.memref_slice %arg2[%select_n3A_192, %sub3A_264, %multiple_of3A_293, %multiple_of3A_332] : memref<64x3x512x512xf32, #tpu.memory_space<hbm>> -> memref<1x1x80x128xf32, #tpu.memory_space<hbm>>
    %dma_wait3A_358 = tpu.memref_squeeze %dma_wait3A_357 : memref<1x1x80x128xf32, #tpu.memory_space<hbm>> -> memref<80x128xf32, #tpu.memory_space<hbm>>
    tpu.wait_dma2 semaphore(%arg12 : memref<!tpu.dma_semaphore, #tpu.memory_space<semaphore_mem>>) src(%dma_wait3A_358 : memref<80x128xf32, #tpu.memory_space<hbm>>) dst(%arg9 : memref<80x128xf32, #tpu.memory_space<vmem>>)
    %mul3A_359 = arith.constant 6 : i32
    %mul3A_360 = arith.muli %add3A, %mul3A_359 : i32
    %add3A_361 = arith.constant 2 : i32
    %add3A_362 = arith.addi %mul3A_360, %add3A_361 : i32
    %jit3A_363 = arith.constant 3 : i32
    %div3A_364 = arith.divsi %add3A_362, %jit3A_363 : i32
    %sign3A_365 = arith.constant 0 : i32
    %sign3A_366 = arith.cmpi sgt, %add3A_362, %sign3A_365 : i32
    %sign3A_367 = arith.extui %sign3A_366 : i1 to i32
    %sign3A_368 = arith.constant 0 : i32
    %sign3A_369 = arith.cmpi slt, %add3A_362, %sign3A_368 : i32
    %sign3A_370 = arith.extui %sign3A_369 : i1 to i32
    %sign3A_371 = arith.subi %sign3A_367, %sign3A_370 : i32
    %sign3A_372 = arith.constant 0 : i32
    %sign3A_373 = arith.cmpi sgt, %jit3A_363, %sign3A_372 : i32
    %sign3A_374 = arith.extui %sign3A_373 : i1 to i32
    %sign3A_375 = arith.constant 0 : i32
    %sign3A_376 = arith.cmpi slt, %jit3A_363, %sign3A_375 : i32
    %sign3A_377 = arith.extui %sign3A_376 : i1 to i32
    %sign3A_378 = arith.subi %sign3A_374, %sign3A_377 : i32
    %ne3A_379 = arith.cmpi ne, %sign3A_371, %sign3A_378 : i32
    %rem3A_380 = arith.remsi %add3A_362, %jit3A_363 : i32
    %ne3A_381 = arith.constant 0 : i32
    %ne3A_382 = arith.cmpi ne, %rem3A_380, %ne3A_381 : i32
    %and3A_383 = arith.andi %ne3A_379, %ne3A_382 : i1
    %sub3A_384 = arith.constant 1 : i32
    %sub3A_385 = arith.subi %div3A_364, %sub3A_384 : i32
    %select_n3A_386 = arith.select %and3A_383, %sub3A_385, %div3A_364 : i32
    %mul3A_387 = arith.constant 2 : i32
    %mul3A_388 = arith.muli %mul3A_387, %select_n3A_386 : i32
    %jit3A_389 = arith.constant 16 : i32
    %div3A_390 = arith.divsi %mul3A_388, %jit3A_389 : i32
    %sign3A_391 = arith.constant 0 : i32
    %sign3A_392 = arith.cmpi sgt, %mul3A_388, %sign3A_391 : i32
    %sign3A_393 = arith.extui %sign3A_392 : i1 to i32
    %sign3A_394 = arith.constant 0 : i32
    %sign3A_395 = arith.cmpi slt, %mul3A_388, %sign3A_394 : i32
    %sign3A_396 = arith.extui %sign3A_395 : i1 to i32
    %sign3A_397 = arith.subi %sign3A_393, %sign3A_396 : i32
    %sign3A_398 = arith.constant 0 : i32
    %sign3A_399 = arith.cmpi sgt, %jit3A_389, %sign3A_398 : i32
    %sign3A_400 = arith.extui %sign3A_399 : i1 to i32
    %sign3A_401 = arith.constant 0 : i32
    %sign3A_402 = arith.cmpi slt, %jit3A_389, %sign3A_401 : i32
    %sign3A_403 = arith.extui %sign3A_402 : i1 to i32
    %sign3A_404 = arith.subi %sign3A_400, %sign3A_403 : i32
    %ne3A_405 = arith.cmpi ne, %sign3A_397, %sign3A_404 : i32
    %rem3A_406 = arith.remsi %mul3A_388, %jit3A_389 : i32
    %ne3A_407 = arith.constant 0 : i32
    %ne3A_408 = arith.cmpi ne, %rem3A_406, %ne3A_407 : i32
    %and3A_409 = arith.andi %ne3A_405, %ne3A_408 : i1
    %sub3A_410 = arith.constant 1 : i32
    %sub3A_411 = arith.subi %div3A_390, %sub3A_410 : i32
    %select_n3A_412 = arith.select %and3A_409, %sub3A_411, %div3A_390 : i32
    %mul3A_413 = arith.constant 16 : i32
    %mul3A_414 = arith.muli %select_n3A_412, %mul3A_413 : i32
    %sub3A_415 = arith.subi %mul3A_388, %mul3A_414 : i32
    %get3A_416 = arith.index_cast %mul3A_414 : i32 to index
    %get3A_417 = tpu.vector_load %arg5[%get3A_416] {strides = array<i32>} : memref<128xf32, #tpu.memory_space<vmem>>, vector<16xf32>,
    %mul3A_418 = arith.constant 4.460000e+02 : f32
    %mul3A_419 = vector.broadcast %mul3A_418 : f32 to vector<16xf32>
    %mul3A_420 = arith.mulf %get3A_417, %mul3A_419 : vector<16xf32>
    %convert_element_type3A_421 = arith.fptosi %mul3A_420 : vector<16xf32> to vector<16xi32>
    %max3A_422 = arith.constant 0 : i32
    %max3A_423 = vector.broadcast %max3A_422 : i32 to vector<16xi32>
    %max3A_424 = arith.maxsi %convert_element_type3A_421, %max3A_423 : vector<16xi32>
    %min3A_425 = arith.constant 446 : i32
    %min3A_426 = vector.broadcast %min3A_425 : i32 to vector<16xi32>
    %min3A_427 = arith.minsi %max3A_424, %min3A_426 : vector<16xi32>
    %eq3A_428 = vector.broadcast %sub3A_415 : i32 to vector<16xi32>
    %eq3A_429 = arith.cmpi eq, %iota3A, %eq3A_428 : vector<16xi32>
    %jit3A_430 = arith.constant 0 : i32
    %broadcast_in_dim3A_431 = vector.broadcast %jit3A_430 : i32 to vector<16xi32>
    %select_n3A_432 = arith.select %eq3A_429, %min3A_427, %broadcast_in_dim3A_431 : vector<16xi1>, vector<16xi32>
    %reduce_max3A_433 = arith.constant true
    %reduce_max3A_434 = vector.broadcast %reduce_max3A_433 : i1 to vector<16xi1>
    %reduce_max3A_435 = arith.constant -2147483648 : i32
    %reduce_max3A_436 = vector.broadcast %reduce_max3A_435 : i32 to vector<16xi32>
    %reduce_max3A_437 = arith.xori %select_n3A_432, %reduce_max3A_436 : vector<16xi32>
    %reduce_max3A_438 = tpu.scan <max>, %reduce_max3A_437 masked %reduce_max3A_434 : vector<16xi32>, vector<16xi1> -> vector<16xi32>
    %reduce_max3A_439 = arith.xori %reduce_max3A_438, %reduce_max3A_436 : vector<16xi32>
    %reduce_max3A_440 = vector.extract %reduce_max3A_439[15] : i32 from vector<16xi32>
    %add3A_441 = arith.constant 1 : i32
    %add3A_442 = arith.addi %sub3A_415, %add3A_441 : i32
    %eq3A_443 = vector.broadcast %add3A_442 : i32 to vector<16xi32>
    %eq3A_444 = arith.cmpi eq, %iota3A, %eq3A_443 : vector<16xi32>
    %jit3A_445 = arith.constant 0 : i32
    %broadcast_in_dim3A_446 = vector.broadcast %jit3A_445 : i32 to vector<16xi32>
    %select_n3A_447 = arith.select %eq3A_444, %min3A_427, %broadcast_in_dim3A_446 : vector<16xi1>, vector<16xi32>
    %reduce_max3A_448 = arith.constant true
    %reduce_max3A_449 = vector.broadcast %reduce_max3A_448 : i1 to vector<16xi1>
    %reduce_max3A_450 = arith.constant -2147483648 : i32
    %reduce_max3A_451 = vector.broadcast %reduce_max3A_450 : i32 to vector<16xi32>
    %reduce_max3A_452 = arith.xori %select_n3A_447, %reduce_max3A_451 : vector<16xi32>
    %reduce_max3A_453 = tpu.scan <max>, %reduce_max3A_452 masked %reduce_max3A_449 : vector<16xi32>, vector<16xi1> -> vector<16xi32>
    %reduce_max3A_454 = arith.xori %reduce_max3A_453, %reduce_max3A_451 : vector<16xi32>
    %reduce_max3A_455 = vector.extract %reduce_max3A_454[15] : i32 from vector<16xi32>
    %mul3A_456 = arith.constant 3 : i32
    %mul3A_457 = arith.muli %select_n3A_386, %mul3A_456 : i32
    %sub3A_458 = arith.subi %add3A_362, %mul3A_457 : i32
    %jit3A_459 = arith.constant 8 : i32
    %div3A_460 = arith.divsi %reduce_max3A_440, %jit3A_459 : i32
    %sign3A_461 = arith.constant 0 : i32
    %sign3A_462 = arith.cmpi sgt, %reduce_max3A_440, %sign3A_461 : i32
    %sign3A_463 = arith.extui %sign3A_462 : i1 to i32
    %sign3A_464 = arith.constant 0 : i32
    %sign3A_465 = arith.cmpi slt, %reduce_max3A_440, %sign3A_464 : i32
    %sign3A_466 = arith.extui %sign3A_465 : i1 to i32
    %sign3A_467 = arith.subi %sign3A_463, %sign3A_466 : i32
    %sign3A_468 = arith.constant 0 : i32
    %sign3A_469 = arith.cmpi sgt, %jit3A_459, %sign3A_468 : i32
    %sign3A_470 = arith.extui %sign3A_469 : i1 to i32
    %sign3A_471 = arith.constant 0 : i32
    %sign3A_472 = arith.cmpi slt, %jit3A_459, %sign3A_471 : i32
    %sign3A_473 = arith.extui %sign3A_472 : i1 to i32
    %sign3A_474 = arith.subi %sign3A_470, %sign3A_473 : i32
    %ne3A_475 = arith.cmpi ne, %sign3A_467, %sign3A_474 : i32
    %rem3A_476 = arith.remsi %reduce_max3A_440, %jit3A_459 : i32
    %ne3A_477 = arith.constant 0 : i32
    %ne3A_478 = arith.cmpi ne, %rem3A_476, %ne3A_477 : i32
    %and3A_479 = arith.andi %ne3A_475, %ne3A_478 : i1
    %sub3A_480 = arith.constant 1 : i32
    %sub3A_481 = arith.subi %div3A_460, %sub3A_480 : i32
    %select_n3A_482 = arith.select %and3A_479, %sub3A_481, %div3A_460 : i32
    %mul3A_483 = arith.constant 8 : i32
    %mul3A_484 = arith.muli %select_n3A_482, %mul3A_483 : i32
    %min3A_485 = arith.constant 432 : i32
    %min3A_486 = arith.minsi %mul3A_484, %min3A_485 : i32
    %multiple_of3A_487 = tpu.assume_multiple %min3A_486, 8 : i32
    %jit3A_488 = arith.constant 128 : i32
    %div3A_489 = arith.divsi %reduce_max3A_455, %jit3A_488 : i32
    %sign3A_490 = arith.constant 0 : i32
    %sign3A_491 = arith.cmpi sgt, %reduce_max3A_455, %sign3A_490 : i32
    %sign3A_492 = arith.extui %sign3A_491 : i1 to i32
    %sign3A_493 = arith.constant 0 : i32
    %sign3A_494 = arith.cmpi slt, %reduce_max3A_455, %sign3A_493 : i32
    %sign3A_495 = arith.extui %sign3A_494 : i1 to i32
    %sign3A_496 = arith.subi %sign3A_492, %sign3A_495 : i32
    %sign3A_497 = arith.constant 0 : i32
    %sign3A_498 = arith.cmpi sgt, %jit3A_488, %sign3A_497 : i32
    %sign3A_499 = arith.extui %sign3A_498 : i1 to i32
    %sign3A_500 = arith.constant 0 : i32
    %sign3A_501 = arith.cmpi slt, %jit3A_488, %sign3A_500 : i32
    %sign3A_502 = arith.extui %sign3A_501 : i1 to i32
    %sign3A_503 = arith.subi %sign3A_499, %sign3A_502 : i32
    %ne3A_504 = arith.cmpi ne, %sign3A_496, %sign3A_503 : i32
    %rem3A_505 = arith.remsi %reduce_max3A_455, %jit3A_488 : i32
    %ne3A_506 = arith.constant 0 : i32
    %ne3A_507 = arith.cmpi ne, %rem3A_505, %ne3A_506 : i32
    %and3A_508 = arith.andi %ne3A_504, %ne3A_507 : i1
    %sub3A_509 = arith.constant 1 : i32
    %sub3A_510 = arith.subi %div3A_489, %sub3A_509 : i32
    %select_n3A_511 = arith.select %and3A_508, %sub3A_510, %div3A_489 : i32
    %mul3A_512 = arith.constant 128 : i32
    %mul3A_513 = arith.muli %select_n3A_511, %mul3A_512 : i32
    %min3A_514 = arith.constant 256 : i32
    %min3A_515 = arith.minsi %mul3A_513, %min3A_514 : i32
    %multiple_of3A_516 = tpu.assume_multiple %min3A_515, 128 : i32
    %add3A_517 = arith.constant 0 : i32
    %add3A_518 = arith.addi %multiple_of3A_516, %add3A_517 : i32
    %multiple_of3A_519 = tpu.assume_multiple %add3A_518, 128 : i32
    %dma_start3A_520 = tpu.memref_slice %arg2[%select_n3A_386, %sub3A_458, %multiple_of3A_487, %multiple_of3A_519] : memref<64x3x512x512xf32, #tpu.memory_space<hbm>> -> memref<1x1x80x128xf32, #tpu.memory_space<hbm>>
    %dma_start3A_521 = tpu.memref_squeeze %dma_start3A_520 : memref<1x1x80x128xf32, #tpu.memory_space<hbm>> -> memref<80x128xf32, #tpu.memory_space<hbm>>
    %dma_start3A_522 = tpu.memref_slice %arg2[%select_n3A_386, %sub3A_458, %multiple_of3A_487, %multiple_of3A_519] : memref<64x3x512x512xf32, #tpu.memory_space<hbm>> -> memref<1x1x80x128xf32, #tpu.memory_space<hbm>>
    %dma_start3A_523 = tpu.memref_squeeze %dma_start3A_522 : memref<1x1x80x128xf32, #tpu.memory_space<hbm>> -> memref<80x128xf32, #tpu.memory_space<hbm>>
    tpu.enqueue_dma source(%dma_start3A_523 : memref<80x128xf32, #tpu.memory_space<hbm>>) target(%arg6 : memref<80x128xf32, #tpu.memory_space<vmem>>) target_semaphore(%arg11 : memref<!tpu.dma_semaphore, #tpu.memory_space<semaphore_mem>>)
    %add3A_524 = arith.constant 128 : i32
    %add3A_525 = arith.addi %multiple_of3A_516, %add3A_524 : i32
    %multiple_of3A_526 = tpu.assume_multiple %add3A_525, 128 : i32
    %dma_start3A_527 = tpu.memref_slice %arg2[%select_n3A_386, %sub3A_458, %multiple_of3A_487, %multiple_of3A_526] : memref<64x3x512x512xf32, #tpu.memory_space<hbm>> -> memref<1x1x80x128xf32, #tpu.memory_space<hbm>>
    %dma_start3A_528 = tpu.memref_squeeze %dma_start3A_527 : memref<1x1x80x128xf32, #tpu.memory_space<hbm>> -> memref<80x128xf32, #tpu.memory_space<hbm>>
    %dma_start3A_529 = tpu.memref_slice %arg2[%select_n3A_386, %sub3A_458, %multiple_of3A_487, %multiple_of3A_526] : memref<64x3x512x512xf32, #tpu.memory_space<hbm>> -> memref<1x1x80x128xf32, #tpu.memory_space<hbm>>
    %dma_start3A_530 = tpu.memref_squeeze %dma_start3A_529 : memref<1x1x80x128xf32, #tpu.memory_space<hbm>> -> memref<80x128xf32, #tpu.memory_space<hbm>>
    tpu.enqueue_dma source(%dma_start3A_530 : memref<80x128xf32, #tpu.memory_space<hbm>>) target(%arg7 : memref<80x128xf32, #tpu.memory_space<vmem>>) target_semaphore(%arg11 : memref<!tpu.dma_semaphore, #tpu.memory_space<semaphore_mem>>)
    %sub3A_531 = arith.subi %reduce_max3A_440, %multiple_of3A_487 : i32
    %sub3A_532 = arith.subi %reduce_max3A_455, %multiple_of3A_516 : i32
    %mul3A_533 = arith.constant 6 : i32
    %mul3A_534 = arith.muli %add3A, %mul3A_533 : i32
    %add3A_535 = arith.constant 1 : i32
    %add3A_536 = arith.addi %mul3A_534, %add3A_535 : i32
    %sub3A_537 = arith.constant 128 : i32
    %sub3A_538 = arith.subi %sub3A_537, %sub3A_338 : i32
    %scan3A_539 = arith.constant 0 : i32
    %scan3A_540 = arith.constant 0 : i32
    %scan3A_541 = arith.constant 66 : i32
    %scan3A_542 = arith.addi %scan3A_540, %scan3A_541 : i32
    %scan3A_543 = arith.constant 1 : i32
    %scan3A_544 = scf.for %scan3A_1152 = %scan3A_540 to %scan3A_542 step %scan3A_543 iter_args(%scan3A_1153 = %scan3A_539) -> (i32)  : i32 {
      %add3A_1154 = arith.addi %sub3A_337, %scan3A_1152 : i32
      %add3A_1155 = arith.constant 0 : i32
      %add3A_1156 = arith.addi %sub3A_338, %add3A_1155 : i32
      %get3A_1157 = arith.index_cast %add3A_1154 : i32 to index
      %get3A_1158 = arith.index_cast %add3A_1156 : i32 to index
      %get3A_1159 = tpu.vector_load %arg8[%get3A_1157, %get3A_1158] {strides = array<i32>} : memref<80x128xf32, #tpu.memory_space<vmem>>, vector<16xf32>,
      %add3A_1160 = arith.addi %sub3A_337, %scan3A_1152 : i32
      %add3A_1161 = arith.constant 0 : i32
      %add3A_1162 = arith.addi %sub3A_338, %add3A_1161 : i32
      %sub3A_1163 = arith.constant 128 : i32
      %sub3A_1164 = arith.subi %add3A_1162, %sub3A_1163 : i32
      %get3A_1165 = arith.index_cast %add3A_1160 : i32 to index
      %get3A_1166 = arith.index_cast %sub3A_1164 : i32 to index
      %get3A_1167 = tpu.vector_load %arg9[%get3A_1165, %get3A_1166] {strides = array<i32>} : memref<80x128xf32, #tpu.memory_space<vmem>>, vector<16xf32>,
      %add3A_1168 = arith.constant 0 : i32
      %add3A_1169 = vector.broadcast %add3A_1168 : i32 to vector<16xi32>
      %add3A_1170 = arith.addi %iota3A, %add3A_1169 : vector<16xi32>
      %lt3A = vector.broadcast %sub3A_538 : i32 to vector<16xi32>
      %lt3A_1171 = arith.cmpi slt, %add3A_1170, %lt3A : vector<16xi32>
      %select_n3A_1172 = arith.select %lt3A_1171, %get3A_1159, %get3A_1167 : vector<16xi1>, vector<16xf32>
      %swap3A = arith.index_cast %scan3A_1152 : i32 to index
      %swap3A_1173 = arith.constant 0 : index
      %swap3A_1174 = tpu.vector_load %arg10[%swap3A, %swap3A_1173] {strides = array<i32>} : memref<66x66xf32, #tpu.memory_space<vmem>>, vector<16xf32>,
      tpu.vector_store %arg10[%swap3A, %swap3A_1173], %select_n3A_1172 {strides = array<i32>} : memref<66x66xf32, #tpu.memory_space<vmem>>, vector<16xf32>,
      %add3A_1175 = arith.addi %sub3A_337, %scan3A_1152 : i32
      %add3A_1176 = arith.constant 16 : i32
      %add3A_1177 = arith.addi %sub3A_338, %add3A_1176 : i32
      %get3A_1178 = arith.index_cast %add3A_1175 : i32 to index
      %get3A_1179 = arith.index_cast %add3A_1177 : i32 to index
      %get3A_1180 = tpu.vector_load %arg8[%get3A_1178, %get3A_1179] {strides = array<i32>} : memref<80x128xf32, #tpu.memory_space<vmem>>, vector<16xf32>,
      %add3A_1181 = arith.addi %sub3A_337, %scan3A_1152 : i32
      %add3A_1182 = arith.constant 16 : i32
      %add3A_1183 = arith.addi %sub3A_338, %add3A_1182 : i32
      %sub3A_1184 = arith.constant 128 : i32
      %sub3A_1185 = arith.subi %add3A_1183, %sub3A_1184 : i32
      %get3A_1186 = arith.index_cast %add3A_1181 : i32 to index
      %get3A_1187 = arith.index_cast %sub3A_1185 : i32 to index
      %get3A_1188 = tpu.vector_load %arg9[%get3A_1186, %get3A_1187] {strides = array<i32>} : memref<80x128xf32, #tpu.memory_space<vmem>>, vector<16xf32>,
      %add3A_1189 = arith.constant 16 : i32
      %add3A_1190 = vector.broadcast %add3A_1189 : i32 to vector<16xi32>
      %add3A_1191 = arith.addi %iota3A, %add3A_1190 : vector<16xi32>
      %lt3A_1192 = vector.broadcast %sub3A_538 : i32 to vector<16xi32>
      %lt3A_1193 = arith.cmpi slt, %add3A_1191, %lt3A_1192 : vector<16xi32>
      %select_n3A_1194 = arith.select %lt3A_1193, %get3A_1180, %get3A_1188 : vector<16xi1>, vector<16xf32>
      %swap3A_1195 = arith.index_cast %scan3A_1152 : i32 to index
      %swap3A_1196 = arith.constant 16 : index
      %swap3A_1197 = tpu.vector_load %arg10[%swap3A_1195, %swap3A_1196] {strides = array<i32>} : memref<66x66xf32, #tpu.memory_space<vmem>>, vector<16xf32>,
      tpu.vector_store %arg10[%swap3A_1195, %swap3A_1196], %select_n3A_1194 {strides = array<i32>} : memref<66x66xf32, #tpu.memory_space<vmem>>, vector<16xf32>,
      %add3A_1198 = arith.addi %sub3A_337, %scan3A_1152 : i32
      %add3A_1199 = arith.constant 32 : i32
      %add3A_1200 = arith.addi %sub3A_338, %add3A_1199 : i32
      %get3A_1201 = arith.index_cast %add3A_1198 : i32 to index
      %get3A_1202 = arith.index_cast %add3A_1200 : i32 to index
      %get3A_1203 = tpu.vector_load %arg8[%get3A_1201, %get3A_1202] {strides = array<i32>} : memref<80x128xf32, #tpu.memory_space<vmem>>, vector<16xf32>,
      %add3A_1204 = arith.addi %sub3A_337, %scan3A_1152 : i32
      %add3A_1205 = arith.constant 32 : i32
      %add3A_1206 = arith.addi %sub3A_338, %add3A_1205 : i32
      %sub3A_1207 = arith.constant 128 : i32
      %sub3A_1208 = arith.subi %add3A_1206, %sub3A_1207 : i32
      %get3A_1209 = arith.index_cast %add3A_1204 : i32 to index
      %get3A_1210 = arith.index_cast %sub3A_1208 : i32 to index
      %get3A_1211 = tpu.vector_load %arg9[%get3A_1209, %get3A_1210] {strides = array<i32>} : memref<80x128xf32, #tpu.memory_space<vmem>>, vector<16xf32>,
      %add3A_1212 = arith.constant 32 : i32
      %add3A_1213 = vector.broadcast %add3A_1212 : i32 to vector<16xi32>
      %add3A_1214 = arith.addi %iota3A, %add3A_1213 : vector<16xi32>
      %lt3A_1215 = vector.broadcast %sub3A_538 : i32 to vector<16xi32>
      %lt3A_1216 = arith.cmpi slt, %add3A_1214, %lt3A_1215 : vector<16xi32>
      %select_n3A_1217 = arith.select %lt3A_1216, %get3A_1203, %get3A_1211 : vector<16xi1>, vector<16xf32>
      %swap3A_1218 = arith.index_cast %scan3A_1152 : i32 to index
      %swap3A_1219 = arith.constant 32 : index
      %swap3A_1220 = tpu.vector_load %arg10[%swap3A_1218, %swap3A_1219] {strides = array<i32>} : memref<66x66xf32, #tpu.memory_space<vmem>>, vector<16xf32>,
      tpu.vector_store %arg10[%swap3A_1218, %swap3A_1219], %select_n3A_1217 {strides = array<i32>} : memref<66x66xf32, #tpu.memory_space<vmem>>, vector<16xf32>,
      %add3A_1221 = arith.addi %sub3A_337, %scan3A_1152 : i32
      %add3A_1222 = arith.constant 48 : i32
      %add3A_1223 = arith.addi %sub3A_338, %add3A_1222 : i32
      %get3A_1224 = arith.index_cast %add3A_1221 : i32 to index
      %get3A_1225 = arith.index_cast %add3A_1223 : i32 to index
      %get3A_1226 = tpu.vector_load %arg8[%get3A_1224, %get3A_1225] {strides = array<i32>} : memref<80x128xf32, #tpu.memory_space<vmem>>, vector<16xf32>,
      %add3A_1227 = arith.addi %sub3A_337, %scan3A_1152 : i32
      %add3A_1228 = arith.constant 48 : i32
      %add3A_1229 = arith.addi %sub3A_338, %add3A_1228 : i32
      %sub3A_1230 = arith.constant 128 : i32
      %sub3A_1231 = arith.subi %add3A_1229, %sub3A_1230 : i32
      %get3A_1232 = arith.index_cast %add3A_1227 : i32 to index
      %get3A_1233 = arith.index_cast %sub3A_1231 : i32 to index
      %get3A_1234 = tpu.vector_load %arg9[%get3A_1232, %get3A_1233] {strides = array<i32>} : memref<80x128xf32, #tpu.memory_space<vmem>>, vector<16xf32>,
      %add3A_1235 = arith.constant 48 : i32
      %add3A_1236 = vector.broadcast %add3A_1235 : i32 to vector<16xi32>
      %add3A_1237 = arith.addi %iota3A, %add3A_1236 : vector<16xi32>
      %lt3A_1238 = vector.broadcast %sub3A_538 : i32 to vector<16xi32>
      %lt3A_1239 = arith.cmpi slt, %add3A_1237, %lt3A_1238 : vector<16xi32>
      %select_n3A_1240 = arith.select %lt3A_1239, %get3A_1226, %get3A_1234 : vector<16xi1>, vector<16xf32>
      %swap3A_1241 = arith.index_cast %scan3A_1152 : i32 to index
      %swap3A_1242 = arith.constant 48 : index
      %swap3A_1243 = tpu.vector_load %arg10[%swap3A_1241, %swap3A_1242] {strides = array<i32>} : memref<66x66xf32, #tpu.memory_space<vmem>>, vector<16xf32>,
      tpu.vector_store %arg10[%swap3A_1241, %swap3A_1242], %select_n3A_1240 {strides = array<i32>} : memref<66x66xf32, #tpu.memory_space<vmem>>, vector<16xf32>,
      %add3A_1244 = arith.addi %sub3A_337, %scan3A_1152 : i32
      %add3A_1245 = arith.constant 50 : i32
      %add3A_1246 = arith.addi %sub3A_338, %add3A_1245 : i32
      %get3A_1247 = arith.index_cast %add3A_1244 : i32 to index
      %get3A_1248 = arith.index_cast %add3A_1246 : i32 to index
      %get3A_1249 = tpu.vector_load %arg8[%get3A_1247, %get3A_1248] {strides = array<i32>} : memref<80x128xf32, #tpu.memory_space<vmem>>, vector<16xf32>,
      %add3A_1250 = arith.addi %sub3A_337, %scan3A_1152 : i32
      %add3A_1251 = arith.constant 50 : i32
      %add3A_1252 = arith.addi %sub3A_338, %add3A_1251 : i32
      %sub3A_1253 = arith.constant 128 : i32
      %sub3A_1254 = arith.subi %add3A_1252, %sub3A_1253 : i32
      %get3A_1255 = arith.index_cast %add3A_1250 : i32 to index
      %get3A_1256 = arith.index_cast %sub3A_1254 : i32 to index
      %get3A_1257 = tpu.vector_load %arg9[%get3A_1255, %get3A_1256] {strides = array<i32>} : memref<80x128xf32, #tpu.memory_space<vmem>>, vector<16xf32>,
      %add3A_1258 = arith.constant 50 : i32
      %add3A_1259 = vector.broadcast %add3A_1258 : i32 to vector<16xi32>
      %add3A_1260 = arith.addi %iota3A, %add3A_1259 : vector<16xi32>
      %lt3A_1261 = vector.broadcast %sub3A_538 : i32 to vector<16xi32>
      %lt3A_1262 = arith.cmpi slt, %add3A_1260, %lt3A_1261 : vector<16xi32>
      %select_n3A_1263 = arith.select %lt3A_1262, %get3A_1249, %get3A_1257 : vector<16xi1>, vector<16xf32>
      %swap3A_1264 = arith.index_cast %scan3A_1152 : i32 to index
      %swap3A_1265 = arith.constant 50 : index
      %swap3A_1266 = tpu.vector_load %arg10[%swap3A_1264, %swap3A_1265] {strides = array<i32>} : memref<66x66xf32, #tpu.memory_space<vmem>>, vector<16xf32>,
      tpu.vector_store %arg10[%swap3A_1264, %swap3A_1265], %select_n3A_1263 {strides = array<i32>} : memref<66x66xf32, #tpu.memory_space<vmem>>, vector<16xf32>,
      %scan3A_1267 = arith.constant 0 : i32
      scf.yield %scan3A_1267 : i32
    }
    %scan3A_545 = arith.constant 66 : i32
    "tpu.region"() ({
      %run_scoped3A = tpu.sem_alloc : memref<!tpu.dma_semaphore, #tpu.memory_space<semaphore_mem>>
      %dma_start3A_1152 = arith.constant 0 : i32
      %dma_start3A_1153 = arith.constant 0 : i32
      %dma_start3A_1154 = tpu.memref_slice %arg4[%add3A_536, %dma_start3A_1152, %dma_start3A_1153] : memref<192x66x66xf32, #tpu.memory_space<hbm>> -> memref<1x66x66xf32, #tpu.memory_space<hbm>>
      %dma_start3A_1155 = tpu.memref_squeeze %dma_start3A_1154 : memref<1x66x66xf32, #tpu.memory_space<hbm>> -> memref<66x66xf32, #tpu.memory_space<hbm>>
      %dma_start3A_1156 = arith.constant 0 : i32
      %dma_start3A_1157 = arith.constant 0 : i32
      %dma_start3A_1158 = tpu.memref_slice %arg4[%add3A_536, %dma_start3A_1156, %dma_start3A_1157] : memref<192x66x66xf32, #tpu.memory_space<hbm>> -> memref<1x66x66xf32, #tpu.memory_space<hbm>>
      %dma_start3A_1159 = tpu.memref_squeeze %dma_start3A_1158 : memref<1x66x66xf32, #tpu.memory_space<hbm>> -> memref<66x66xf32, #tpu.memory_space<hbm>>
      tpu.enqueue_dma source(%arg10 : memref<66x66xf32, #tpu.memory_space<vmem>>) target(%dma_start3A_1159 : memref<66x66xf32, #tpu.memory_space<hbm>>) target_semaphore(%run_scoped3A : memref<!tpu.dma_semaphore, #tpu.memory_space<semaphore_mem>>)
      %dma_wait3A_1160 = arith.constant 0 : i32
      %dma_wait3A_1161 = arith.constant 0 : i32
      %dma_wait3A_1162 = tpu.memref_slice %arg4[%add3A_536, %dma_wait3A_1160, %dma_wait3A_1161] : memref<192x66x66xf32, #tpu.memory_space<hbm>> -> memref<1x66x66xf32, #tpu.memory_space<hbm>>
      %dma_wait3A_1163 = tpu.memref_squeeze %dma_wait3A_1162 : memref<1x66x66xf32, #tpu.memory_space<hbm>> -> memref<66x66xf32, #tpu.memory_space<hbm>>
      %dma_wait3A_1164 = arith.constant 0 : i32
      %dma_wait3A_1165 = arith.constant 0 : i32
      %dma_wait3A_1166 = tpu.memref_slice %arg4[%add3A_536, %dma_wait3A_1164, %dma_wait3A_1165] : memref<192x66x66xf32, #tpu.memory_space<hbm>> -> memref<1x66x66xf32, #tpu.memory_space<hbm>>
      %dma_wait3A_1167 = tpu.memref_squeeze %dma_wait3A_1166 : memref<1x66x66xf32, #tpu.memory_space<hbm>> -> memref<66x66xf32, #tpu.memory_space<hbm>>
      tpu.wait_dma2 semaphore(%run_scoped3A : memref<!tpu.dma_semaphore, #tpu.memory_space<semaphore_mem>>) src(%arg10 : memref<66x66xf32, #tpu.memory_space<vmem>>) dst(%dma_wait3A_1167 : memref<66x66xf32, #tpu.memory_space<hbm>>)
      tpu.yield
    }) : () -> ()
    %dma_wait3A_546 = tpu.memref_slice %arg2[%select_n3A_386, %sub3A_458, %multiple_of3A_487, %multiple_of3A_519] : memref<64x3x512x512xf32, #tpu.memory_space<hbm>> -> memref<1x1x80x128xf32, #tpu.memory_space<hbm>>
    %dma_wait3A_547 = tpu.memref_squeeze %dma_wait3A_546 : memref<1x1x80x128xf32, #tpu.memory_space<hbm>> -> memref<80x128xf32, #tpu.memory_space<hbm>>
    %dma_wait3A_548 = tpu.memref_slice %arg2[%select_n3A_386, %sub3A_458, %multiple_of3A_487, %multiple_of3A_519] : memref<64x3x512x512xf32, #tpu.memory_space<hbm>> -> memref<1x1x80x128xf32, #tpu.memory_space<hbm>>
    %dma_wait3A_549 = tpu.memref_squeeze %dma_wait3A_548 : memref<1x1x80x128xf32, #tpu.memory_space<hbm>> -> memref<80x128xf32, #tpu.memory_space<hbm>>
    tpu.wait_dma2 semaphore(%arg11 : memref<!tpu.dma_semaphore, #tpu.memory_space<semaphore_mem>>) src(%dma_wait3A_549 : memref<80x128xf32, #tpu.memory_space<hbm>>) dst(%arg6 : memref<80x128xf32, #tpu.memory_space<vmem>>)
    %dma_wait3A_550 = tpu.memref_slice %arg2[%select_n3A_386, %sub3A_458, %multiple_of3A_487, %multiple_of3A_526] : memref<64x3x512x512xf32, #tpu.memory_space<hbm>> -> memref<1x1x80x128xf32, #tpu.memory_space<hbm>>
    %dma_wait3A_551 = tpu.memref_squeeze %dma_wait3A_550 : memref<1x1x80x128xf32, #tpu.memory_space<hbm>> -> memref<80x128xf32, #tpu.memory_space<hbm>>
    %dma_wait3A_552 = tpu.memref_slice %arg2[%select_n3A_386, %sub3A_458, %multiple_of3A_487, %multiple_of3A_526] : memref<64x3x512x512xf32, #tpu.memory_space<hbm>> -> memref<1x1x80x128xf32, #tpu.memory_space<hbm>>
    %dma_wait3A_553 = tpu.memref_squeeze %dma_wait3A_552 : memref<1x1x80x128xf32, #tpu.memory_space<hbm>> -> memref<80x128xf32, #tpu.memory_space<hbm>>
    tpu.wait_dma2 semaphore(%arg11 : memref<!tpu.dma_semaphore, #tpu.memory_space<semaphore_mem>>) src(%dma_wait3A_553 : memref<80x128xf32, #tpu.memory_space<hbm>>) dst(%arg7 : memref<80x128xf32, #tpu.memory_space<vmem>>)
    %mul3A_554 = arith.constant 6 : i32
    %mul3A_555 = arith.muli %add3A, %mul3A_554 : i32
    %add3A_556 = arith.constant 3 : i32
    %add3A_557 = arith.addi %mul3A_555, %add3A_556 : i32
    %jit3A_558 = arith.constant 3 : i32
    %div3A_559 = arith.divsi %add3A_557, %jit3A_558 : i32
    %sign3A_560 = arith.constant 0 : i32
    %sign3A_561 = arith.cmpi sgt, %add3A_557, %sign3A_560 : i32
    %sign3A_562 = arith.extui %sign3A_561 : i1 to i32
    %sign3A_563 = arith.constant 0 : i32
    %sign3A_564 = arith.cmpi slt, %add3A_557, %sign3A_563 : i32
    %sign3A_565 = arith.extui %sign3A_564 : i1 to i32
    %sign3A_566 = arith.subi %sign3A_562, %sign3A_565 : i32
    %sign3A_567 = arith.constant 0 : i32
    %sign3A_568 = arith.cmpi sgt, %jit3A_558, %sign3A_567 : i32
    %sign3A_569 = arith.extui %sign3A_568 : i1 to i32
    %sign3A_570 = arith.constant 0 : i32
    %sign3A_571 = arith.cmpi slt, %jit3A_558, %sign3A_570 : i32
    %sign3A_572 = arith.extui %sign3A_571 : i1 to i32
    %sign3A_573 = arith.subi %sign3A_569, %sign3A_572 : i32
    %ne3A_574 = arith.cmpi ne, %sign3A_566, %sign3A_573 : i32
    %rem3A_575 = arith.remsi %add3A_557, %jit3A_558 : i32
    %ne3A_576 = arith.constant 0 : i32
    %ne3A_577 = arith.cmpi ne, %rem3A_575, %ne3A_576 : i32
    %and3A_578 = arith.andi %ne3A_574, %ne3A_577 : i1
    %sub3A_579 = arith.constant 1 : i32
    %sub3A_580 = arith.subi %div3A_559, %sub3A_579 : i32
    %select_n3A_581 = arith.select %and3A_578, %sub3A_580, %div3A_559 : i32
    %mul3A_582 = arith.constant 2 : i32
    %mul3A_583 = arith.muli %mul3A_582, %select_n3A_581 : i32
    %jit3A_584 = arith.constant 16 : i32
    %div3A_585 = arith.divsi %mul3A_583, %jit3A_584 : i32
    %sign3A_586 = arith.constant 0 : i32
    %sign3A_587 = arith.cmpi sgt, %mul3A_583, %sign3A_586 : i32
    %sign3A_588 = arith.extui %sign3A_587 : i1 to i32
    %sign3A_589 = arith.constant 0 : i32
    %sign3A_590 = arith.cmpi slt, %mul3A_583, %sign3A_589 : i32
    %sign3A_591 = arith.extui %sign3A_590 : i1 to i32
    %sign3A_592 = arith.subi %sign3A_588, %sign3A_591 : i32
    %sign3A_593 = arith.constant 0 : i32
    %sign3A_594 = arith.cmpi sgt, %jit3A_584, %sign3A_593 : i32
    %sign3A_595 = arith.extui %sign3A_594 : i1 to i32
    %sign3A_596 = arith.constant 0 : i32
    %sign3A_597 = arith.cmpi slt, %jit3A_584, %sign3A_596 : i32
    %sign3A_598 = arith.extui %sign3A_597 : i1 to i32
    %sign3A_599 = arith.subi %sign3A_595, %sign3A_598 : i32
    %ne3A_600 = arith.cmpi ne, %sign3A_592, %sign3A_599 : i32
    %rem3A_601 = arith.remsi %mul3A_583, %jit3A_584 : i32
    %ne3A_602 = arith.constant 0 : i32
    %ne3A_603 = arith.cmpi ne, %rem3A_601, %ne3A_602 : i32
    %and3A_604 = arith.andi %ne3A_600, %ne3A_603 : i1
    %sub3A_605 = arith.constant 1 : i32
    %sub3A_606 = arith.subi %div3A_585, %sub3A_605 : i32
    %select_n3A_607 = arith.select %and3A_604, %sub3A_606, %div3A_585 : i32
    %mul3A_608 = arith.constant 16 : i32
    %mul3A_609 = arith.muli %select_n3A_607, %mul3A_608 : i32
    %sub3A_610 = arith.subi %mul3A_583, %mul3A_609 : i32
    %get3A_611 = arith.index_cast %mul3A_609 : i32 to index
    %get3A_612 = tpu.vector_load %arg5[%get3A_611] {strides = array<i32>} : memref<128xf32, #tpu.memory_space<vmem>>, vector<16xf32>,
    %mul3A_613 = arith.constant 4.460000e+02 : f32
    %mul3A_614 = vector.broadcast %mul3A_613 : f32 to vector<16xf32>
    %mul3A_615 = arith.mulf %get3A_612, %mul3A_614 : vector<16xf32>
    %convert_element_type3A_616 = arith.fptosi %mul3A_615 : vector<16xf32> to vector<16xi32>
    %max3A_617 = arith.constant 0 : i32
    %max3A_618 = vector.broadcast %max3A_617 : i32 to vector<16xi32>
    %max3A_619 = arith.maxsi %convert_element_type3A_616, %max3A_618 : vector<16xi32>
    %min3A_620 = arith.constant 446 : i32
    %min3A_621 = vector.broadcast %min3A_620 : i32 to vector<16xi32>
    %min3A_622 = arith.minsi %max3A_619, %min3A_621 : vector<16xi32>
    %eq3A_623 = vector.broadcast %sub3A_610 : i32 to vector<16xi32>
    %eq3A_624 = arith.cmpi eq, %iota3A, %eq3A_623 : vector<16xi32>
    %jit3A_625 = arith.constant 0 : i32
    %broadcast_in_dim3A_626 = vector.broadcast %jit3A_625 : i32 to vector<16xi32>
    %select_n3A_627 = arith.select %eq3A_624, %min3A_622, %broadcast_in_dim3A_626 : vector<16xi1>, vector<16xi32>
    %reduce_max3A_628 = arith.constant true
    %reduce_max3A_629 = vector.broadcast %reduce_max3A_628 : i1 to vector<16xi1>
    %reduce_max3A_630 = arith.constant -2147483648 : i32
    %reduce_max3A_631 = vector.broadcast %reduce_max3A_630 : i32 to vector<16xi32>
    %reduce_max3A_632 = arith.xori %select_n3A_627, %reduce_max3A_631 : vector<16xi32>
    %reduce_max3A_633 = tpu.scan <max>, %reduce_max3A_632 masked %reduce_max3A_629 : vector<16xi32>, vector<16xi1> -> vector<16xi32>
    %reduce_max3A_634 = arith.xori %reduce_max3A_633, %reduce_max3A_631 : vector<16xi32>
    %reduce_max3A_635 = vector.extract %reduce_max3A_634[15] : i32 from vector<16xi32>
    %add3A_636 = arith.constant 1 : i32
    %add3A_637 = arith.addi %sub3A_610, %add3A_636 : i32
    %eq3A_638 = vector.broadcast %add3A_637 : i32 to vector<16xi32>
    %eq3A_639 = arith.cmpi eq, %iota3A, %eq3A_638 : vector<16xi32>
    %jit3A_640 = arith.constant 0 : i32
    %broadcast_in_dim3A_641 = vector.broadcast %jit3A_640 : i32 to vector<16xi32>
    %select_n3A_642 = arith.select %eq3A_639, %min3A_622, %broadcast_in_dim3A_641 : vector<16xi1>, vector<16xi32>
    %reduce_max3A_643 = arith.constant true
    %reduce_max3A_644 = vector.broadcast %reduce_max3A_643 : i1 to vector<16xi1>
    %reduce_max3A_645 = arith.constant -2147483648 : i32
    %reduce_max3A_646 = vector.broadcast %reduce_max3A_645 : i32 to vector<16xi32>
    %reduce_max3A_647 = arith.xori %select_n3A_642, %reduce_max3A_646 : vector<16xi32>
    %reduce_max3A_648 = tpu.scan <max>, %reduce_max3A_647 masked %reduce_max3A_644 : vector<16xi32>, vector<16xi1> -> vector<16xi32>
    %reduce_max3A_649 = arith.xori %reduce_max3A_648, %reduce_max3A_646 : vector<16xi32>
    %reduce_max3A_650 = vector.extract %reduce_max3A_649[15] : i32 from vector<16xi32>
    %mul3A_651 = arith.constant 3 : i32
    %mul3A_652 = arith.muli %select_n3A_581, %mul3A_651 : i32
    %sub3A_653 = arith.subi %add3A_557, %mul3A_652 : i32
    %jit3A_654 = arith.constant 8 : i32
    %div3A_655 = arith.divsi %reduce_max3A_635, %jit3A_654 : i32
    %sign3A_656 = arith.constant 0 : i32
    %sign3A_657 = arith.cmpi sgt, %reduce_max3A_635, %sign3A_656 : i32
    %sign3A_658 = arith.extui %sign3A_657 : i1 to i32
    %sign3A_659 = arith.constant 0 : i32
    %sign3A_660 = arith.cmpi slt, %reduce_max3A_635, %sign3A_659 : i32
    %sign3A_661 = arith.extui %sign3A_660 : i1 to i32
    %sign3A_662 = arith.subi %sign3A_658, %sign3A_661 : i32
    %sign3A_663 = arith.constant 0 : i32
    %sign3A_664 = arith.cmpi sgt, %jit3A_654, %sign3A_663 : i32
    %sign3A_665 = arith.extui %sign3A_664 : i1 to i32
    %sign3A_666 = arith.constant 0 : i32
    %sign3A_667 = arith.cmpi slt, %jit3A_654, %sign3A_666 : i32
    %sign3A_668 = arith.extui %sign3A_667 : i1 to i32
    %sign3A_669 = arith.subi %sign3A_665, %sign3A_668 : i32
    %ne3A_670 = arith.cmpi ne, %sign3A_662, %sign3A_669 : i32
    %rem3A_671 = arith.remsi %reduce_max3A_635, %jit3A_654 : i32
    %ne3A_672 = arith.constant 0 : i32
    %ne3A_673 = arith.cmpi ne, %rem3A_671, %ne3A_672 : i32
    %and3A_674 = arith.andi %ne3A_670, %ne3A_673 : i1
    %sub3A_675 = arith.constant 1 : i32
    %sub3A_676 = arith.subi %div3A_655, %sub3A_675 : i32
    %select_n3A_677 = arith.select %and3A_674, %sub3A_676, %div3A_655 : i32
    %mul3A_678 = arith.constant 8 : i32
    %mul3A_679 = arith.muli %select_n3A_677, %mul3A_678 : i32
    %min3A_680 = arith.constant 432 : i32
    %min3A_681 = arith.minsi %mul3A_679, %min3A_680 : i32
    %multiple_of3A_682 = tpu.assume_multiple %min3A_681, 8 : i32
    %jit3A_683 = arith.constant 128 : i32
    %div3A_684 = arith.divsi %reduce_max3A_650, %jit3A_683 : i32
    %sign3A_685 = arith.constant 0 : i32
    %sign3A_686 = arith.cmpi sgt, %reduce_max3A_650, %sign3A_685 : i32
    %sign3A_687 = arith.extui %sign3A_686 : i1 to i32
    %sign3A_688 = arith.constant 0 : i32
    %sign3A_689 = arith.cmpi slt, %reduce_max3A_650, %sign3A_688 : i32
    %sign3A_690 = arith.extui %sign3A_689 : i1 to i32
    %sign3A_691 = arith.subi %sign3A_687, %sign3A_690 : i32
    %sign3A_692 = arith.constant 0 : i32
    %sign3A_693 = arith.cmpi sgt, %jit3A_683, %sign3A_692 : i32
    %sign3A_694 = arith.extui %sign3A_693 : i1 to i32
    %sign3A_695 = arith.constant 0 : i32
    %sign3A_696 = arith.cmpi slt, %jit3A_683, %sign3A_695 : i32
    %sign3A_697 = arith.extui %sign3A_696 : i1 to i32
    %sign3A_698 = arith.subi %sign3A_694, %sign3A_697 : i32
    %ne3A_699 = arith.cmpi ne, %sign3A_691, %sign3A_698 : i32
    %rem3A_700 = arith.remsi %reduce_max3A_650, %jit3A_683 : i32
    %ne3A_701 = arith.constant 0 : i32
    %ne3A_702 = arith.cmpi ne, %rem3A_700, %ne3A_701 : i32
    %and3A_703 = arith.andi %ne3A_699, %ne3A_702 : i1
    %sub3A_704 = arith.constant 1 : i32
    %sub3A_705 = arith.subi %div3A_684, %sub3A_704 : i32
    %select_n3A_706 = arith.select %and3A_703, %sub3A_705, %div3A_684 : i32
    %mul3A_707 = arith.constant 128 : i32
    %mul3A_708 = arith.muli %select_n3A_706, %mul3A_707 : i32
    %min3A_709 = arith.constant 256 : i32
    %min3A_710 = arith.minsi %mul3A_708, %min3A_709 : i32
    %multiple_of3A_711 = tpu.assume_multiple %min3A_710, 128 : i32
    %add3A_712 = arith.constant 0 : i32
    %add3A_713 = arith.addi %multiple_of3A_711, %add3A_712 : i32
    %multiple_of3A_714 = tpu.assume_multiple %add3A_713, 128 : i32
    %dma_start3A_715 = tpu.memref_slice %arg2[%select_n3A_581, %sub3A_653, %multiple_of3A_682, %multiple_of3A_714] : memref<64x3x512x512xf32, #tpu.memory_space<hbm>> -> memref<1x1x80x128xf32, #tpu.memory_space<hbm>>
    %dma_start3A_716 = tpu.memref_squeeze %dma_start3A_715 : memref<1x1x80x128xf32, #tpu.memory_space<hbm>> -> memref<80x128xf32, #tpu.memory_space<hbm>>
    %dma_start3A_717 = tpu.memref_slice %arg2[%select_n3A_581, %sub3A_653, %multiple_of3A_682, %multiple_of3A_714] : memref<64x3x512x512xf32, #tpu.memory_space<hbm>> -> memref<1x1x80x128xf32, #tpu.memory_space<hbm>>
    %dma_start3A_718 = tpu.memref_squeeze %dma_start3A_717 : memref<1x1x80x128xf32, #tpu.memory_space<hbm>> -> memref<80x128xf32, #tpu.memory_space<hbm>>
    tpu.enqueue_dma source(%dma_start3A_718 : memref<80x128xf32, #tpu.memory_space<hbm>>) target(%arg8 : memref<80x128xf32, #tpu.memory_space<vmem>>) target_semaphore(%arg12 : memref<!tpu.dma_semaphore, #tpu.memory_space<semaphore_mem>>)
    %add3A_719 = arith.constant 128 : i32
    %add3A_720 = arith.addi %multiple_of3A_711, %add3A_719 : i32
    %multiple_of3A_721 = tpu.assume_multiple %add3A_720, 128 : i32
    %dma_start3A_722 = tpu.memref_slice %arg2[%select_n3A_581, %sub3A_653, %multiple_of3A_682, %multiple_of3A_721] : memref<64x3x512x512xf32, #tpu.memory_space<hbm>> -> memref<1x1x80x128xf32, #tpu.memory_space<hbm>>
    %dma_start3A_723 = tpu.memref_squeeze %dma_start3A_722 : memref<1x1x80x128xf32, #tpu.memory_space<hbm>> -> memref<80x128xf32, #tpu.memory_space<hbm>>
    %dma_start3A_724 = tpu.memref_slice %arg2[%select_n3A_581, %sub3A_653, %multiple_of3A_682, %multiple_of3A_721] : memref<64x3x512x512xf32, #tpu.memory_space<hbm>> -> memref<1x1x80x128xf32, #tpu.memory_space<hbm>>
    %dma_start3A_725 = tpu.memref_squeeze %dma_start3A_724 : memref<1x1x80x128xf32, #tpu.memory_space<hbm>> -> memref<80x128xf32, #tpu.memory_space<hbm>>
    tpu.enqueue_dma source(%dma_start3A_725 : memref<80x128xf32, #tpu.memory_space<hbm>>) target(%arg9 : memref<80x128xf32, #tpu.memory_space<vmem>>) target_semaphore(%arg12 : memref<!tpu.dma_semaphore, #tpu.memory_space<semaphore_mem>>)
    %sub3A_726 = arith.subi %reduce_max3A_635, %multiple_of3A_682 : i32
    %sub3A_727 = arith.subi %reduce_max3A_650, %multiple_of3A_711 : i32
    %mul3A_728 = arith.constant 6 : i32
    %mul3A_729 = arith.muli %add3A, %mul3A_728 : i32
    %add3A_730 = arith.constant 2 : i32
    %add3A_731 = arith.addi %mul3A_729, %add3A_730 : i32
    %sub3A_732 = arith.constant 128 : i32
    %sub3A_733 = arith.subi %sub3A_732, %sub3A_532 : i32
    %scan3A_734 = arith.constant 0 : i32
    %scan3A_735 = arith.constant 0 : i32
    %scan3A_736 = arith.constant 66 : i32
    %scan3A_737 = arith.addi %scan3A_735, %scan3A_736 : i32
    %scan3A_738 = arith.constant 1 : i32
    %scan3A_739 = scf.for %scan3A_1152 = %scan3A_735 to %scan3A_737 step %scan3A_738 iter_args(%scan3A_1153 = %scan3A_734) -> (i32)  : i32 {
      %add3A_1154 = arith.addi %sub3A_531, %scan3A_1152 : i32
      %add3A_1155 = arith.constant 0 : i32
      %add3A_1156 = arith.addi %sub3A_532, %add3A_1155 : i32
      %get3A_1157 = arith.index_cast %add3A_1154 : i32 to index
      %get3A_1158 = arith.index_cast %add3A_1156 : i32 to index
      %get3A_1159 = tpu.vector_load %arg6[%get3A_1157, %get3A_1158] {strides = array<i32>} : memref<80x128xf32, #tpu.memory_space<vmem>>, vector<16xf32>,
      %add3A_1160 = arith.addi %sub3A_531, %scan3A_1152 : i32
      %add3A_1161 = arith.constant 0 : i32
      %add3A_1162 = arith.addi %sub3A_532, %add3A_1161 : i32
      %sub3A_1163 = arith.constant 128 : i32
      %sub3A_1164 = arith.subi %add3A_1162, %sub3A_1163 : i32
      %get3A_1165 = arith.index_cast %add3A_1160 : i32 to index
      %get3A_1166 = arith.index_cast %sub3A_1164 : i32 to index
      %get3A_1167 = tpu.vector_load %arg7[%get3A_1165, %get3A_1166] {strides = array<i32>} : memref<80x128xf32, #tpu.memory_space<vmem>>, vector<16xf32>,
      %add3A_1168 = arith.constant 0 : i32
      %add3A_1169 = vector.broadcast %add3A_1168 : i32 to vector<16xi32>
      %add3A_1170 = arith.addi %iota3A, %add3A_1169 : vector<16xi32>
      %lt3A = vector.broadcast %sub3A_733 : i32 to vector<16xi32>
      %lt3A_1171 = arith.cmpi slt, %add3A_1170, %lt3A : vector<16xi32>
      %select_n3A_1172 = arith.select %lt3A_1171, %get3A_1159, %get3A_1167 : vector<16xi1>, vector<16xf32>
      %swap3A = arith.index_cast %scan3A_1152 : i32 to index
      %swap3A_1173 = arith.constant 0 : index
      %swap3A_1174 = tpu.vector_load %arg10[%swap3A, %swap3A_1173] {strides = array<i32>} : memref<66x66xf32, #tpu.memory_space<vmem>>, vector<16xf32>,
      tpu.vector_store %arg10[%swap3A, %swap3A_1173], %select_n3A_1172 {strides = array<i32>} : memref<66x66xf32, #tpu.memory_space<vmem>>, vector<16xf32>,
      %add3A_1175 = arith.addi %sub3A_531, %scan3A_1152 : i32
      %add3A_1176 = arith.constant 16 : i32
      %add3A_1177 = arith.addi %sub3A_532, %add3A_1176 : i32
      %get3A_1178 = arith.index_cast %add3A_1175 : i32 to index
      %get3A_1179 = arith.index_cast %add3A_1177 : i32 to index
      %get3A_1180 = tpu.vector_load %arg6[%get3A_1178, %get3A_1179] {strides = array<i32>} : memref<80x128xf32, #tpu.memory_space<vmem>>, vector<16xf32>,
      %add3A_1181 = arith.addi %sub3A_531, %scan3A_1152 : i32
      %add3A_1182 = arith.constant 16 : i32
      %add3A_1183 = arith.addi %sub3A_532, %add3A_1182 : i32
      %sub3A_1184 = arith.constant 128 : i32
      %sub3A_1185 = arith.subi %add3A_1183, %sub3A_1184 : i32
      %get3A_1186 = arith.index_cast %add3A_1181 : i32 to index
      %get3A_1187 = arith.index_cast %sub3A_1185 : i32 to index
      %get3A_1188 = tpu.vector_load %arg7[%get3A_1186, %get3A_1187] {strides = array<i32>} : memref<80x128xf32, #tpu.memory_space<vmem>>, vector<16xf32>,
      %add3A_1189 = arith.constant 16 : i32
      %add3A_1190 = vector.broadcast %add3A_1189 : i32 to vector<16xi32>
      %add3A_1191 = arith.addi %iota3A, %add3A_1190 : vector<16xi32>
      %lt3A_1192 = vector.broadcast %sub3A_733 : i32 to vector<16xi32>
      %lt3A_1193 = arith.cmpi slt, %add3A_1191, %lt3A_1192 : vector<16xi32>
      %select_n3A_1194 = arith.select %lt3A_1193, %get3A_1180, %get3A_1188 : vector<16xi1>, vector<16xf32>
      %swap3A_1195 = arith.index_cast %scan3A_1152 : i32 to index
      %swap3A_1196 = arith.constant 16 : index
      %swap3A_1197 = tpu.vector_load %arg10[%swap3A_1195, %swap3A_1196] {strides = array<i32>} : memref<66x66xf32, #tpu.memory_space<vmem>>, vector<16xf32>,
      tpu.vector_store %arg10[%swap3A_1195, %swap3A_1196], %select_n3A_1194 {strides = array<i32>} : memref<66x66xf32, #tpu.memory_space<vmem>>, vector<16xf32>,
      %add3A_1198 = arith.addi %sub3A_531, %scan3A_1152 : i32
      %add3A_1199 = arith.constant 32 : i32
      %add3A_1200 = arith.addi %sub3A_532, %add3A_1199 : i32
      %get3A_1201 = arith.index_cast %add3A_1198 : i32 to index
      %get3A_1202 = arith.index_cast %add3A_1200 : i32 to index
      %get3A_1203 = tpu.vector_load %arg6[%get3A_1201, %get3A_1202] {strides = array<i32>} : memref<80x128xf32, #tpu.memory_space<vmem>>, vector<16xf32>,
      %add3A_1204 = arith.addi %sub3A_531, %scan3A_1152 : i32
      %add3A_1205 = arith.constant 32 : i32
      %add3A_1206 = arith.addi %sub3A_532, %add3A_1205 : i32
      %sub3A_1207 = arith.constant 128 : i32
      %sub3A_1208 = arith.subi %add3A_1206, %sub3A_1207 : i32
      %get3A_1209 = arith.index_cast %add3A_1204 : i32 to index
      %get3A_1210 = arith.index_cast %sub3A_1208 : i32 to index
      %get3A_1211 = tpu.vector_load %arg7[%get3A_1209, %get3A_1210] {strides = array<i32>} : memref<80x128xf32, #tpu.memory_space<vmem>>, vector<16xf32>,
      %add3A_1212 = arith.constant 32 : i32
      %add3A_1213 = vector.broadcast %add3A_1212 : i32 to vector<16xi32>
      %add3A_1214 = arith.addi %iota3A, %add3A_1213 : vector<16xi32>
      %lt3A_1215 = vector.broadcast %sub3A_733 : i32 to vector<16xi32>
      %lt3A_1216 = arith.cmpi slt, %add3A_1214, %lt3A_1215 : vector<16xi32>
      %select_n3A_1217 = arith.select %lt3A_1216, %get3A_1203, %get3A_1211 : vector<16xi1>, vector<16xf32>
      %swap3A_1218 = arith.index_cast %scan3A_1152 : i32 to index
      %swap3A_1219 = arith.constant 32 : index
      %swap3A_1220 = tpu.vector_load %arg10[%swap3A_1218, %swap3A_1219] {strides = array<i32>} : memref<66x66xf32, #tpu.memory_space<vmem>>, vector<16xf32>,
      tpu.vector_store %arg10[%swap3A_1218, %swap3A_1219], %select_n3A_1217 {strides = array<i32>} : memref<66x66xf32, #tpu.memory_space<vmem>>, vector<16xf32>,
      %add3A_1221 = arith.addi %sub3A_531, %scan3A_1152 : i32
      %add3A_1222 = arith.constant 48 : i32
      %add3A_1223 = arith.addi %sub3A_532, %add3A_1222 : i32
      %get3A_1224 = arith.index_cast %add3A_1221 : i32 to index
      %get3A_1225 = arith.index_cast %add3A_1223 : i32 to index
      %get3A_1226 = tpu.vector_load %arg6[%get3A_1224, %get3A_1225] {strides = array<i32>} : memref<80x128xf32, #tpu.memory_space<vmem>>, vector<16xf32>,
      %add3A_1227 = arith.addi %sub3A_531, %scan3A_1152 : i32
      %add3A_1228 = arith.constant 48 : i32
      %add3A_1229 = arith.addi %sub3A_532, %add3A_1228 : i32
      %sub3A_1230 = arith.constant 128 : i32
      %sub3A_1231 = arith.subi %add3A_1229, %sub3A_1230 : i32
      %get3A_1232 = arith.index_cast %add3A_1227 : i32 to index
      %get3A_1233 = arith.index_cast %sub3A_1231 : i32 to index
      %get3A_1234 = tpu.vector_load %arg7[%get3A_1232, %get3A_1233] {strides = array<i32>} : memref<80x128xf32, #tpu.memory_space<vmem>>, vector<16xf32>,
      %add3A_1235 = arith.constant 48 : i32
      %add3A_1236 = vector.broadcast %add3A_1235 : i32 to vector<16xi32>
      %add3A_1237 = arith.addi %iota3A, %add3A_1236 : vector<16xi32>
      %lt3A_1238 = vector.broadcast %sub3A_733 : i32 to vector<16xi32>
      %lt3A_1239 = arith.cmpi slt, %add3A_1237, %lt3A_1238 : vector<16xi32>
      %select_n3A_1240 = arith.select %lt3A_1239, %get3A_1226, %get3A_1234 : vector<16xi1>, vector<16xf32>
      %swap3A_1241 = arith.index_cast %scan3A_1152 : i32 to index
      %swap3A_1242 = arith.constant 48 : index
      %swap3A_1243 = tpu.vector_load %arg10[%swap3A_1241, %swap3A_1242] {strides = array<i32>} : memref<66x66xf32, #tpu.memory_space<vmem>>, vector<16xf32>,
      tpu.vector_store %arg10[%swap3A_1241, %swap3A_1242], %select_n3A_1240 {strides = array<i32>} : memref<66x66xf32, #tpu.memory_space<vmem>>, vector<16xf32>,
      %add3A_1244 = arith.addi %sub3A_531, %scan3A_1152 : i32
      %add3A_1245 = arith.constant 50 : i32
      %add3A_1246 = arith.addi %sub3A_532, %add3A_1245 : i32
      %get3A_1247 = arith.index_cast %add3A_1244 : i32 to index
      %get3A_1248 = arith.index_cast %add3A_1246 : i32 to index
      %get3A_1249 = tpu.vector_load %arg6[%get3A_1247, %get3A_1248] {strides = array<i32>} : memref<80x128xf32, #tpu.memory_space<vmem>>, vector<16xf32>,
      %add3A_1250 = arith.addi %sub3A_531, %scan3A_1152 : i32
      %add3A_1251 = arith.constant 50 : i32
      %add3A_1252 = arith.addi %sub3A_532, %add3A_1251 : i32
      %sub3A_1253 = arith.constant 128 : i32
      %sub3A_1254 = arith.subi %add3A_1252, %sub3A_1253 : i32
      %get3A_1255 = arith.index_cast %add3A_1250 : i32 to index
      %get3A_1256 = arith.index_cast %sub3A_1254 : i32 to index
      %get3A_1257 = tpu.vector_load %arg7[%get3A_1255, %get3A_1256] {strides = array<i32>} : memref<80x128xf32, #tpu.memory_space<vmem>>, vector<16xf32>,
      %add3A_1258 = arith.constant 50 : i32
      %add3A_1259 = vector.broadcast %add3A_1258 : i32 to vector<16xi32>
      %add3A_1260 = arith.addi %iota3A, %add3A_1259 : vector<16xi32>
      %lt3A_1261 = vector.broadcast %sub3A_733 : i32 to vector<16xi32>
      %lt3A_1262 = arith.cmpi slt, %add3A_1260, %lt3A_1261 : vector<16xi32>
      %select_n3A_1263 = arith.select %lt3A_1262, %get3A_1249, %get3A_1257 : vector<16xi1>, vector<16xf32>
      %swap3A_1264 = arith.index_cast %scan3A_1152 : i32 to index
      %swap3A_1265 = arith.constant 50 : index
      %swap3A_1266 = tpu.vector_load %arg10[%swap3A_1264, %swap3A_1265] {strides = array<i32>} : memref<66x66xf32, #tpu.memory_space<vmem>>, vector<16xf32>,
      tpu.vector_store %arg10[%swap3A_1264, %swap3A_1265], %select_n3A_1263 {strides = array<i32>} : memref<66x66xf32, #tpu.memory_space<vmem>>, vector<16xf32>,
      %scan3A_1267 = arith.constant 0 : i32
      scf.yield %scan3A_1267 : i32
    }
    %scan3A_740 = arith.constant 66 : i32
    "tpu.region"() ({
      %run_scoped3A = tpu.sem_alloc : memref<!tpu.dma_semaphore, #tpu.memory_space<semaphore_mem>>
      %dma_start3A_1152 = arith.constant 0 : i32
      %dma_start3A_1153 = arith.constant 0 : i32
      %dma_start3A_1154 = tpu.memref_slice %arg4[%add3A_731, %dma_start3A_1152, %dma_start3A_1153] : memref<192x66x66xf32, #tpu.memory_space<hbm>> -> memref<1x66x66xf32, #tpu.memory_space<hbm>>
      %dma_start3A_1155 = tpu.memref_squeeze %dma_start3A_1154 : memref<1x66x66xf32, #tpu.memory_space<hbm>> -> memref<66x66xf32, #tpu.memory_space<hbm>>
      %dma_start3A_1156 = arith.constant 0 : i32
      %dma_start3A_1157 = arith.constant 0 : i32
      %dma_start3A_1158 = tpu.memref_slice %arg4[%add3A_731, %dma_start3A_1156, %dma_start3A_1157] : memref<192x66x66xf32, #tpu.memory_space<hbm>> -> memref<1x66x66xf32, #tpu.memory_space<hbm>>
      %dma_start3A_1159 = tpu.memref_squeeze %dma_start3A_1158 : memref<1x66x66xf32, #tpu.memory_space<hbm>> -> memref<66x66xf32, #tpu.memory_space<hbm>>
      tpu.enqueue_dma source(%arg10 : memref<66x66xf32, #tpu.memory_space<vmem>>) target(%dma_start3A_1159 : memref<66x66xf32, #tpu.memory_space<hbm>>) target_semaphore(%run_scoped3A : memref<!tpu.dma_semaphore, #tpu.memory_space<semaphore_mem>>)
      %dma_wait3A_1160 = arith.constant 0 : i32
      %dma_wait3A_1161 = arith.constant 0 : i32
      %dma_wait3A_1162 = tpu.memref_slice %arg4[%add3A_731, %dma_wait3A_1160, %dma_wait3A_1161] : memref<192x66x66xf32, #tpu.memory_space<hbm>> -> memref<1x66x66xf32, #tpu.memory_space<hbm>>
      %dma_wait3A_1163 = tpu.memref_squeeze %dma_wait3A_1162 : memref<1x66x66xf32, #tpu.memory_space<hbm>> -> memref<66x66xf32, #tpu.memory_space<hbm>>
      %dma_wait3A_1164 = arith.constant 0 : i32
      %dma_wait3A_1165 = arith.constant 0 : i32
      %dma_wait3A_1166 = tpu.memref_slice %arg4[%add3A_731, %dma_wait3A_1164, %dma_wait3A_1165] : memref<192x66x66xf32, #tpu.memory_space<hbm>> -> memref<1x66x66xf32, #tpu.memory_space<hbm>>
      %dma_wait3A_1167 = tpu.memref_squeeze %dma_wait3A_1166 : memref<1x66x66xf32, #tpu.memory_space<hbm>> -> memref<66x66xf32, #tpu.memory_space<hbm>>
      tpu.wait_dma2 semaphore(%run_scoped3A : memref<!tpu.dma_semaphore, #tpu.memory_space<semaphore_mem>>) src(%arg10 : memref<66x66xf32, #tpu.memory_space<vmem>>) dst(%dma_wait3A_1167 : memref<66x66xf32, #tpu.memory_space<hbm>>)
      tpu.yield
    }) : () -> ()
    %dma_wait3A_741 = tpu.memref_slice %arg2[%select_n3A_581, %sub3A_653, %multiple_of3A_682, %multiple_of3A_714] : memref<64x3x512x512xf32, #tpu.memory_space<hbm>> -> memref<1x1x80x128xf32, #tpu.memory_space<hbm>>
    %dma_wait3A_742 = tpu.memref_squeeze %dma_wait3A_741 : memref<1x1x80x128xf32, #tpu.memory_space<hbm>> -> memref<80x128xf32, #tpu.memory_space<hbm>>
    %dma_wait3A_743 = tpu.memref_slice %arg2[%select_n3A_581, %sub3A_653, %multiple_of3A_682, %multiple_of3A_714] : memref<64x3x512x512xf32, #tpu.memory_space<hbm>> -> memref<1x1x80x128xf32, #tpu.memory_space<hbm>>
    %dma_wait3A_744 = tpu.memref_squeeze %dma_wait3A_743 : memref<1x1x80x128xf32, #tpu.memory_space<hbm>> -> memref<80x128xf32, #tpu.memory_space<hbm>>
    tpu.wait_dma2 semaphore(%arg12 : memref<!tpu.dma_semaphore, #tpu.memory_space<semaphore_mem>>) src(%dma_wait3A_744 : memref<80x128xf32, #tpu.memory_space<hbm>>) dst(%arg8 : memref<80x128xf32, #tpu.memory_space<vmem>>)
    %dma_wait3A_745 = tpu.memref_slice %arg2[%select_n3A_581, %sub3A_653, %multiple_of3A_682, %multiple_of3A_721] : memref<64x3x512x512xf32, #tpu.memory_space<hbm>> -> memref<1x1x80x128xf32, #tpu.memory_space<hbm>>
    %dma_wait3A_746 = tpu.memref_squeeze %dma_wait3A_745 : memref<1x1x80x128xf32, #tpu.memory_space<hbm>> -> memref<80x128xf32, #tpu.memory_space<hbm>>
    %dma_wait3A_747 = tpu.memref_slice %arg2[%select_n3A_581, %sub3A_653, %multiple_of3A_682, %multiple_of3A_721] : memref<64x3x512x512xf32, #tpu.memory_space<hbm>> -> memref<1x1x80x128xf32, #tpu.memory_space<hbm>>
    %dma_wait3A_748 = tpu.memref_squeeze %dma_wait3A_747 : memref<1x1x80x128xf32, #tpu.memory_space<hbm>> -> memref<80x128xf32, #tpu.memory_space<hbm>>
    tpu.wait_dma2 semaphore(%arg12 : memref<!tpu.dma_semaphore, #tpu.memory_space<semaphore_mem>>) src(%dma_wait3A_748 : memref<80x128xf32, #tpu.memory_space<hbm>>) dst(%arg9 : memref<80x128xf32, #tpu.memory_space<vmem>>)
    %mul3A_749 = arith.constant 6 : i32
    %mul3A_750 = arith.muli %add3A, %mul3A_749 : i32
    %add3A_751 = arith.constant 4 : i32
    %add3A_752 = arith.addi %mul3A_750, %add3A_751 : i32
    %jit3A_753 = arith.constant 3 : i32
    %div3A_754 = arith.divsi %add3A_752, %jit3A_753 : i32
    %sign3A_755 = arith.constant 0 : i32
    %sign3A_756 = arith.cmpi sgt, %add3A_752, %sign3A_755 : i32
    %sign3A_757 = arith.extui %sign3A_756 : i1 to i32
    %sign3A_758 = arith.constant 0 : i32
    %sign3A_759 = arith.cmpi slt, %add3A_752, %sign3A_758 : i32
    %sign3A_760 = arith.extui %sign3A_759 : i1 to i32
    %sign3A_761 = arith.subi %sign3A_757, %sign3A_760 : i32
    %sign3A_762 = arith.constant 0 : i32
    %sign3A_763 = arith.cmpi sgt, %jit3A_753, %sign3A_762 : i32
    %sign3A_764 = arith.extui %sign3A_763 : i1 to i32
    %sign3A_765 = arith.constant 0 : i32
    %sign3A_766 = arith.cmpi slt, %jit3A_753, %sign3A_765 : i32
    %sign3A_767 = arith.extui %sign3A_766 : i1 to i32
    %sign3A_768 = arith.subi %sign3A_764, %sign3A_767 : i32
    %ne3A_769 = arith.cmpi ne, %sign3A_761, %sign3A_768 : i32
    %rem3A_770 = arith.remsi %add3A_752, %jit3A_753 : i32
    %ne3A_771 = arith.constant 0 : i32
    %ne3A_772 = arith.cmpi ne, %rem3A_770, %ne3A_771 : i32
    %and3A_773 = arith.andi %ne3A_769, %ne3A_772 : i1
    %sub3A_774 = arith.constant 1 : i32
    %sub3A_775 = arith.subi %div3A_754, %sub3A_774 : i32
    %select_n3A_776 = arith.select %and3A_773, %sub3A_775, %div3A_754 : i32
    %mul3A_777 = arith.constant 2 : i32
    %mul3A_778 = arith.muli %mul3A_777, %select_n3A_776 : i32
    %jit3A_779 = arith.constant 16 : i32
    %div3A_780 = arith.divsi %mul3A_778, %jit3A_779 : i32
    %sign3A_781 = arith.constant 0 : i32
    %sign3A_782 = arith.cmpi sgt, %mul3A_778, %sign3A_781 : i32
    %sign3A_783 = arith.extui %sign3A_782 : i1 to i32
    %sign3A_784 = arith.constant 0 : i32
    %sign3A_785 = arith.cmpi slt, %mul3A_778, %sign3A_784 : i32
    %sign3A_786 = arith.extui %sign3A_785 : i1 to i32
    %sign3A_787 = arith.subi %sign3A_783, %sign3A_786 : i32
    %sign3A_788 = arith.constant 0 : i32
    %sign3A_789 = arith.cmpi sgt, %jit3A_779, %sign3A_788 : i32
    %sign3A_790 = arith.extui %sign3A_789 : i1 to i32
    %sign3A_791 = arith.constant 0 : i32
    %sign3A_792 = arith.cmpi slt, %jit3A_779, %sign3A_791 : i32
    %sign3A_793 = arith.extui %sign3A_792 : i1 to i32
    %sign3A_794 = arith.subi %sign3A_790, %sign3A_793 : i32
    %ne3A_795 = arith.cmpi ne, %sign3A_787, %sign3A_794 : i32
    %rem3A_796 = arith.remsi %mul3A_778, %jit3A_779 : i32
    %ne3A_797 = arith.constant 0 : i32
    %ne3A_798 = arith.cmpi ne, %rem3A_796, %ne3A_797 : i32
    %and3A_799 = arith.andi %ne3A_795, %ne3A_798 : i1
    %sub3A_800 = arith.constant 1 : i32
    %sub3A_801 = arith.subi %div3A_780, %sub3A_800 : i32
    %select_n3A_802 = arith.select %and3A_799, %sub3A_801, %div3A_780 : i32
    %mul3A_803 = arith.constant 16 : i32
    %mul3A_804 = arith.muli %select_n3A_802, %mul3A_803 : i32
    %sub3A_805 = arith.subi %mul3A_778, %mul3A_804 : i32
    %get3A_806 = arith.index_cast %mul3A_804 : i32 to index
    %get3A_807 = tpu.vector_load %arg5[%get3A_806] {strides = array<i32>} : memref<128xf32, #tpu.memory_space<vmem>>, vector<16xf32>,
    %mul3A_808 = arith.constant 4.460000e+02 : f32
    %mul3A_809 = vector.broadcast %mul3A_808 : f32 to vector<16xf32>
    %mul3A_810 = arith.mulf %get3A_807, %mul3A_809 : vector<16xf32>
    %convert_element_type3A_811 = arith.fptosi %mul3A_810 : vector<16xf32> to vector<16xi32>
    %max3A_812 = arith.constant 0 : i32
    %max3A_813 = vector.broadcast %max3A_812 : i32 to vector<16xi32>
    %max3A_814 = arith.maxsi %convert_element_type3A_811, %max3A_813 : vector<16xi32>
    %min3A_815 = arith.constant 446 : i32
    %min3A_816 = vector.broadcast %min3A_815 : i32 to vector<16xi32>
    %min3A_817 = arith.minsi %max3A_814, %min3A_816 : vector<16xi32>
    %eq3A_818 = vector.broadcast %sub3A_805 : i32 to vector<16xi32>
    %eq3A_819 = arith.cmpi eq, %iota3A, %eq3A_818 : vector<16xi32>
    %jit3A_820 = arith.constant 0 : i32
    %broadcast_in_dim3A_821 = vector.broadcast %jit3A_820 : i32 to vector<16xi32>
    %select_n3A_822 = arith.select %eq3A_819, %min3A_817, %broadcast_in_dim3A_821 : vector<16xi1>, vector<16xi32>
    %reduce_max3A_823 = arith.constant true
    %reduce_max3A_824 = vector.broadcast %reduce_max3A_823 : i1 to vector<16xi1>
    %reduce_max3A_825 = arith.constant -2147483648 : i32
    %reduce_max3A_826 = vector.broadcast %reduce_max3A_825 : i32 to vector<16xi32>
    %reduce_max3A_827 = arith.xori %select_n3A_822, %reduce_max3A_826 : vector<16xi32>
    %reduce_max3A_828 = tpu.scan <max>, %reduce_max3A_827 masked %reduce_max3A_824 : vector<16xi32>, vector<16xi1> -> vector<16xi32>
    %reduce_max3A_829 = arith.xori %reduce_max3A_828, %reduce_max3A_826 : vector<16xi32>
    %reduce_max3A_830 = vector.extract %reduce_max3A_829[15] : i32 from vector<16xi32>
    %add3A_831 = arith.constant 1 : i32
    %add3A_832 = arith.addi %sub3A_805, %add3A_831 : i32
    %eq3A_833 = vector.broadcast %add3A_832 : i32 to vector<16xi32>
    %eq3A_834 = arith.cmpi eq, %iota3A, %eq3A_833 : vector<16xi32>
    %jit3A_835 = arith.constant 0 : i32
    %broadcast_in_dim3A_836 = vector.broadcast %jit3A_835 : i32 to vector<16xi32>
    %select_n3A_837 = arith.select %eq3A_834, %min3A_817, %broadcast_in_dim3A_836 : vector<16xi1>, vector<16xi32>
    %reduce_max3A_838 = arith.constant true
    %reduce_max3A_839 = vector.broadcast %reduce_max3A_838 : i1 to vector<16xi1>
    %reduce_max3A_840 = arith.constant -2147483648 : i32
    %reduce_max3A_841 = vector.broadcast %reduce_max3A_840 : i32 to vector<16xi32>
    %reduce_max3A_842 = arith.xori %select_n3A_837, %reduce_max3A_841 : vector<16xi32>
    %reduce_max3A_843 = tpu.scan <max>, %reduce_max3A_842 masked %reduce_max3A_839 : vector<16xi32>, vector<16xi1> -> vector<16xi32>
    %reduce_max3A_844 = arith.xori %reduce_max3A_843, %reduce_max3A_841 : vector<16xi32>
    %reduce_max3A_845 = vector.extract %reduce_max3A_844[15] : i32 from vector<16xi32>
    %mul3A_846 = arith.constant 3 : i32
    %mul3A_847 = arith.muli %select_n3A_776, %mul3A_846 : i32
    %sub3A_848 = arith.subi %add3A_752, %mul3A_847 : i32
    %jit3A_849 = arith.constant 8 : i32
    %div3A_850 = arith.divsi %reduce_max3A_830, %jit3A_849 : i32
    %sign3A_851 = arith.constant 0 : i32
    %sign3A_852 = arith.cmpi sgt, %reduce_max3A_830, %sign3A_851 : i32
    %sign3A_853 = arith.extui %sign3A_852 : i1 to i32
    %sign3A_854 = arith.constant 0 : i32
    %sign3A_855 = arith.cmpi slt, %reduce_max3A_830, %sign3A_854 : i32
    %sign3A_856 = arith.extui %sign3A_855 : i1 to i32
    %sign3A_857 = arith.subi %sign3A_853, %sign3A_856 : i32
    %sign3A_858 = arith.constant 0 : i32
    %sign3A_859 = arith.cmpi sgt, %jit3A_849, %sign3A_858 : i32
    %sign3A_860 = arith.extui %sign3A_859 : i1 to i32
    %sign3A_861 = arith.constant 0 : i32
    %sign3A_862 = arith.cmpi slt, %jit3A_849, %sign3A_861 : i32
    %sign3A_863 = arith.extui %sign3A_862 : i1 to i32
    %sign3A_864 = arith.subi %sign3A_860, %sign3A_863 : i32
    %ne3A_865 = arith.cmpi ne, %sign3A_857, %sign3A_864 : i32
    %rem3A_866 = arith.remsi %reduce_max3A_830, %jit3A_849 : i32
    %ne3A_867 = arith.constant 0 : i32
    %ne3A_868 = arith.cmpi ne, %rem3A_866, %ne3A_867 : i32
    %and3A_869 = arith.andi %ne3A_865, %ne3A_868 : i1
    %sub3A_870 = arith.constant 1 : i32
    %sub3A_871 = arith.subi %div3A_850, %sub3A_870 : i32
    %select_n3A_872 = arith.select %and3A_869, %sub3A_871, %div3A_850 : i32
    %mul3A_873 = arith.constant 8 : i32
    %mul3A_874 = arith.muli %select_n3A_872, %mul3A_873 : i32
    %min3A_875 = arith.constant 432 : i32
    %min3A_876 = arith.minsi %mul3A_874, %min3A_875 : i32
    %multiple_of3A_877 = tpu.assume_multiple %min3A_876, 8 : i32
    %jit3A_878 = arith.constant 128 : i32
    %div3A_879 = arith.divsi %reduce_max3A_845, %jit3A_878 : i32
    %sign3A_880 = arith.constant 0 : i32
    %sign3A_881 = arith.cmpi sgt, %reduce_max3A_845, %sign3A_880 : i32
    %sign3A_882 = arith.extui %sign3A_881 : i1 to i32
    %sign3A_883 = arith.constant 0 : i32
    %sign3A_884 = arith.cmpi slt, %reduce_max3A_845, %sign3A_883 : i32
    %sign3A_885 = arith.extui %sign3A_884 : i1 to i32
    %sign3A_886 = arith.subi %sign3A_882, %sign3A_885 : i32
    %sign3A_887 = arith.constant 0 : i32
    %sign3A_888 = arith.cmpi sgt, %jit3A_878, %sign3A_887 : i32
    %sign3A_889 = arith.extui %sign3A_888 : i1 to i32
    %sign3A_890 = arith.constant 0 : i32
    %sign3A_891 = arith.cmpi slt, %jit3A_878, %sign3A_890 : i32
    %sign3A_892 = arith.extui %sign3A_891 : i1 to i32
    %sign3A_893 = arith.subi %sign3A_889, %sign3A_892 : i32
    %ne3A_894 = arith.cmpi ne, %sign3A_886, %sign3A_893 : i32
    %rem3A_895 = arith.remsi %reduce_max3A_845, %jit3A_878 : i32
    %ne3A_896 = arith.constant 0 : i32
    %ne3A_897 = arith.cmpi ne, %rem3A_895, %ne3A_896 : i32
    %and3A_898 = arith.andi %ne3A_894, %ne3A_897 : i1
    %sub3A_899 = arith.constant 1 : i32
    %sub3A_900 = arith.subi %div3A_879, %sub3A_899 : i32
    %select_n3A_901 = arith.select %and3A_898, %sub3A_900, %div3A_879 : i32
    %mul3A_902 = arith.constant 128 : i32
    %mul3A_903 = arith.muli %select_n3A_901, %mul3A_902 : i32
    %min3A_904 = arith.constant 256 : i32
    %min3A_905 = arith.minsi %mul3A_903, %min3A_904 : i32
    %multiple_of3A_906 = tpu.assume_multiple %min3A_905, 128 : i32
    %add3A_907 = arith.constant 0 : i32
    %add3A_908 = arith.addi %multiple_of3A_906, %add3A_907 : i32
    %multiple_of3A_909 = tpu.assume_multiple %add3A_908, 128 : i32
    %dma_start3A_910 = tpu.memref_slice %arg2[%select_n3A_776, %sub3A_848, %multiple_of3A_877, %multiple_of3A_909] : memref<64x3x512x512xf32, #tpu.memory_space<hbm>> -> memref<1x1x80x128xf32, #tpu.memory_space<hbm>>
    %dma_start3A_911 = tpu.memref_squeeze %dma_start3A_910 : memref<1x1x80x128xf32, #tpu.memory_space<hbm>> -> memref<80x128xf32, #tpu.memory_space<hbm>>
    %dma_start3A_912 = tpu.memref_slice %arg2[%select_n3A_776, %sub3A_848, %multiple_of3A_877, %multiple_of3A_909] : memref<64x3x512x512xf32, #tpu.memory_space<hbm>> -> memref<1x1x80x128xf32, #tpu.memory_space<hbm>>
    %dma_start3A_913 = tpu.memref_squeeze %dma_start3A_912 : memref<1x1x80x128xf32, #tpu.memory_space<hbm>> -> memref<80x128xf32, #tpu.memory_space<hbm>>
    tpu.enqueue_dma source(%dma_start3A_913 : memref<80x128xf32, #tpu.memory_space<hbm>>) target(%arg6 : memref<80x128xf32, #tpu.memory_space<vmem>>) target_semaphore(%arg11 : memref<!tpu.dma_semaphore, #tpu.memory_space<semaphore_mem>>)
    %add3A_914 = arith.constant 128 : i32
    %add3A_915 = arith.addi %multiple_of3A_906, %add3A_914 : i32
    %multiple_of3A_916 = tpu.assume_multiple %add3A_915, 128 : i32
    %dma_start3A_917 = tpu.memref_slice %arg2[%select_n3A_776, %sub3A_848, %multiple_of3A_877, %multiple_of3A_916] : memref<64x3x512x512xf32, #tpu.memory_space<hbm>> -> memref<1x1x80x128xf32, #tpu.memory_space<hbm>>
    %dma_start3A_918 = tpu.memref_squeeze %dma_start3A_917 : memref<1x1x80x128xf32, #tpu.memory_space<hbm>> -> memref<80x128xf32, #tpu.memory_space<hbm>>
    %dma_start3A_919 = tpu.memref_slice %arg2[%select_n3A_776, %sub3A_848, %multiple_of3A_877, %multiple_of3A_916] : memref<64x3x512x512xf32, #tpu.memory_space<hbm>> -> memref<1x1x80x128xf32, #tpu.memory_space<hbm>>
    %dma_start3A_920 = tpu.memref_squeeze %dma_start3A_919 : memref<1x1x80x128xf32, #tpu.memory_space<hbm>> -> memref<80x128xf32, #tpu.memory_space<hbm>>
    tpu.enqueue_dma source(%dma_start3A_920 : memref<80x128xf32, #tpu.memory_space<hbm>>) target(%arg7 : memref<80x128xf32, #tpu.memory_space<vmem>>) target_semaphore(%arg11 : memref<!tpu.dma_semaphore, #tpu.memory_space<semaphore_mem>>)
    %sub3A_921 = arith.subi %reduce_max3A_830, %multiple_of3A_877 : i32
    %sub3A_922 = arith.subi %reduce_max3A_845, %multiple_of3A_906 : i32
    %mul3A_923 = arith.constant 6 : i32
    %mul3A_924 = arith.muli %add3A, %mul3A_923 : i32
    %add3A_925 = arith.constant 3 : i32
    %add3A_926 = arith.addi %mul3A_924, %add3A_925 : i32
    %sub3A_927 = arith.constant 128 : i32
    %sub3A_928 = arith.subi %sub3A_927, %sub3A_727 : i32
    %scan3A_929 = arith.constant 0 : i32
    %scan3A_930 = arith.constant 0 : i32
    %scan3A_931 = arith.constant 66 : i32
    %scan3A_932 = arith.addi %scan3A_930, %scan3A_931 : i32
    %scan3A_933 = arith.constant 1 : i32
    %scan3A_934 = scf.for %scan3A_1152 = %scan3A_930 to %scan3A_932 step %scan3A_933 iter_args(%scan3A_1153 = %scan3A_929) -> (i32)  : i32 {
      %add3A_1154 = arith.addi %sub3A_726, %scan3A_1152 : i32
      %add3A_1155 = arith.constant 0 : i32
      %add3A_1156 = arith.addi %sub3A_727, %add3A_1155 : i32
      %get3A_1157 = arith.index_cast %add3A_1154 : i32 to index
      %get3A_1158 = arith.index_cast %add3A_1156 : i32 to index
      %get3A_1159 = tpu.vector_load %arg8[%get3A_1157, %get3A_1158] {strides = array<i32>} : memref<80x128xf32, #tpu.memory_space<vmem>>, vector<16xf32>,
      %add3A_1160 = arith.addi %sub3A_726, %scan3A_1152 : i32
      %add3A_1161 = arith.constant 0 : i32
      %add3A_1162 = arith.addi %sub3A_727, %add3A_1161 : i32
      %sub3A_1163 = arith.constant 128 : i32
      %sub3A_1164 = arith.subi %add3A_1162, %sub3A_1163 : i32
      %get3A_1165 = arith.index_cast %add3A_1160 : i32 to index
      %get3A_1166 = arith.index_cast %sub3A_1164 : i32 to index
      %get3A_1167 = tpu.vector_load %arg9[%get3A_1165, %get3A_1166] {strides = array<i32>} : memref<80x128xf32, #tpu.memory_space<vmem>>, vector<16xf32>,
      %add3A_1168 = arith.constant 0 : i32
      %add3A_1169 = vector.broadcast %add3A_1168 : i32 to vector<16xi32>
      %add3A_1170 = arith.addi %iota3A, %add3A_1169 : vector<16xi32>
      %lt3A = vector.broadcast %sub3A_928 : i32 to vector<16xi32>
      %lt3A_1171 = arith.cmpi slt, %add3A_1170, %lt3A : vector<16xi32>
      %select_n3A_1172 = arith.select %lt3A_1171, %get3A_1159, %get3A_1167 : vector<16xi1>, vector<16xf32>
      %swap3A = arith.index_cast %scan3A_1152 : i32 to index
      %swap3A_1173 = arith.constant 0 : index
      %swap3A_1174 = tpu.vector_load %arg10[%swap3A, %swap3A_1173] {strides = array<i32>} : memref<66x66xf32, #tpu.memory_space<vmem>>, vector<16xf32>,
      tpu.vector_store %arg10[%swap3A, %swap3A_1173], %select_n3A_1172 {strides = array<i32>} : memref<66x66xf32, #tpu.memory_space<vmem>>, vector<16xf32>,
      %add3A_1175 = arith.addi %sub3A_726, %scan3A_1152 : i32
      %add3A_1176 = arith.constant 16 : i32
      %add3A_1177 = arith.addi %sub3A_727, %add3A_1176 : i32
      %get3A_1178 = arith.index_cast %add3A_1175 : i32 to index
      %get3A_1179 = arith.index_cast %add3A_1177 : i32 to index
      %get3A_1180 = tpu.vector_load %arg8[%get3A_1178, %get3A_1179] {strides = array<i32>} : memref<80x128xf32, #tpu.memory_space<vmem>>, vector<16xf32>,
      %add3A_1181 = arith.addi %sub3A_726, %scan3A_1152 : i32
      %add3A_1182 = arith.constant 16 : i32
      %add3A_1183 = arith.addi %sub3A_727, %add3A_1182 : i32
      %sub3A_1184 = arith.constant 128 : i32
      %sub3A_1185 = arith.subi %add3A_1183, %sub3A_1184 : i32
      %get3A_1186 = arith.index_cast %add3A_1181 : i32 to index
      %get3A_1187 = arith.index_cast %sub3A_1185 : i32 to index
      %get3A_1188 = tpu.vector_load %arg9[%get3A_1186, %get3A_1187] {strides = array<i32>} : memref<80x128xf32, #tpu.memory_space<vmem>>, vector<16xf32>,
      %add3A_1189 = arith.constant 16 : i32
      %add3A_1190 = vector.broadcast %add3A_1189 : i32 to vector<16xi32>
      %add3A_1191 = arith.addi %iota3A, %add3A_1190 : vector<16xi32>
      %lt3A_1192 = vector.broadcast %sub3A_928 : i32 to vector<16xi32>
      %lt3A_1193 = arith.cmpi slt, %add3A_1191, %lt3A_1192 : vector<16xi32>
      %select_n3A_1194 = arith.select %lt3A_1193, %get3A_1180, %get3A_1188 : vector<16xi1>, vector<16xf32>
      %swap3A_1195 = arith.index_cast %scan3A_1152 : i32 to index
      %swap3A_1196 = arith.constant 16 : index
      %swap3A_1197 = tpu.vector_load %arg10[%swap3A_1195, %swap3A_1196] {strides = array<i32>} : memref<66x66xf32, #tpu.memory_space<vmem>>, vector<16xf32>,
      tpu.vector_store %arg10[%swap3A_1195, %swap3A_1196], %select_n3A_1194 {strides = array<i32>} : memref<66x66xf32, #tpu.memory_space<vmem>>, vector<16xf32>,
      %add3A_1198 = arith.addi %sub3A_726, %scan3A_1152 : i32
      %add3A_1199 = arith.constant 32 : i32
      %add3A_1200 = arith.addi %sub3A_727, %add3A_1199 : i32
      %get3A_1201 = arith.index_cast %add3A_1198 : i32 to index
      %get3A_1202 = arith.index_cast %add3A_1200 : i32 to index
      %get3A_1203 = tpu.vector_load %arg8[%get3A_1201, %get3A_1202] {strides = array<i32>} : memref<80x128xf32, #tpu.memory_space<vmem>>, vector<16xf32>,
      %add3A_1204 = arith.addi %sub3A_726, %scan3A_1152 : i32
      %add3A_1205 = arith.constant 32 : i32
      %add3A_1206 = arith.addi %sub3A_727, %add3A_1205 : i32
      %sub3A_1207 = arith.constant 128 : i32
      %sub3A_1208 = arith.subi %add3A_1206, %sub3A_1207 : i32
      %get3A_1209 = arith.index_cast %add3A_1204 : i32 to index
      %get3A_1210 = arith.index_cast %sub3A_1208 : i32 to index
      %get3A_1211 = tpu.vector_load %arg9[%get3A_1209, %get3A_1210] {strides = array<i32>} : memref<80x128xf32, #tpu.memory_space<vmem>>, vector<16xf32>,
      %add3A_1212 = arith.constant 32 : i32
      %add3A_1213 = vector.broadcast %add3A_1212 : i32 to vector<16xi32>
      %add3A_1214 = arith.addi %iota3A, %add3A_1213 : vector<16xi32>
      %lt3A_1215 = vector.broadcast %sub3A_928 : i32 to vector<16xi32>
      %lt3A_1216 = arith.cmpi slt, %add3A_1214, %lt3A_1215 : vector<16xi32>
      %select_n3A_1217 = arith.select %lt3A_1216, %get3A_1203, %get3A_1211 : vector<16xi1>, vector<16xf32>
      %swap3A_1218 = arith.index_cast %scan3A_1152 : i32 to index
      %swap3A_1219 = arith.constant 32 : index
      %swap3A_1220 = tpu.vector_load %arg10[%swap3A_1218, %swap3A_1219] {strides = array<i32>} : memref<66x66xf32, #tpu.memory_space<vmem>>, vector<16xf32>,
      tpu.vector_store %arg10[%swap3A_1218, %swap3A_1219], %select_n3A_1217 {strides = array<i32>} : memref<66x66xf32, #tpu.memory_space<vmem>>, vector<16xf32>,
      %add3A_1221 = arith.addi %sub3A_726, %scan3A_1152 : i32
      %add3A_1222 = arith.constant 48 : i32
      %add3A_1223 = arith.addi %sub3A_727, %add3A_1222 : i32
      %get3A_1224 = arith.index_cast %add3A_1221 : i32 to index
      %get3A_1225 = arith.index_cast %add3A_1223 : i32 to index
      %get3A_1226 = tpu.vector_load %arg8[%get3A_1224, %get3A_1225] {strides = array<i32>} : memref<80x128xf32, #tpu.memory_space<vmem>>, vector<16xf32>,
      %add3A_1227 = arith.addi %sub3A_726, %scan3A_1152 : i32
      %add3A_1228 = arith.constant 48 : i32
      %add3A_1229 = arith.addi %sub3A_727, %add3A_1228 : i32
      %sub3A_1230 = arith.constant 128 : i32
      %sub3A_1231 = arith.subi %add3A_1229, %sub3A_1230 : i32
      %get3A_1232 = arith.index_cast %add3A_1227 : i32 to index
      %get3A_1233 = arith.index_cast %sub3A_1231 : i32 to index
      %get3A_1234 = tpu.vector_load %arg9[%get3A_1232, %get3A_1233] {strides = array<i32>} : memref<80x128xf32, #tpu.memory_space<vmem>>, vector<16xf32>,
      %add3A_1235 = arith.constant 48 : i32
      %add3A_1236 = vector.broadcast %add3A_1235 : i32 to vector<16xi32>
      %add3A_1237 = arith.addi %iota3A, %add3A_1236 : vector<16xi32>
      %lt3A_1238 = vector.broadcast %sub3A_928 : i32 to vector<16xi32>
      %lt3A_1239 = arith.cmpi slt, %add3A_1237, %lt3A_1238 : vector<16xi32>
      %select_n3A_1240 = arith.select %lt3A_1239, %get3A_1226, %get3A_1234 : vector<16xi1>, vector<16xf32>
      %swap3A_1241 = arith.index_cast %scan3A_1152 : i32 to index
      %swap3A_1242 = arith.constant 48 : index
      %swap3A_1243 = tpu.vector_load %arg10[%swap3A_1241, %swap3A_1242] {strides = array<i32>} : memref<66x66xf32, #tpu.memory_space<vmem>>, vector<16xf32>,
      tpu.vector_store %arg10[%swap3A_1241, %swap3A_1242], %select_n3A_1240 {strides = array<i32>} : memref<66x66xf32, #tpu.memory_space<vmem>>, vector<16xf32>,
      %add3A_1244 = arith.addi %sub3A_726, %scan3A_1152 : i32
      %add3A_1245 = arith.constant 50 : i32
      %add3A_1246 = arith.addi %sub3A_727, %add3A_1245 : i32
      %get3A_1247 = arith.index_cast %add3A_1244 : i32 to index
      %get3A_1248 = arith.index_cast %add3A_1246 : i32 to index
      %get3A_1249 = tpu.vector_load %arg8[%get3A_1247, %get3A_1248] {strides = array<i32>} : memref<80x128xf32, #tpu.memory_space<vmem>>, vector<16xf32>,
      %add3A_1250 = arith.addi %sub3A_726, %scan3A_1152 : i32
      %add3A_1251 = arith.constant 50 : i32
      %add3A_1252 = arith.addi %sub3A_727, %add3A_1251 : i32
      %sub3A_1253 = arith.constant 128 : i32
      %sub3A_1254 = arith.subi %add3A_1252, %sub3A_1253 : i32
      %get3A_1255 = arith.index_cast %add3A_1250 : i32 to index
      %get3A_1256 = arith.index_cast %sub3A_1254 : i32 to index
      %get3A_1257 = tpu.vector_load %arg9[%get3A_1255, %get3A_1256] {strides = array<i32>} : memref<80x128xf32, #tpu.memory_space<vmem>>, vector<16xf32>,
      %add3A_1258 = arith.constant 50 : i32
      %add3A_1259 = vector.broadcast %add3A_1258 : i32 to vector<16xi32>
      %add3A_1260 = arith.addi %iota3A, %add3A_1259 : vector<16xi32>
      %lt3A_1261 = vector.broadcast %sub3A_928 : i32 to vector<16xi32>
      %lt3A_1262 = arith.cmpi slt, %add3A_1260, %lt3A_1261 : vector<16xi32>
      %select_n3A_1263 = arith.select %lt3A_1262, %get3A_1249, %get3A_1257 : vector<16xi1>, vector<16xf32>
      %swap3A_1264 = arith.index_cast %scan3A_1152 : i32 to index
      %swap3A_1265 = arith.constant 50 : index
      %swap3A_1266 = tpu.vector_load %arg10[%swap3A_1264, %swap3A_1265] {strides = array<i32>} : memref<66x66xf32, #tpu.memory_space<vmem>>, vector<16xf32>,
      tpu.vector_store %arg10[%swap3A_1264, %swap3A_1265], %select_n3A_1263 {strides = array<i32>} : memref<66x66xf32, #tpu.memory_space<vmem>>, vector<16xf32>,
      %scan3A_1267 = arith.constant 0 : i32
      scf.yield %scan3A_1267 : i32
    }
    %scan3A_935 = arith.constant 66 : i32
    "tpu.region"() ({
      %run_scoped3A = tpu.sem_alloc : memref<!tpu.dma_semaphore, #tpu.memory_space<semaphore_mem>>
      %dma_start3A_1152 = arith.constant 0 : i32
      %dma_start3A_1153 = arith.constant 0 : i32
      %dma_start3A_1154 = tpu.memref_slice %arg4[%add3A_926, %dma_start3A_1152, %dma_start3A_1153] : memref<192x66x66xf32, #tpu.memory_space<hbm>> -> memref<1x66x66xf32, #tpu.memory_space<hbm>>
      %dma_start3A_1155 = tpu.memref_squeeze %dma_start3A_1154 : memref<1x66x66xf32, #tpu.memory_space<hbm>> -> memref<66x66xf32, #tpu.memory_space<hbm>>
      %dma_start3A_1156 = arith.constant 0 : i32
      %dma_start3A_1157 = arith.constant 0 : i32
      %dma_start3A_1158 = tpu.memref_slice %arg4[%add3A_926, %dma_start3A_1156, %dma_start3A_1157] : memref<192x66x66xf32, #tpu.memory_space<hbm>> -> memref<1x66x66xf32, #tpu.memory_space<hbm>>
      %dma_start3A_1159 = tpu.memref_squeeze %dma_start3A_1158 : memref<1x66x66xf32, #tpu.memory_space<hbm>> -> memref<66x66xf32, #tpu.memory_space<hbm>>
      tpu.enqueue_dma source(%arg10 : memref<66x66xf32, #tpu.memory_space<vmem>>) target(%dma_start3A_1159 : memref<66x66xf32, #tpu.memory_space<hbm>>) target_semaphore(%run_scoped3A : memref<!tpu.dma_semaphore, #tpu.memory_space<semaphore_mem>>)
      %dma_wait3A_1160 = arith.constant 0 : i32
      %dma_wait3A_1161 = arith.constant 0 : i32
      %dma_wait3A_1162 = tpu.memref_slice %arg4[%add3A_926, %dma_wait3A_1160, %dma_wait3A_1161] : memref<192x66x66xf32, #tpu.memory_space<hbm>> -> memref<1x66x66xf32, #tpu.memory_space<hbm>>
      %dma_wait3A_1163 = tpu.memref_squeeze %dma_wait3A_1162 : memref<1x66x66xf32, #tpu.memory_space<hbm>> -> memref<66x66xf32, #tpu.memory_space<hbm>>
      %dma_wait3A_1164 = arith.constant 0 : i32
      %dma_wait3A_1165 = arith.constant 0 : i32
      %dma_wait3A_1166 = tpu.memref_slice %arg4[%add3A_926, %dma_wait3A_1164, %dma_wait3A_1165] : memref<192x66x66xf32, #tpu.memory_space<hbm>> -> memref<1x66x66xf32, #tpu.memory_space<hbm>>
      %dma_wait3A_1167 = tpu.memref_squeeze %dma_wait3A_1166 : memref<1x66x66xf32, #tpu.memory_space<hbm>> -> memref<66x66xf32, #tpu.memory_space<hbm>>
      tpu.wait_dma2 semaphore(%run_scoped3A : memref<!tpu.dma_semaphore, #tpu.memory_space<semaphore_mem>>) src(%arg10 : memref<66x66xf32, #tpu.memory_space<vmem>>) dst(%dma_wait3A_1167 : memref<66x66xf32, #tpu.memory_space<hbm>>)
      tpu.yield
    }) : () -> ()
    %dma_wait3A_936 = tpu.memref_slice %arg2[%select_n3A_776, %sub3A_848, %multiple_of3A_877, %multiple_of3A_909] : memref<64x3x512x512xf32, #tpu.memory_space<hbm>> -> memref<1x1x80x128xf32, #tpu.memory_space<hbm>>
    %dma_wait3A_937 = tpu.memref_squeeze %dma_wait3A_936 : memref<1x1x80x128xf32, #tpu.memory_space<hbm>> -> memref<80x128xf32, #tpu.memory_space<hbm>>
    %dma_wait3A_938 = tpu.memref_slice %arg2[%select_n3A_776, %sub3A_848, %multiple_of3A_877, %multiple_of3A_909] : memref<64x3x512x512xf32, #tpu.memory_space<hbm>> -> memref<1x1x80x128xf32, #tpu.memory_space<hbm>>
    %dma_wait3A_939 = tpu.memref_squeeze %dma_wait3A_938 : memref<1x1x80x128xf32, #tpu.memory_space<hbm>> -> memref<80x128xf32, #tpu.memory_space<hbm>>
    tpu.wait_dma2 semaphore(%arg11 : memref<!tpu.dma_semaphore, #tpu.memory_space<semaphore_mem>>) src(%dma_wait3A_939 : memref<80x128xf32, #tpu.memory_space<hbm>>) dst(%arg6 : memref<80x128xf32, #tpu.memory_space<vmem>>)
    %dma_wait3A_940 = tpu.memref_slice %arg2[%select_n3A_776, %sub3A_848, %multiple_of3A_877, %multiple_of3A_916] : memref<64x3x512x512xf32, #tpu.memory_space<hbm>> -> memref<1x1x80x128xf32, #tpu.memory_space<hbm>>
    %dma_wait3A_941 = tpu.memref_squeeze %dma_wait3A_940 : memref<1x1x80x128xf32, #tpu.memory_space<hbm>> -> memref<80x128xf32, #tpu.memory_space<hbm>>
    %dma_wait3A_942 = tpu.memref_slice %arg2[%select_n3A_776, %sub3A_848, %multiple_of3A_877, %multiple_of3A_916] : memref<64x3x512x512xf32, #tpu.memory_space<hbm>> -> memref<1x1x80x128xf32, #tpu.memory_space<hbm>>
    %dma_wait3A_943 = tpu.memref_squeeze %dma_wait3A_942 : memref<1x1x80x128xf32, #tpu.memory_space<hbm>> -> memref<80x128xf32, #tpu.memory_space<hbm>>
    tpu.wait_dma2 semaphore(%arg11 : memref<!tpu.dma_semaphore, #tpu.memory_space<semaphore_mem>>) src(%dma_wait3A_943 : memref<80x128xf32, #tpu.memory_space<hbm>>) dst(%arg7 : memref<80x128xf32, #tpu.memory_space<vmem>>)
    %mul3A_944 = arith.constant 6 : i32
    %mul3A_945 = arith.muli %add3A, %mul3A_944 : i32
    %add3A_946 = arith.constant 5 : i32
    %add3A_947 = arith.addi %mul3A_945, %add3A_946 : i32
    %jit3A_948 = arith.constant 3 : i32
    %div3A_949 = arith.divsi %add3A_947, %jit3A_948 : i32
    %sign3A_950 = arith.constant 0 : i32
    %sign3A_951 = arith.cmpi sgt, %add3A_947, %sign3A_950 : i32
    %sign3A_952 = arith.extui %sign3A_951 : i1 to i32
    %sign3A_953 = arith.constant 0 : i32
    %sign3A_954 = arith.cmpi slt, %add3A_947, %sign3A_953 : i32
    %sign3A_955 = arith.extui %sign3A_954 : i1 to i32
    %sign3A_956 = arith.subi %sign3A_952, %sign3A_955 : i32
    %sign3A_957 = arith.constant 0 : i32
    %sign3A_958 = arith.cmpi sgt, %jit3A_948, %sign3A_957 : i32
    %sign3A_959 = arith.extui %sign3A_958 : i1 to i32
    %sign3A_960 = arith.constant 0 : i32
    %sign3A_961 = arith.cmpi slt, %jit3A_948, %sign3A_960 : i32
    %sign3A_962 = arith.extui %sign3A_961 : i1 to i32
    %sign3A_963 = arith.subi %sign3A_959, %sign3A_962 : i32
    %ne3A_964 = arith.cmpi ne, %sign3A_956, %sign3A_963 : i32
    %rem3A_965 = arith.remsi %add3A_947, %jit3A_948 : i32
    %ne3A_966 = arith.constant 0 : i32
    %ne3A_967 = arith.cmpi ne, %rem3A_965, %ne3A_966 : i32
    %and3A_968 = arith.andi %ne3A_964, %ne3A_967 : i1
    %sub3A_969 = arith.constant 1 : i32
    %sub3A_970 = arith.subi %div3A_949, %sub3A_969 : i32
    %select_n3A_971 = arith.select %and3A_968, %sub3A_970, %div3A_949 : i32
    %mul3A_972 = arith.constant 2 : i32
    %mul3A_973 = arith.muli %mul3A_972, %select_n3A_971 : i32
    %jit3A_974 = arith.constant 16 : i32
    %div3A_975 = arith.divsi %mul3A_973, %jit3A_974 : i32
    %sign3A_976 = arith.constant 0 : i32
    %sign3A_977 = arith.cmpi sgt, %mul3A_973, %sign3A_976 : i32
    %sign3A_978 = arith.extui %sign3A_977 : i1 to i32
    %sign3A_979 = arith.constant 0 : i32
    %sign3A_980 = arith.cmpi slt, %mul3A_973, %sign3A_979 : i32
    %sign3A_981 = arith.extui %sign3A_980 : i1 to i32
    %sign3A_982 = arith.subi %sign3A_978, %sign3A_981 : i32
    %sign3A_983 = arith.constant 0 : i32
    %sign3A_984 = arith.cmpi sgt, %jit3A_974, %sign3A_983 : i32
    %sign3A_985 = arith.extui %sign3A_984 : i1 to i32
    %sign3A_986 = arith.constant 0 : i32
    %sign3A_987 = arith.cmpi slt, %jit3A_974, %sign3A_986 : i32
    %sign3A_988 = arith.extui %sign3A_987 : i1 to i32
    %sign3A_989 = arith.subi %sign3A_985, %sign3A_988 : i32
    %ne3A_990 = arith.cmpi ne, %sign3A_982, %sign3A_989 : i32
    %rem3A_991 = arith.remsi %mul3A_973, %jit3A_974 : i32
    %ne3A_992 = arith.constant 0 : i32
    %ne3A_993 = arith.cmpi ne, %rem3A_991, %ne3A_992 : i32
    %and3A_994 = arith.andi %ne3A_990, %ne3A_993 : i1
    %sub3A_995 = arith.constant 1 : i32
    %sub3A_996 = arith.subi %div3A_975, %sub3A_995 : i32
    %select_n3A_997 = arith.select %and3A_994, %sub3A_996, %div3A_975 : i32
    %mul3A_998 = arith.constant 16 : i32
    %mul3A_999 = arith.muli %select_n3A_997, %mul3A_998 : i32
    %sub3A_1000 = arith.subi %mul3A_973, %mul3A_999 : i32
    %get3A_1001 = arith.index_cast %mul3A_999 : i32 to index
    %get3A_1002 = tpu.vector_load %arg5[%get3A_1001] {strides = array<i32>} : memref<128xf32, #tpu.memory_space<vmem>>, vector<16xf32>,
    %mul3A_1003 = arith.constant 4.460000e+02 : f32
    %mul3A_1004 = vector.broadcast %mul3A_1003 : f32 to vector<16xf32>
    %mul3A_1005 = arith.mulf %get3A_1002, %mul3A_1004 : vector<16xf32>
    %convert_element_type3A_1006 = arith.fptosi %mul3A_1005 : vector<16xf32> to vector<16xi32>
    %max3A_1007 = arith.constant 0 : i32
    %max3A_1008 = vector.broadcast %max3A_1007 : i32 to vector<16xi32>
    %max3A_1009 = arith.maxsi %convert_element_type3A_1006, %max3A_1008 : vector<16xi32>
    %min3A_1010 = arith.constant 446 : i32
    %min3A_1011 = vector.broadcast %min3A_1010 : i32 to vector<16xi32>
    %min3A_1012 = arith.minsi %max3A_1009, %min3A_1011 : vector<16xi32>
    %eq3A_1013 = vector.broadcast %sub3A_1000 : i32 to vector<16xi32>
    %eq3A_1014 = arith.cmpi eq, %iota3A, %eq3A_1013 : vector<16xi32>
    %jit3A_1015 = arith.constant 0 : i32
    %broadcast_in_dim3A_1016 = vector.broadcast %jit3A_1015 : i32 to vector<16xi32>
    %select_n3A_1017 = arith.select %eq3A_1014, %min3A_1012, %broadcast_in_dim3A_1016 : vector<16xi1>, vector<16xi32>
    %reduce_max3A_1018 = arith.constant true
    %reduce_max3A_1019 = vector.broadcast %reduce_max3A_1018 : i1 to vector<16xi1>
    %reduce_max3A_1020 = arith.constant -2147483648 : i32
    %reduce_max3A_1021 = vector.broadcast %reduce_max3A_1020 : i32 to vector<16xi32>
    %reduce_max3A_1022 = arith.xori %select_n3A_1017, %reduce_max3A_1021 : vector<16xi32>
    %reduce_max3A_1023 = tpu.scan <max>, %reduce_max3A_1022 masked %reduce_max3A_1019 : vector<16xi32>, vector<16xi1> -> vector<16xi32>
    %reduce_max3A_1024 = arith.xori %reduce_max3A_1023, %reduce_max3A_1021 : vector<16xi32>
    %reduce_max3A_1025 = vector.extract %reduce_max3A_1024[15] : i32 from vector<16xi32>
    %add3A_1026 = arith.constant 1 : i32
    %add3A_1027 = arith.addi %sub3A_1000, %add3A_1026 : i32
    %eq3A_1028 = vector.broadcast %add3A_1027 : i32 to vector<16xi32>
    %eq3A_1029 = arith.cmpi eq, %iota3A, %eq3A_1028 : vector<16xi32>
    %jit3A_1030 = arith.constant 0 : i32
    %broadcast_in_dim3A_1031 = vector.broadcast %jit3A_1030 : i32 to vector<16xi32>
    %select_n3A_1032 = arith.select %eq3A_1029, %min3A_1012, %broadcast_in_dim3A_1031 : vector<16xi1>, vector<16xi32>
    %reduce_max3A_1033 = arith.constant true
    %reduce_max3A_1034 = vector.broadcast %reduce_max3A_1033 : i1 to vector<16xi1>
    %reduce_max3A_1035 = arith.constant -2147483648 : i32
    %reduce_max3A_1036 = vector.broadcast %reduce_max3A_1035 : i32 to vector<16xi32>
    %reduce_max3A_1037 = arith.xori %select_n3A_1032, %reduce_max3A_1036 : vector<16xi32>
    %reduce_max3A_1038 = tpu.scan <max>, %reduce_max3A_1037 masked %reduce_max3A_1034 : vector<16xi32>, vector<16xi1> -> vector<16xi32>
    %reduce_max3A_1039 = arith.xori %reduce_max3A_1038, %reduce_max3A_1036 : vector<16xi32>
    %reduce_max3A_1040 = vector.extract %reduce_max3A_1039[15] : i32 from vector<16xi32>
    %mul3A_1041 = arith.constant 3 : i32
    %mul3A_1042 = arith.muli %select_n3A_971, %mul3A_1041 : i32
    %sub3A_1043 = arith.subi %add3A_947, %mul3A_1042 : i32
    %jit3A_1044 = arith.constant 8 : i32
    %div3A_1045 = arith.divsi %reduce_max3A_1025, %jit3A_1044 : i32
    %sign3A_1046 = arith.constant 0 : i32
    %sign3A_1047 = arith.cmpi sgt, %reduce_max3A_1025, %sign3A_1046 : i32
    %sign3A_1048 = arith.extui %sign3A_1047 : i1 to i32
    %sign3A_1049 = arith.constant 0 : i32
    %sign3A_1050 = arith.cmpi slt, %reduce_max3A_1025, %sign3A_1049 : i32
    %sign3A_1051 = arith.extui %sign3A_1050 : i1 to i32
    %sign3A_1052 = arith.subi %sign3A_1048, %sign3A_1051 : i32
    %sign3A_1053 = arith.constant 0 : i32
    %sign3A_1054 = arith.cmpi sgt, %jit3A_1044, %sign3A_1053 : i32
    %sign3A_1055 = arith.extui %sign3A_1054 : i1 to i32
    %sign3A_1056 = arith.constant 0 : i32
    %sign3A_1057 = arith.cmpi slt, %jit3A_1044, %sign3A_1056 : i32
    %sign3A_1058 = arith.extui %sign3A_1057 : i1 to i32
    %sign3A_1059 = arith.subi %sign3A_1055, %sign3A_1058 : i32
    %ne3A_1060 = arith.cmpi ne, %sign3A_1052, %sign3A_1059 : i32
    %rem3A_1061 = arith.remsi %reduce_max3A_1025, %jit3A_1044 : i32
    %ne3A_1062 = arith.constant 0 : i32
    %ne3A_1063 = arith.cmpi ne, %rem3A_1061, %ne3A_1062 : i32
    %and3A_1064 = arith.andi %ne3A_1060, %ne3A_1063 : i1
    %sub3A_1065 = arith.constant 1 : i32
    %sub3A_1066 = arith.subi %div3A_1045, %sub3A_1065 : i32
    %select_n3A_1067 = arith.select %and3A_1064, %sub3A_1066, %div3A_1045 : i32
    %mul3A_1068 = arith.constant 8 : i32
    %mul3A_1069 = arith.muli %select_n3A_1067, %mul3A_1068 : i32
    %min3A_1070 = arith.constant 432 : i32
    %min3A_1071 = arith.minsi %mul3A_1069, %min3A_1070 : i32
    %multiple_of3A_1072 = tpu.assume_multiple %min3A_1071, 8 : i32
    %jit3A_1073 = arith.constant 128 : i32
    %div3A_1074 = arith.divsi %reduce_max3A_1040, %jit3A_1073 : i32
    %sign3A_1075 = arith.constant 0 : i32
    %sign3A_1076 = arith.cmpi sgt, %reduce_max3A_1040, %sign3A_1075 : i32
    %sign3A_1077 = arith.extui %sign3A_1076 : i1 to i32
    %sign3A_1078 = arith.constant 0 : i32
    %sign3A_1079 = arith.cmpi slt, %reduce_max3A_1040, %sign3A_1078 : i32
    %sign3A_1080 = arith.extui %sign3A_1079 : i1 to i32
    %sign3A_1081 = arith.subi %sign3A_1077, %sign3A_1080 : i32
    %sign3A_1082 = arith.constant 0 : i32
    %sign3A_1083 = arith.cmpi sgt, %jit3A_1073, %sign3A_1082 : i32
    %sign3A_1084 = arith.extui %sign3A_1083 : i1 to i32
    %sign3A_1085 = arith.constant 0 : i32
    %sign3A_1086 = arith.cmpi slt, %jit3A_1073, %sign3A_1085 : i32
    %sign3A_1087 = arith.extui %sign3A_1086 : i1 to i32
    %sign3A_1088 = arith.subi %sign3A_1084, %sign3A_1087 : i32
    %ne3A_1089 = arith.cmpi ne, %sign3A_1081, %sign3A_1088 : i32
    %rem3A_1090 = arith.remsi %reduce_max3A_1040, %jit3A_1073 : i32
    %ne3A_1091 = arith.constant 0 : i32
    %ne3A_1092 = arith.cmpi ne, %rem3A_1090, %ne3A_1091 : i32
    %and3A_1093 = arith.andi %ne3A_1089, %ne3A_1092 : i1
    %sub3A_1094 = arith.constant 1 : i32
    %sub3A_1095 = arith.subi %div3A_1074, %sub3A_1094 : i32
    %select_n3A_1096 = arith.select %and3A_1093, %sub3A_1095, %div3A_1074 : i32
    %mul3A_1097 = arith.constant 128 : i32
    %mul3A_1098 = arith.muli %select_n3A_1096, %mul3A_1097 : i32
    %min3A_1099 = arith.constant 256 : i32
    %min3A_1100 = arith.minsi %mul3A_1098, %min3A_1099 : i32
    %multiple_of3A_1101 = tpu.assume_multiple %min3A_1100, 128 : i32
    %add3A_1102 = arith.constant 0 : i32
    %add3A_1103 = arith.addi %multiple_of3A_1101, %add3A_1102 : i32
    %multiple_of3A_1104 = tpu.assume_multiple %add3A_1103, 128 : i32
    %dma_start3A_1105 = tpu.memref_slice %arg2[%select_n3A_971, %sub3A_1043, %multiple_of3A_1072, %multiple_of3A_1104] : memref<64x3x512x512xf32, #tpu.memory_space<hbm>> -> memref<1x1x80x128xf32, #tpu.memory_space<hbm>>
    %dma_start3A_1106 = tpu.memref_squeeze %dma_start3A_1105 : memref<1x1x80x128xf32, #tpu.memory_space<hbm>> -> memref<80x128xf32, #tpu.memory_space<hbm>>
    %dma_start3A_1107 = tpu.memref_slice %arg2[%select_n3A_971, %sub3A_1043, %multiple_of3A_1072, %multiple_of3A_1104] : memref<64x3x512x512xf32, #tpu.memory_space<hbm>> -> memref<1x1x80x128xf32, #tpu.memory_space<hbm>>
    %dma_start3A_1108 = tpu.memref_squeeze %dma_start3A_1107 : memref<1x1x80x128xf32, #tpu.memory_space<hbm>> -> memref<80x128xf32, #tpu.memory_space<hbm>>
    tpu.enqueue_dma source(%dma_start3A_1108 : memref<80x128xf32, #tpu.memory_space<hbm>>) target(%arg8 : memref<80x128xf32, #tpu.memory_space<vmem>>) target_semaphore(%arg12 : memref<!tpu.dma_semaphore, #tpu.memory_space<semaphore_mem>>)
    %add3A_1109 = arith.constant 128 : i32
    %add3A_1110 = arith.addi %multiple_of3A_1101, %add3A_1109 : i32
    %multiple_of3A_1111 = tpu.assume_multiple %add3A_1110, 128 : i32
    %dma_start3A_1112 = tpu.memref_slice %arg2[%select_n3A_971, %sub3A_1043, %multiple_of3A_1072, %multiple_of3A_1111] : memref<64x3x512x512xf32, #tpu.memory_space<hbm>> -> memref<1x1x80x128xf32, #tpu.memory_space<hbm>>
    %dma_start3A_1113 = tpu.memref_squeeze %dma_start3A_1112 : memref<1x1x80x128xf32, #tpu.memory_space<hbm>> -> memref<80x128xf32, #tpu.memory_space<hbm>>
    %dma_start3A_1114 = tpu.memref_slice %arg2[%select_n3A_971, %sub3A_1043, %multiple_of3A_1072, %multiple_of3A_1111] : memref<64x3x512x512xf32, #tpu.memory_space<hbm>> -> memref<1x1x80x128xf32, #tpu.memory_space<hbm>>
    %dma_start3A_1115 = tpu.memref_squeeze %dma_start3A_1114 : memref<1x1x80x128xf32, #tpu.memory_space<hbm>> -> memref<80x128xf32, #tpu.memory_space<hbm>>
    tpu.enqueue_dma source(%dma_start3A_1115 : memref<80x128xf32, #tpu.memory_space<hbm>>) target(%arg9 : memref<80x128xf32, #tpu.memory_space<vmem>>) target_semaphore(%arg12 : memref<!tpu.dma_semaphore, #tpu.memory_space<semaphore_mem>>)
    %sub3A_1116 = arith.subi %reduce_max3A_1025, %multiple_of3A_1072 : i32
    %sub3A_1117 = arith.subi %reduce_max3A_1040, %multiple_of3A_1101 : i32
    %mul3A_1118 = arith.constant 6 : i32
    %mul3A_1119 = arith.muli %add3A, %mul3A_1118 : i32
    %add3A_1120 = arith.constant 4 : i32
    %add3A_1121 = arith.addi %mul3A_1119, %add3A_1120 : i32
    %sub3A_1122 = arith.constant 128 : i32
    %sub3A_1123 = arith.subi %sub3A_1122, %sub3A_922 : i32
    %scan3A_1124 = arith.constant 0 : i32
    %scan3A_1125 = arith.constant 0 : i32
    %scan3A_1126 = arith.constant 66 : i32
    %scan3A_1127 = arith.addi %scan3A_1125, %scan3A_1126 : i32
    %scan3A_1128 = arith.constant 1 : i32
    %scan3A_1129 = scf.for %scan3A_1152 = %scan3A_1125 to %scan3A_1127 step %scan3A_1128 iter_args(%scan3A_1153 = %scan3A_1124) -> (i32)  : i32 {
      %add3A_1154 = arith.addi %sub3A_921, %scan3A_1152 : i32
      %add3A_1155 = arith.constant 0 : i32
      %add3A_1156 = arith.addi %sub3A_922, %add3A_1155 : i32
      %get3A_1157 = arith.index_cast %add3A_1154 : i32 to index
      %get3A_1158 = arith.index_cast %add3A_1156 : i32 to index
      %get3A_1159 = tpu.vector_load %arg6[%get3A_1157, %get3A_1158] {strides = array<i32>} : memref<80x128xf32, #tpu.memory_space<vmem>>, vector<16xf32>,
      %add3A_1160 = arith.addi %sub3A_921, %scan3A_1152 : i32
      %add3A_1161 = arith.constant 0 : i32
      %add3A_1162 = arith.addi %sub3A_922, %add3A_1161 : i32
      %sub3A_1163 = arith.constant 128 : i32
      %sub3A_1164 = arith.subi %add3A_1162, %sub3A_1163 : i32
      %get3A_1165 = arith.index_cast %add3A_1160 : i32 to index
      %get3A_1166 = arith.index_cast %sub3A_1164 : i32 to index
      %get3A_1167 = tpu.vector_load %arg7[%get3A_1165, %get3A_1166] {strides = array<i32>} : memref<80x128xf32, #tpu.memory_space<vmem>>, vector<16xf32>,
      %add3A_1168 = arith.constant 0 : i32
      %add3A_1169 = vector.broadcast %add3A_1168 : i32 to vector<16xi32>
      %add3A_1170 = arith.addi %iota3A, %add3A_1169 : vector<16xi32>
      %lt3A = vector.broadcast %sub3A_1123 : i32 to vector<16xi32>
      %lt3A_1171 = arith.cmpi slt, %add3A_1170, %lt3A : vector<16xi32>
      %select_n3A_1172 = arith.select %lt3A_1171, %get3A_1159, %get3A_1167 : vector<16xi1>, vector<16xf32>
      %swap3A = arith.index_cast %scan3A_1152 : i32 to index
      %swap3A_1173 = arith.constant 0 : index
      %swap3A_1174 = tpu.vector_load %arg10[%swap3A, %swap3A_1173] {strides = array<i32>} : memref<66x66xf32, #tpu.memory_space<vmem>>, vector<16xf32>,
      tpu.vector_store %arg10[%swap3A, %swap3A_1173], %select_n3A_1172 {strides = array<i32>} : memref<66x66xf32, #tpu.memory_space<vmem>>, vector<16xf32>,
      %add3A_1175 = arith.addi %sub3A_921, %scan3A_1152 : i32
      %add3A_1176 = arith.constant 16 : i32
      %add3A_1177 = arith.addi %sub3A_922, %add3A_1176 : i32
      %get3A_1178 = arith.index_cast %add3A_1175 : i32 to index
      %get3A_1179 = arith.index_cast %add3A_1177 : i32 to index
      %get3A_1180 = tpu.vector_load %arg6[%get3A_1178, %get3A_1179] {strides = array<i32>} : memref<80x128xf32, #tpu.memory_space<vmem>>, vector<16xf32>,
      %add3A_1181 = arith.addi %sub3A_921, %scan3A_1152 : i32
      %add3A_1182 = arith.constant 16 : i32
      %add3A_1183 = arith.addi %sub3A_922, %add3A_1182 : i32
      %sub3A_1184 = arith.constant 128 : i32
      %sub3A_1185 = arith.subi %add3A_1183, %sub3A_1184 : i32
      %get3A_1186 = arith.index_cast %add3A_1181 : i32 to index
      %get3A_1187 = arith.index_cast %sub3A_1185 : i32 to index
      %get3A_1188 = tpu.vector_load %arg7[%get3A_1186, %get3A_1187] {strides = array<i32>} : memref<80x128xf32, #tpu.memory_space<vmem>>, vector<16xf32>,
      %add3A_1189 = arith.constant 16 : i32
      %add3A_1190 = vector.broadcast %add3A_1189 : i32 to vector<16xi32>
      %add3A_1191 = arith.addi %iota3A, %add3A_1190 : vector<16xi32>
      %lt3A_1192 = vector.broadcast %sub3A_1123 : i32 to vector<16xi32>
      %lt3A_1193 = arith.cmpi slt, %add3A_1191, %lt3A_1192 : vector<16xi32>
      %select_n3A_1194 = arith.select %lt3A_1193, %get3A_1180, %get3A_1188 : vector<16xi1>, vector<16xf32>
      %swap3A_1195 = arith.index_cast %scan3A_1152 : i32 to index
      %swap3A_1196 = arith.constant 16 : index
      %swap3A_1197 = tpu.vector_load %arg10[%swap3A_1195, %swap3A_1196] {strides = array<i32>} : memref<66x66xf32, #tpu.memory_space<vmem>>, vector<16xf32>,
      tpu.vector_store %arg10[%swap3A_1195, %swap3A_1196], %select_n3A_1194 {strides = array<i32>} : memref<66x66xf32, #tpu.memory_space<vmem>>, vector<16xf32>,
      %add3A_1198 = arith.addi %sub3A_921, %scan3A_1152 : i32
      %add3A_1199 = arith.constant 32 : i32
      %add3A_1200 = arith.addi %sub3A_922, %add3A_1199 : i32
      %get3A_1201 = arith.index_cast %add3A_1198 : i32 to index
      %get3A_1202 = arith.index_cast %add3A_1200 : i32 to index
      %get3A_1203 = tpu.vector_load %arg6[%get3A_1201, %get3A_1202] {strides = array<i32>} : memref<80x128xf32, #tpu.memory_space<vmem>>, vector<16xf32>,
      %add3A_1204 = arith.addi %sub3A_921, %scan3A_1152 : i32
      %add3A_1205 = arith.constant 32 : i32
      %add3A_1206 = arith.addi %sub3A_922, %add3A_1205 : i32
      %sub3A_1207 = arith.constant 128 : i32
      %sub3A_1208 = arith.subi %add3A_1206, %sub3A_1207 : i32
      %get3A_1209 = arith.index_cast %add3A_1204 : i32 to index
      %get3A_1210 = arith.index_cast %sub3A_1208 : i32 to index
      %get3A_1211 = tpu.vector_load %arg7[%get3A_1209, %get3A_1210] {strides = array<i32>} : memref<80x128xf32, #tpu.memory_space<vmem>>, vector<16xf32>,
      %add3A_1212 = arith.constant 32 : i32
      %add3A_1213 = vector.broadcast %add3A_1212 : i32 to vector<16xi32>
      %add3A_1214 = arith.addi %iota3A, %add3A_1213 : vector<16xi32>
      %lt3A_1215 = vector.broadcast %sub3A_1123 : i32 to vector<16xi32>
      %lt3A_1216 = arith.cmpi slt, %add3A_1214, %lt3A_1215 : vector<16xi32>
      %select_n3A_1217 = arith.select %lt3A_1216, %get3A_1203, %get3A_1211 : vector<16xi1>, vector<16xf32>
      %swap3A_1218 = arith.index_cast %scan3A_1152 : i32 to index
      %swap3A_1219 = arith.constant 32 : index
      %swap3A_1220 = tpu.vector_load %arg10[%swap3A_1218, %swap3A_1219] {strides = array<i32>} : memref<66x66xf32, #tpu.memory_space<vmem>>, vector<16xf32>,
      tpu.vector_store %arg10[%swap3A_1218, %swap3A_1219], %select_n3A_1217 {strides = array<i32>} : memref<66x66xf32, #tpu.memory_space<vmem>>, vector<16xf32>,
      %add3A_1221 = arith.addi %sub3A_921, %scan3A_1152 : i32
      %add3A_1222 = arith.constant 48 : i32
      %add3A_1223 = arith.addi %sub3A_922, %add3A_1222 : i32
      %get3A_1224 = arith.index_cast %add3A_1221 : i32 to index
      %get3A_1225 = arith.index_cast %add3A_1223 : i32 to index
      %get3A_1226 = tpu.vector_load %arg6[%get3A_1224, %get3A_1225] {strides = array<i32>} : memref<80x128xf32, #tpu.memory_space<vmem>>, vector<16xf32>,
      %add3A_1227 = arith.addi %sub3A_921, %scan3A_1152 : i32
      %add3A_1228 = arith.constant 48 : i32
      %add3A_1229 = arith.addi %sub3A_922, %add3A_1228 : i32
      %sub3A_1230 = arith.constant 128 : i32
      %sub3A_1231 = arith.subi %add3A_1229, %sub3A_1230 : i32
      %get3A_1232 = arith.index_cast %add3A_1227 : i32 to index
      %get3A_1233 = arith.index_cast %sub3A_1231 : i32 to index
      %get3A_1234 = tpu.vector_load %arg7[%get3A_1232, %get3A_1233] {strides = array<i32>} : memref<80x128xf32, #tpu.memory_space<vmem>>, vector<16xf32>,
      %add3A_1235 = arith.constant 48 : i32
      %add3A_1236 = vector.broadcast %add3A_1235 : i32 to vector<16xi32>
      %add3A_1237 = arith.addi %iota3A, %add3A_1236 : vector<16xi32>
      %lt3A_1238 = vector.broadcast %sub3A_1123 : i32 to vector<16xi32>
      %lt3A_1239 = arith.cmpi slt, %add3A_1237, %lt3A_1238 : vector<16xi32>
      %select_n3A_1240 = arith.select %lt3A_1239, %get3A_1226, %get3A_1234 : vector<16xi1>, vector<16xf32>
      %swap3A_1241 = arith.index_cast %scan3A_1152 : i32 to index
      %swap3A_1242 = arith.constant 48 : index
      %swap3A_1243 = tpu.vector_load %arg10[%swap3A_1241, %swap3A_1242] {strides = array<i32>} : memref<66x66xf32, #tpu.memory_space<vmem>>, vector<16xf32>,
      tpu.vector_store %arg10[%swap3A_1241, %swap3A_1242], %select_n3A_1240 {strides = array<i32>} : memref<66x66xf32, #tpu.memory_space<vmem>>, vector<16xf32>,
      %add3A_1244 = arith.addi %sub3A_921, %scan3A_1152 : i32
      %add3A_1245 = arith.constant 50 : i32
      %add3A_1246 = arith.addi %sub3A_922, %add3A_1245 : i32
      %get3A_1247 = arith.index_cast %add3A_1244 : i32 to index
      %get3A_1248 = arith.index_cast %add3A_1246 : i32 to index
      %get3A_1249 = tpu.vector_load %arg6[%get3A_1247, %get3A_1248] {strides = array<i32>} : memref<80x128xf32, #tpu.memory_space<vmem>>, vector<16xf32>,
      %add3A_1250 = arith.addi %sub3A_921, %scan3A_1152 : i32
      %add3A_1251 = arith.constant 50 : i32
      %add3A_1252 = arith.addi %sub3A_922, %add3A_1251 : i32
      %sub3A_1253 = arith.constant 128 : i32
      %sub3A_1254 = arith.subi %add3A_1252, %sub3A_1253 : i32
      %get3A_1255 = arith.index_cast %add3A_1250 : i32 to index
      %get3A_1256 = arith.index_cast %sub3A_1254 : i32 to index
      %get3A_1257 = tpu.vector_load %arg7[%get3A_1255, %get3A_1256] {strides = array<i32>} : memref<80x128xf32, #tpu.memory_space<vmem>>, vector<16xf32>,
      %add3A_1258 = arith.constant 50 : i32
      %add3A_1259 = vector.broadcast %add3A_1258 : i32 to vector<16xi32>
      %add3A_1260 = arith.addi %iota3A, %add3A_1259 : vector<16xi32>
      %lt3A_1261 = vector.broadcast %sub3A_1123 : i32 to vector<16xi32>
      %lt3A_1262 = arith.cmpi slt, %add3A_1260, %lt3A_1261 : vector<16xi32>
      %select_n3A_1263 = arith.select %lt3A_1262, %get3A_1249, %get3A_1257 : vector<16xi1>, vector<16xf32>
      %swap3A_1264 = arith.index_cast %scan3A_1152 : i32 to index
      %swap3A_1265 = arith.constant 50 : index
      %swap3A_1266 = tpu.vector_load %arg10[%swap3A_1264, %swap3A_1265] {strides = array<i32>} : memref<66x66xf32, #tpu.memory_space<vmem>>, vector<16xf32>,
      tpu.vector_store %arg10[%swap3A_1264, %swap3A_1265], %select_n3A_1263 {strides = array<i32>} : memref<66x66xf32, #tpu.memory_space<vmem>>, vector<16xf32>,
      %scan3A_1267 = arith.constant 0 : i32
      scf.yield %scan3A_1267 : i32
    }
    %scan3A_1130 = arith.constant 66 : i32
    "tpu.region"() ({
      %run_scoped3A = tpu.sem_alloc : memref<!tpu.dma_semaphore, #tpu.memory_space<semaphore_mem>>
      %dma_start3A_1152 = arith.constant 0 : i32
      %dma_start3A_1153 = arith.constant 0 : i32
      %dma_start3A_1154 = tpu.memref_slice %arg4[%add3A_1121, %dma_start3A_1152, %dma_start3A_1153] : memref<192x66x66xf32, #tpu.memory_space<hbm>> -> memref<1x66x66xf32, #tpu.memory_space<hbm>>
      %dma_start3A_1155 = tpu.memref_squeeze %dma_start3A_1154 : memref<1x66x66xf32, #tpu.memory_space<hbm>> -> memref<66x66xf32, #tpu.memory_space<hbm>>
      %dma_start3A_1156 = arith.constant 0 : i32
      %dma_start3A_1157 = arith.constant 0 : i32
      %dma_start3A_1158 = tpu.memref_slice %arg4[%add3A_1121, %dma_start3A_1156, %dma_start3A_1157] : memref<192x66x66xf32, #tpu.memory_space<hbm>> -> memref<1x66x66xf32, #tpu.memory_space<hbm>>
      %dma_start3A_1159 = tpu.memref_squeeze %dma_start3A_1158 : memref<1x66x66xf32, #tpu.memory_space<hbm>> -> memref<66x66xf32, #tpu.memory_space<hbm>>
      tpu.enqueue_dma source(%arg10 : memref<66x66xf32, #tpu.memory_space<vmem>>) target(%dma_start3A_1159 : memref<66x66xf32, #tpu.memory_space<hbm>>) target_semaphore(%run_scoped3A : memref<!tpu.dma_semaphore, #tpu.memory_space<semaphore_mem>>)
      %dma_wait3A_1160 = arith.constant 0 : i32
      %dma_wait3A_1161 = arith.constant 0 : i32
      %dma_wait3A_1162 = tpu.memref_slice %arg4[%add3A_1121, %dma_wait3A_1160, %dma_wait3A_1161] : memref<192x66x66xf32, #tpu.memory_space<hbm>> -> memref<1x66x66xf32, #tpu.memory_space<hbm>>
      %dma_wait3A_1163 = tpu.memref_squeeze %dma_wait3A_1162 : memref<1x66x66xf32, #tpu.memory_space<hbm>> -> memref<66x66xf32, #tpu.memory_space<hbm>>
      %dma_wait3A_1164 = arith.constant 0 : i32
      %dma_wait3A_1165 = arith.constant 0 : i32
      %dma_wait3A_1166 = tpu.memref_slice %arg4[%add3A_1121, %dma_wait3A_1164, %dma_wait3A_1165] : memref<192x66x66xf32, #tpu.memory_space<hbm>> -> memref<1x66x66xf32, #tpu.memory_space<hbm>>
      %dma_wait3A_1167 = tpu.memref_squeeze %dma_wait3A_1166 : memref<1x66x66xf32, #tpu.memory_space<hbm>> -> memref<66x66xf32, #tpu.memory_space<hbm>>
      tpu.wait_dma2 semaphore(%run_scoped3A : memref<!tpu.dma_semaphore, #tpu.memory_space<semaphore_mem>>) src(%arg10 : memref<66x66xf32, #tpu.memory_space<vmem>>) dst(%dma_wait3A_1167 : memref<66x66xf32, #tpu.memory_space<hbm>>)
      tpu.yield
    }) : () -> ()
    %dma_wait3A_1131 = tpu.memref_slice %arg2[%select_n3A_971, %sub3A_1043, %multiple_of3A_1072, %multiple_of3A_1104] : memref<64x3x512x512xf32, #tpu.memory_space<hbm>> -> memref<1x1x80x128xf32, #tpu.memory_space<hbm>>
    %dma_wait3A_1132 = tpu.memref_squeeze %dma_wait3A_1131 : memref<1x1x80x128xf32, #tpu.memory_space<hbm>> -> memref<80x128xf32, #tpu.memory_space<hbm>>
    %dma_wait3A_1133 = tpu.memref_slice %arg2[%select_n3A_971, %sub3A_1043, %multiple_of3A_1072, %multiple_of3A_1104] : memref<64x3x512x512xf32, #tpu.memory_space<hbm>> -> memref<1x1x80x128xf32, #tpu.memory_space<hbm>>
    %dma_wait3A_1134 = tpu.memref_squeeze %dma_wait3A_1133 : memref<1x1x80x128xf32, #tpu.memory_space<hbm>> -> memref<80x128xf32, #tpu.memory_space<hbm>>
    tpu.wait_dma2 semaphore(%arg12 : memref<!tpu.dma_semaphore, #tpu.memory_space<semaphore_mem>>) src(%dma_wait3A_1134 : memref<80x128xf32, #tpu.memory_space<hbm>>) dst(%arg8 : memref<80x128xf32, #tpu.memory_space<vmem>>)
    %dma_wait3A_1135 = tpu.memref_slice %arg2[%select_n3A_971, %sub3A_1043, %multiple_of3A_1072, %multiple_of3A_1111] : memref<64x3x512x512xf32, #tpu.memory_space<hbm>> -> memref<1x1x80x128xf32, #tpu.memory_space<hbm>>
    %dma_wait3A_1136 = tpu.memref_squeeze %dma_wait3A_1135 : memref<1x1x80x128xf32, #tpu.memory_space<hbm>> -> memref<80x128xf32, #tpu.memory_space<hbm>>
    %dma_wait3A_1137 = tpu.memref_slice %arg2[%select_n3A_971, %sub3A_1043, %multiple_of3A_1072, %multiple_of3A_1111] : memref<64x3x512x512xf32, #tpu.memory_space<hbm>> -> memref<1x1x80x128xf32, #tpu.memory_space<hbm>>
    %dma_wait3A_1138 = tpu.memref_squeeze %dma_wait3A_1137 : memref<1x1x80x128xf32, #tpu.memory_space<hbm>> -> memref<80x128xf32, #tpu.memory_space<hbm>>
    tpu.wait_dma2 semaphore(%arg12 : memref<!tpu.dma_semaphore, #tpu.memory_space<semaphore_mem>>) src(%dma_wait3A_1138 : memref<80x128xf32, #tpu.memory_space<hbm>>) dst(%arg9 : memref<80x128xf32, #tpu.memory_space<vmem>>)
    %mul3A_1139 = arith.constant 6 : i32
    %mul3A_1140 = arith.muli %add3A, %mul3A_1139 : i32
    %add3A_1141 = arith.constant 5 : i32
    %add3A_1142 = arith.addi %mul3A_1140, %add3A_1141 : i32
    %sub3A_1143 = arith.constant 128 : i32
    %sub3A_1144 = arith.subi %sub3A_1143, %sub3A_1117 : i32
    %scan3A_1145 = arith.constant 0 : i32
    %scan3A_1146 = arith.constant 0 : i32
    %scan3A_1147 = arith.constant 66 : i32
    %scan3A_1148 = arith.addi %scan3A_1146, %scan3A_1147 : i32
    %scan3A_1149 = arith.constant 1 : i32
    %scan3A_1150 = scf.for %scan3A_1152 = %scan3A_1146 to %scan3A_1148 step %scan3A_1149 iter_args(%scan3A_1153 = %scan3A_1145) -> (i32)  : i32 {
      %add3A_1154 = arith.addi %sub3A_1116, %scan3A_1152 : i32
      %add3A_1155 = arith.constant 0 : i32
      %add3A_1156 = arith.addi %sub3A_1117, %add3A_1155 : i32
      %get3A_1157 = arith.index_cast %add3A_1154 : i32 to index
      %get3A_1158 = arith.index_cast %add3A_1156 : i32 to index
      %get3A_1159 = tpu.vector_load %arg8[%get3A_1157, %get3A_1158] {strides = array<i32>} : memref<80x128xf32, #tpu.memory_space<vmem>>, vector<16xf32>,
      %add3A_1160 = arith.addi %sub3A_1116, %scan3A_1152 : i32
      %add3A_1161 = arith.constant 0 : i32
      %add3A_1162 = arith.addi %sub3A_1117, %add3A_1161 : i32
      %sub3A_1163 = arith.constant 128 : i32
      %sub3A_1164 = arith.subi %add3A_1162, %sub3A_1163 : i32
      %get3A_1165 = arith.index_cast %add3A_1160 : i32 to index
      %get3A_1166 = arith.index_cast %sub3A_1164 : i32 to index
      %get3A_1167 = tpu.vector_load %arg9[%get3A_1165, %get3A_1166] {strides = array<i32>} : memref<80x128xf32, #tpu.memory_space<vmem>>, vector<16xf32>,
      %add3A_1168 = arith.constant 0 : i32
      %add3A_1169 = vector.broadcast %add3A_1168 : i32 to vector<16xi32>
      %add3A_1170 = arith.addi %iota3A, %add3A_1169 : vector<16xi32>
      %lt3A = vector.broadcast %sub3A_1144 : i32 to vector<16xi32>
      %lt3A_1171 = arith.cmpi slt, %add3A_1170, %lt3A : vector<16xi32>
      %select_n3A_1172 = arith.select %lt3A_1171, %get3A_1159, %get3A_1167 : vector<16xi1>, vector<16xf32>
      %swap3A = arith.index_cast %scan3A_1152 : i32 to index
      %swap3A_1173 = arith.constant 0 : index
      %swap3A_1174 = tpu.vector_load %arg10[%swap3A, %swap3A_1173] {strides = array<i32>} : memref<66x66xf32, #tpu.memory_space<vmem>>, vector<16xf32>,
      tpu.vector_store %arg10[%swap3A, %swap3A_1173], %select_n3A_1172 {strides = array<i32>} : memref<66x66xf32, #tpu.memory_space<vmem>>, vector<16xf32>,
      %add3A_1175 = arith.addi %sub3A_1116, %scan3A_1152 : i32
      %add3A_1176 = arith.constant 16 : i32
      %add3A_1177 = arith.addi %sub3A_1117, %add3A_1176 : i32
      %get3A_1178 = arith.index_cast %add3A_1175 : i32 to index
      %get3A_1179 = arith.index_cast %add3A_1177 : i32 to index
      %get3A_1180 = tpu.vector_load %arg8[%get3A_1178, %get3A_1179] {strides = array<i32>} : memref<80x128xf32, #tpu.memory_space<vmem>>, vector<16xf32>,
      %add3A_1181 = arith.addi %sub3A_1116, %scan3A_1152 : i32
      %add3A_1182 = arith.constant 16 : i32
      %add3A_1183 = arith.addi %sub3A_1117, %add3A_1182 : i32
      %sub3A_1184 = arith.constant 128 : i32
      %sub3A_1185 = arith.subi %add3A_1183, %sub3A_1184 : i32
      %get3A_1186 = arith.index_cast %add3A_1181 : i32 to index
      %get3A_1187 = arith.index_cast %sub3A_1185 : i32 to index
      %get3A_1188 = tpu.vector_load %arg9[%get3A_1186, %get3A_1187] {strides = array<i32>} : memref<80x128xf32, #tpu.memory_space<vmem>>, vector<16xf32>,
      %add3A_1189 = arith.constant 16 : i32
      %add3A_1190 = vector.broadcast %add3A_1189 : i32 to vector<16xi32>
      %add3A_1191 = arith.addi %iota3A, %add3A_1190 : vector<16xi32>
      %lt3A_1192 = vector.broadcast %sub3A_1144 : i32 to vector<16xi32>
      %lt3A_1193 = arith.cmpi slt, %add3A_1191, %lt3A_1192 : vector<16xi32>
      %select_n3A_1194 = arith.select %lt3A_1193, %get3A_1180, %get3A_1188 : vector<16xi1>, vector<16xf32>
      %swap3A_1195 = arith.index_cast %scan3A_1152 : i32 to index
      %swap3A_1196 = arith.constant 16 : index
      %swap3A_1197 = tpu.vector_load %arg10[%swap3A_1195, %swap3A_1196] {strides = array<i32>} : memref<66x66xf32, #tpu.memory_space<vmem>>, vector<16xf32>,
      tpu.vector_store %arg10[%swap3A_1195, %swap3A_1196], %select_n3A_1194 {strides = array<i32>} : memref<66x66xf32, #tpu.memory_space<vmem>>, vector<16xf32>,
      %add3A_1198 = arith.addi %sub3A_1116, %scan3A_1152 : i32
      %add3A_1199 = arith.constant 32 : i32
      %add3A_1200 = arith.addi %sub3A_1117, %add3A_1199 : i32
      %get3A_1201 = arith.index_cast %add3A_1198 : i32 to index
      %get3A_1202 = arith.index_cast %add3A_1200 : i32 to index
      %get3A_1203 = tpu.vector_load %arg8[%get3A_1201, %get3A_1202] {strides = array<i32>} : memref<80x128xf32, #tpu.memory_space<vmem>>, vector<16xf32>,
      %add3A_1204 = arith.addi %sub3A_1116, %scan3A_1152 : i32
      %add3A_1205 = arith.constant 32 : i32
      %add3A_1206 = arith.addi %sub3A_1117, %add3A_1205 : i32
      %sub3A_1207 = arith.constant 128 : i32
      %sub3A_1208 = arith.subi %add3A_1206, %sub3A_1207 : i32
      %get3A_1209 = arith.index_cast %add3A_1204 : i32 to index
      %get3A_1210 = arith.index_cast %sub3A_1208 : i32 to index
      %get3A_1211 = tpu.vector_load %arg9[%get3A_1209, %get3A_1210] {strides = array<i32>} : memref<80x128xf32, #tpu.memory_space<vmem>>, vector<16xf32>,
      %add3A_1212 = arith.constant 32 : i32
      %add3A_1213 = vector.broadcast %add3A_1212 : i32 to vector<16xi32>
      %add3A_1214 = arith.addi %iota3A, %add3A_1213 : vector<16xi32>
      %lt3A_1215 = vector.broadcast %sub3A_1144 : i32 to vector<16xi32>
      %lt3A_1216 = arith.cmpi slt, %add3A_1214, %lt3A_1215 : vector<16xi32>
      %select_n3A_1217 = arith.select %lt3A_1216, %get3A_1203, %get3A_1211 : vector<16xi1>, vector<16xf32>
      %swap3A_1218 = arith.index_cast %scan3A_1152 : i32 to index
      %swap3A_1219 = arith.constant 32 : index
      %swap3A_1220 = tpu.vector_load %arg10[%swap3A_1218, %swap3A_1219] {strides = array<i32>} : memref<66x66xf32, #tpu.memory_space<vmem>>, vector<16xf32>,
      tpu.vector_store %arg10[%swap3A_1218, %swap3A_1219], %select_n3A_1217 {strides = array<i32>} : memref<66x66xf32, #tpu.memory_space<vmem>>, vector<16xf32>,
      %add3A_1221 = arith.addi %sub3A_1116, %scan3A_1152 : i32
      %add3A_1222 = arith.constant 48 : i32
      %add3A_1223 = arith.addi %sub3A_1117, %add3A_1222 : i32
      %get3A_1224 = arith.index_cast %add3A_1221 : i32 to index
      %get3A_1225 = arith.index_cast %add3A_1223 : i32 to index
      %get3A_1226 = tpu.vector_load %arg8[%get3A_1224, %get3A_1225] {strides = array<i32>} : memref<80x128xf32, #tpu.memory_space<vmem>>, vector<16xf32>,
      %add3A_1227 = arith.addi %sub3A_1116, %scan3A_1152 : i32
      %add3A_1228 = arith.constant 48 : i32
      %add3A_1229 = arith.addi %sub3A_1117, %add3A_1228 : i32
      %sub3A_1230 = arith.constant 128 : i32
      %sub3A_1231 = arith.subi %add3A_1229, %sub3A_1230 : i32
      %get3A_1232 = arith.index_cast %add3A_1227 : i32 to index
      %get3A_1233 = arith.index_cast %sub3A_1231 : i32 to index
      %get3A_1234 = tpu.vector_load %arg9[%get3A_1232, %get3A_1233] {strides = array<i32>} : memref<80x128xf32, #tpu.memory_space<vmem>>, vector<16xf32>,
      %add3A_1235 = arith.constant 48 : i32
      %add3A_1236 = vector.broadcast %add3A_1235 : i32 to vector<16xi32>
      %add3A_1237 = arith.addi %iota3A, %add3A_1236 : vector<16xi32>
      %lt3A_1238 = vector.broadcast %sub3A_1144 : i32 to vector<16xi32>
      %lt3A_1239 = arith.cmpi slt, %add3A_1237, %lt3A_1238 : vector<16xi32>
      %select_n3A_1240 = arith.select %lt3A_1239, %get3A_1226, %get3A_1234 : vector<16xi1>, vector<16xf32>
      %swap3A_1241 = arith.index_cast %scan3A_1152 : i32 to index
      %swap3A_1242 = arith.constant 48 : index
      %swap3A_1243 = tpu.vector_load %arg10[%swap3A_1241, %swap3A_1242] {strides = array<i32>} : memref<66x66xf32, #tpu.memory_space<vmem>>, vector<16xf32>,
      tpu.vector_store %arg10[%swap3A_1241, %swap3A_1242], %select_n3A_1240 {strides = array<i32>} : memref<66x66xf32, #tpu.memory_space<vmem>>, vector<16xf32>,
      %add3A_1244 = arith.addi %sub3A_1116, %scan3A_1152 : i32
      %add3A_1245 = arith.constant 50 : i32
      %add3A_1246 = arith.addi %sub3A_1117, %add3A_1245 : i32
      %get3A_1247 = arith.index_cast %add3A_1244 : i32 to index
      %get3A_1248 = arith.index_cast %add3A_1246 : i32 to index
      %get3A_1249 = tpu.vector_load %arg8[%get3A_1247, %get3A_1248] {strides = array<i32>} : memref<80x128xf32, #tpu.memory_space<vmem>>, vector<16xf32>,
      %add3A_1250 = arith.addi %sub3A_1116, %scan3A_1152 : i32
      %add3A_1251 = arith.constant 50 : i32
      %add3A_1252 = arith.addi %sub3A_1117, %add3A_1251 : i32
      %sub3A_1253 = arith.constant 128 : i32
      %sub3A_1254 = arith.subi %add3A_1252, %sub3A_1253 : i32
      %get3A_1255 = arith.index_cast %add3A_1250 : i32 to index
      %get3A_1256 = arith.index_cast %sub3A_1254 : i32 to index
      %get3A_1257 = tpu.vector_load %arg9[%get3A_1255, %get3A_1256] {strides = array<i32>} : memref<80x128xf32, #tpu.memory_space<vmem>>, vector<16xf32>,
      %add3A_1258 = arith.constant 50 : i32
      %add3A_1259 = vector.broadcast %add3A_1258 : i32 to vector<16xi32>
      %add3A_1260 = arith.addi %iota3A, %add3A_1259 : vector<16xi32>
      %lt3A_1261 = vector.broadcast %sub3A_1144 : i32 to vector<16xi32>
      %lt3A_1262 = arith.cmpi slt, %add3A_1260, %lt3A_1261 : vector<16xi32>
      %select_n3A_1263 = arith.select %lt3A_1262, %get3A_1249, %get3A_1257 : vector<16xi1>, vector<16xf32>
      %swap3A_1264 = arith.index_cast %scan3A_1152 : i32 to index
      %swap3A_1265 = arith.constant 50 : index
      %swap3A_1266 = tpu.vector_load %arg10[%swap3A_1264, %swap3A_1265] {strides = array<i32>} : memref<66x66xf32, #tpu.memory_space<vmem>>, vector<16xf32>,
      tpu.vector_store %arg10[%swap3A_1264, %swap3A_1265], %select_n3A_1263 {strides = array<i32>} : memref<66x66xf32, #tpu.memory_space<vmem>>, vector<16xf32>,
      %scan3A_1267 = arith.constant 0 : i32
      scf.yield %scan3A_1267 : i32
    }
    %scan3A_1151 = arith.constant 66 : i32
    "tpu.region"() ({
      %run_scoped3A = tpu.sem_alloc : memref<!tpu.dma_semaphore, #tpu.memory_space<semaphore_mem>>
      %dma_start3A_1152 = arith.constant 0 : i32
      %dma_start3A_1153 = arith.constant 0 : i32
      %dma_start3A_1154 = tpu.memref_slice %arg4[%add3A_1142, %dma_start3A_1152, %dma_start3A_1153] : memref<192x66x66xf32, #tpu.memory_space<hbm>> -> memref<1x66x66xf32, #tpu.memory_space<hbm>>
      %dma_start3A_1155 = tpu.memref_squeeze %dma_start3A_1154 : memref<1x66x66xf32, #tpu.memory_space<hbm>> -> memref<66x66xf32, #tpu.memory_space<hbm>>
      %dma_start3A_1156 = arith.constant 0 : i32
      %dma_start3A_1157 = arith.constant 0 : i32
      %dma_start3A_1158 = tpu.memref_slice %arg4[%add3A_1142, %dma_start3A_1156, %dma_start3A_1157] : memref<192x66x66xf32, #tpu.memory_space<hbm>> -> memref<1x66x66xf32, #tpu.memory_space<hbm>>
      %dma_start3A_1159 = tpu.memref_squeeze %dma_start3A_1158 : memref<1x66x66xf32, #tpu.memory_space<hbm>> -> memref<66x66xf32, #tpu.memory_space<hbm>>
      tpu.enqueue_dma source(%arg10 : memref<66x66xf32, #tpu.memory_space<vmem>>) target(%dma_start3A_1159 : memref<66x66xf32, #tpu.memory_space<hbm>>) target_semaphore(%run_scoped3A : memref<!tpu.dma_semaphore, #tpu.memory_space<semaphore_mem>>)
      %dma_wait3A_1160 = arith.constant 0 : i32
      %dma_wait3A_1161 = arith.constant 0 : i32
      %dma_wait3A_1162 = tpu.memref_slice %arg4[%add3A_1142, %dma_wait3A_1160, %dma_wait3A_1161] : memref<192x66x66xf32, #tpu.memory_space<hbm>> -> memref<1x66x66xf32, #tpu.memory_space<hbm>>
      %dma_wait3A_1163 = tpu.memref_squeeze %dma_wait3A_1162 : memref<1x66x66xf32, #tpu.memory_space<hbm>> -> memref<66x66xf32, #tpu.memory_space<hbm>>
      %dma_wait3A_1164 = arith.constant 0 : i32
      %dma_wait3A_1165 = arith.constant 0 : i32
      %dma_wait3A_1166 = tpu.memref_slice %arg4[%add3A_1142, %dma_wait3A_1164, %dma_wait3A_1165] : memref<192x66x66xf32, #tpu.memory_space<hbm>> -> memref<1x66x66xf32, #tpu.memory_space<hbm>>
      %dma_wait3A_1167 = tpu.memref_squeeze %dma_wait3A_1166 : memref<1x66x66xf32, #tpu.memory_space<hbm>> -> memref<66x66xf32, #tpu.memory_space<hbm>>
      tpu.wait_dma2 semaphore(%run_scoped3A : memref<!tpu.dma_semaphore, #tpu.memory_space<semaphore_mem>>) src(%arg10 : memref<66x66xf32, #tpu.memory_space<vmem>>) dst(%dma_wait3A_1167 : memref<66x66xf32, #tpu.memory_space<hbm>>)
      tpu.yield
    }) : () -> ()
    return
  }
}

</mosaic_0001>

<sc_bundles>
// kernel: kernel.3.cloned.1.call-start
scs
__scs_entry_jumppad:
0x0: {  	(pc) =	sbr.rel $0x88, $3  }
0x1: {  	(tag) =	ssettag $0x0;
	lr =	simm.s32 $0x1  }
0x2: {  	[smem:$0x3F9F] =	sst lr;
	_ =	strace $0xD0000000  }
0x3: {  	_ = 	snop  }
0x4: {  	_ = 	snop  }
0x5: {  	_ = 	snop  }
0x6: {  	_ = 	snop  }
0x7: {  	_ = 	snop  }
__scs_overlays_trampoline_lowered:
0x8: {  	[smem:$0x3FAE] =	sst s0  }
0x9: {  	[smem:$0x3FAF] =	sst s1  }
0xa: {  	[smem:$0x3FB0] =	sst s2  }
0xb: {  	[smem:$0x3FB1] =	sst s3  }
0xc: {  	[smem:$0x3FB2] =	sst s4  }
0xd: {  	[smem:$0x3FB3] =	sst s5  }
0xe: {  	[smem:$0x3FB4] =	sst s6  }
0xf: {  	[smem:$0x3FB5] =	sst s7  }
0x10: {  	[smem:$0x3FB6] =	sst s8  }
0x11: {  	[smem:$0x3FB7] =	sst s9;
	s0 =	simm.s32 @!p0 $0x0  }
0x12: {  	s1 =	sld [smem:$0x3F9D];
	s0 =	simm.s32 @p0 $0x1  }
0x13: {  	[smem:$0x3FB8] =	sst s0;
	s0 =	simm.s32 @!p1 $0x0  }
0x14: {  	s2 =	sld [smem:$0x3F9C];
	s0 =	simm.s32 @p1 $0x1  }
0x15: {  	[smem:$0x3FB9] =	sst s0;
	s0 =	simm.s32 @!p2 $0x0  }
0x16: {  	s3 =	sld [smem:$0x3FDB];
	s0 =	simm.s32 @p2 $0x1  }
0x17: {  	s4 =	simm.s32 $0x1BF5;
	[smem:$0x3FBB] =	sst s0  }
0x18: {  	s0 =	sld [smem:$0x3F9E];
	_ =	swait.ge [sflag:s4], $0x0  }
0x19: {  	s7 =	sld [smem:$0x3F9F]  }
0x1a: {  	s8 =	sadd.s32 $0xFFFFE003, lr  }
0x1b: {  	s9 =	sadd.s32 $0xFFFFFEF7, lr;
	s5 =	simm.s32 $0xFFFFFFFF;
	p2 =	slt.u32 s8, $0xFFFFF086  }
0x1c: {  	p1 =	slt.u32 s9, $0xF7A;
	s5 =	simm.s32 @!p2 $0x0  }
0x1d: {  	s5 =	simm.s32 @p1 $0x1;
	p0 =	seq.s32 s7, s2  }
0x1e: {  	s7 =	smul.u32 @!p0 $0xF7A, s2;
	p2 =	seq.s32 @!p0 s5, $0x0  }
0x1f: {  	s9 =	smul.u32 $0xF7A, s1;
	s8 =	simm.s32 @!p0 $0x1BF5;
	p2 =	por !p2, p0  }
0x20: {  	[sflag:s8] =	ssyncset.s32 @!p0 $0xFFFFF086;
	s6 =	sadd.s32 @!p0 s3, s7;
	s7 =	simm.s32 @!p0 $0x108  }
0x21: {  	s3 =	sadd.s32 s3, s9;
	s6 =	sadd.s32 @!p0 $0x88, s6;
	s7 =	simm.s32 @p2 $0x1082  }
0x22: {  	[simem:s7], [sflag:s8] =	dma.local @!p0 [hbm:s6], $0xF7A  }
0x23: {  	s9 =	sor.u32 $0xD0000000, s2;
	s6 =	simm.s32 $0x108;
	_ =	swait.ge @!p0 [sflag:s8], $0x0  }
0x24: {  	s3 =	sadd.s32 $0x88, s3;
	s6 =	simm.s32 @!p1 $0x1082;
	[sflag:s4] =	ssyncset.s32 $0xFFFFF086  }
0x25: {  	[simem:s6], [sflag:s4] =	dma.local [hbm:s3], $0xF7A  }
0x26: {  	[smem:$0x3F9F] =	sst s1;
	(tag) =	ssettag s2;
	_ =	strace s9  }
0x27: {  	s1 =	sld [smem:$0x3FAF]  }
0x28: {  	s2 =	sld [smem:$0x3FB0]  }
0x29: {  	s4 =	sld [smem:$0x3FB2]  }
0x2a: {  	p0 =	seq.s32 s5, $0x0;
	s5 =	sld [smem:$0x3FB3]  }
0x2b: {  	s6 =	sld [smem:$0x3FB4]  }
0x2c: {  	s7 =	sld [smem:$0x3FB5]  }
0x2d: {  	s3 =	simm.s32 $0x108;
	s8 =	sld [smem:$0x3FB6]  }
0x2e: {  	s3 =	simm.s32 @!p0 $0x1082;
	s9 =	sld [smem:$0x3FB7]  }
0x2f: {  	lr =	sadd.s32 s0, s3;
	s0 =	sld [smem:$0x3FAE]  }
0x30: {  	s3 =	sld [smem:$0x3FB1]  }
0x31: {  	[smem:$0x3FBA] =	sst s10  }
0x32: {  	s10 =	sld [smem:$0x3FB8];
	_ =	sdelay $0x3  }
0x33: {  	p0 =	seq.s32 s10, $0x1;
	s10 =	sld [smem:$0x3FBA];
	_ =	sdelay $0x3  }
0x34: {  	[smem:$0x3FBA] =	sst s10  }
0x35: {  	s10 =	sld [smem:$0x3FB9];
	_ =	sdelay $0x3  }
0x36: {  	p1 =	seq.s32 s10, $0x1;
	s10 =	sld [smem:$0x3FBA];
	_ =	sdelay $0x3  }
0x37: {  	[smem:$0x3FBA] =	sst s10  }
0x38: {  	s10 =	sld [smem:$0x3FBB]  }
0x39: {  	_ = 	snop;
	(pc) =	sbr.ind lr, $3  }
0x3a: {  	_ = 	snop  }
0x3b: {  	_ = 	snop  }
0x3c: {  	p2 =	seq.s32 s10, $0x1;
	s10 =	sld [smem:$0x3FBA]  }
0x3d: {  	_ =	shalt  }
0x3e: {  	_ =	shalt  }
0x3f: {  	_ =	shalt  }
0x40: {  	_ =	shalt  }
0x41: {  	_ =	shalt  }
0x42: {  	_ =	shalt  }
0x43: {  	_ =	shalt  }
0x44: {  	_ =	shalt  }
0x45: {  	_ =	shalt  }
0x46: {  	_ =	shalt  }
0x47: {  	_ =	shalt  }
0x48: {  	_ =	shalt  }
0x49: {  	_ =	shalt  }
0x4a: {  	_ =	shalt  }
0x4b: {  	_ =	shalt  }
0x4c: {  	_ =	shalt  }
0x4d: {  	_ =	shalt  }
0x4e: {  	_ =	shalt  }
0x4f: {  	_ =	shalt  }
0x50: {  	_ =	shalt  }
0x51: {  	_ =	shalt  }
0x52: {  	_ =	shalt  }
0x53: {  	_ =	shalt  }
0x54: {  	_ =	shalt  }
0x55: {  	_ =	shalt  }
0x56: {  	_ =	shalt  }
0x57: {  	_ =	shalt  }
0x58: {  	_ =	shalt  }
0x59: {  	_ =	shalt  }
0x5a: {  	_ =	shalt  }
0x5b: {  	_ =	shalt  }
0x5c: {  	_ =	shalt  }
0x5d: {  	_ =	shalt  }
0x5e: {  	_ =	shalt  }
0x5f: {  	_ =	shalt  }
0x60: {  	_ =	shalt  }
0x61: {  	_ =	shalt  }
0x62: {  	_ =	shalt  }
0x63: {  	_ =	shalt  }
0x64: {  	_ =	shalt  }
0x65: {  	_ =	shalt  }
0x66: {  	_ =	shalt  }
0x67: {  	_ =	shalt  }
0x68: {  	_ =	shalt  }
0x69: {  	_ =	shalt  }
0x6a: {  	_ =	shalt  }
0x6b: {  	_ =	shalt  }
0x6c: {  	_ =	shalt  }
0x6d: {  	_ =	shalt  }
0x6e: {  	_ =	shalt  }
0x6f: {  	_ =	shalt  }
0x70: {  	_ =	shalt  }
0x71: {  	_ =	shalt  }
0x72: {  	_ =	shalt  }
0x73: {  	_ =	shalt  }
0x74: {  	_ =	shalt  }
0x75: {  	_ =	shalt  }
0x76: {  	_ =	shalt  }
0x77: {  	_ =	shalt  }
0x78: {  	_ =	shalt  }
0x79: {  	_ =	shalt  }
0x7a: {  	_ =	shalt  }
0x7b: {  	_ =	shalt  }
0x7c: {  	_ =	shalt  }
0x7d: {  	_ =	shalt  }
0x7e: {  	_ =	shalt  }
0x7f: {  	_ =	shalt  }
0x80: {  	_ =	shalt  }
0x81: {  	_ =	shalt  }
0x82: {  	_ =	shalt  }
0x83: {  	_ =	shalt  }
0x84: {  	_ =	shalt  }
0x85: {  	_ =	shalt  }
0x86: {  	_ =	shalt  }
0x87: {  	_ =	shalt  }
.Lfunc_end0:
.L_simem_size_0:
called_computation_lowered:
.L_overlay_start_0:
0x88: {  	s2 =	sld [smem:$0x3FD9]  }
0x89: {  	s3 =	sld [smem:$0x3FFE];
	_ =	sdelay $0x1  }
0x8a: {  	s1 =	srdreg.scid  }
0x8b: {  	s0 =	sand.u32 $0x1, s1  }
0x8c: {  	s17 =	sshll.u32 s0, $0xA;
	s2 =	sadd.s32 s3, s2  }
0x8d: {  	s2 =	sadd.s32 s2, s17  }
0x8e: {  	[smem:$0x3FC6] =	sst s2  }
0x8f: {  	_ = 	snop  }
0x90: {  	s2 =	sld [smem:$0x3FC9]  }
0x91: {  	s18 =	sld [smem:$0x3FD0];
	(tm) =	ssettm $0x1  }
0x92: {  	s4 =	sld [smem:$0x3FFB];
	_ =	sdelay $0x3  }
0x93: {  	_ =	strace s4  }
0x94: {  	s4 =	sld [smem:$0x3FFC];
	_ =	sdelay $0x3  }
0x95: {  	_ =	strace s4  }
0x96: {  	s4 =	sld [smem:$0x3FFD];
	_ =	sdelay $0x3  }
0x97: {  	_ =	strace s4  }
0x98: {  	_ =	strace $0x8FFFFFFF  }
0x99: {  	s19 =	sld [smem:$0x3FDB];
	_ =	sdelay $0x1  }
0x9a: {  	s5 =	simm.s32 $_scs_section_size  }
0x9b: {  	s6 =	simm.s32 $_size__tile_overlayer_lowered;
	s7 =	simm.s32 $_tile_overlayer_lowered  }
0x9c: {  	s22 =	simm.s32 $0x1BFF;
	s21 =	sshll.u32 s7, $0x1;
	s4 =	sadd.s32 s5, s19  }
0x9d: {  	s8 =	simm.s32 $0x0;
	s20 =	sshll.u32 s6, $0x1;
	s6 =	sadd.s32 s21, s4  }
0x9e: {  	[timem:s8], [sflag:s22] =	dma.local [hbm:s6], s20  }
0x9f: {  	_ =	swait.ge [sflag:s22], s20  }
0xa0: {  	s5 =	ssub.s32 $0x0, s20;
	[sflag:s22] =	ssyncset.done $0x0  }
0xa1: {  	[sflag:s22] =	ssyncadd.s32 s5;
	_ =	sdelay $0x1  }
0xa2: {  	s23 =	simm.s32 $0x1B8B  }
0xa3: {  	_ =	swait.ge [sflag:s23], $0x1  }
0xa4: {  	[sflag:s23] =	ssyncset.done $0x0  }
0xa5: {  	s25 =	simm.s32 $0x1B8E;
	s24 =	sld [smem:$0x3FFE];
	[sflag:s23] =	ssyncadd.s32 $0xFFFFFFFF  }
0xa6: {  	s26 =	simm.s32 $execute0_lowered;
	[smem:$0x3FD2] =	sst s25  }
0xa7: {  	s6 =	sshll.u32 s26, $0x1;
	_ =	strace $0x80000046;
	[dreg:$0x1] =	wrdreg $0xFFFFFFFF  }
0xa8: {  	s28 =	simm.s32 $_size_execute0_lowered;
	s4 =	sadd.s32 s4, s6;
	[dreg:$0x0] =	wrdreg $0x0  }
0xa9: {  	s6 =	sshll.u32 s28, $0x1;
	[dreg:$0x2] =	wrdreg s4  }
0xaa: {  	[dreg:$0x3] =	wrdreg s6  }
0xab: {  	[dreg:$0x4] =	wrdreg $0xC0  }
0xac: {  	_ =	task [dreg:s8], $0x5FFFF  }
0xad: {  	[dreg:$0x1] =	wrdreg $0xFFFFFFFF  }
0xae: {  	[dreg:$0x0] =	wrdreg $0x60  }
0xaf: {  	[dreg:$0x2] =	wrdreg s2  }
0xb0: {  	[dreg:$0x3] =	wrdreg s18  }
0xb1: {  	[dreg:$0x4] =	wrdreg s24  }
0xb2: {  	[dreg:$0x5] =	wrdreg $0x9  }
0xb3: {  	_ =	task.clear_ibuf [dreg:s8], $0x6FFFF;
	_ =	strace $0x90000046  }
0xb4: {  	s29 =	simm.s32 $0x9;
	_ =	strace $0x80000048  }
0xb5: {  	_ =	swait.ge [sflag:s29], $0x1  }
0xb6: {  	[sflag:s29] =	ssyncadd.s32 $0xFFFFFFFF  }
0xb7: {  	_ =	strace $0x90000048  }
0xb8: {  	_ =	sfence  }
0xb9: {  	s30 =	sld [smem:$0x0];
	_ =	sdelay $0x2  }
0xba: {  	s31 =	sshll.u32 s1, $0xD;
	s1 =	sshrl.u32 s1, $0x2  }
0xbb: {  	s3 =	sand.u32 $0x4000, s31;
	s1 =	sadd.s32 s1, s30  }
0xbc: {  	s0 =	sor.u32 s3, s0;
	s1 =	sshll.u32 s1, $0x11  }
0xbd: {  	s0 =	sor.u32 s1, s0  }
0xbe: {  	s0 =	sadd.s32 $0x8F2B, s0  }
0xbf: {  	[sflag:s0] =	ssyncadd.remote.s32 $0x1  }
0xc0: {  	_ =	sfence.sel $0xFFFF  }
0xc1: {  	[dreg:$0x0] =	wrdreg $0xFFFFFFFF;
	(pc) =	sbr.abs _section_cstart, $3  }
0xc2: {  	[dreg:$0x1] =	wrdreg $0xFFFFFFFF  }
0xc3: {  	_ =	task.clear_ibuf [dreg:s8], $0x2FFFF;
	_ =	strace $0x9FFFFFFF  }
0xc4: {  	(tm) =	ssettm $0x7FFFFFFF  }
0xc5: {  	_ =	shalt  }
tec
execute0_lowered:
.L_overlay_start_1:
0x0: {  	(tag) =	ssettag $0x1  }
0x1: {  	s0 =	srdreg.scid  }
0x2: {  	s10 =	stileid.u32;
	s1 =	rddreg [dreg:$0x0]  }
0x3: {  	s3 =	rddreg [dreg:$0x2];
	s19 =	simm.s32 $0x0;
	s14 =	simm.s32 $0x1  }
0x4: {  	s28 =	simm.s32 $0x1000;
	s29 =	simm.s32 $0x80;
	s30 =	simm.s32 $0x2880  }
0x5: {  	s31 =	simm.s32 $0x5080;
	s0 =	sand.u32 $0x1, s0;
	s2 =	sshll.u32 s10, $0x1  }
0x6: {  	[smem:$0x7FF] =	sst s19;
	s4 =	sadd.s32 $0x400, s3;
	s8 =	sshll.u32 s10, $0x3  }
0x7: {  	s21 =	sshrl.u32 s10, $0x1;
	s5 =	sor.u32 s0, s2;
	_ =	strace $0x80000047  }
0x8: {  	s0 =	ssub.s32 $0x2, s0;
	s8 =	sand.u32 $0x70, s8;
	s2 =	smul.u32 $0x6, s5  }
0x9: {  	s17 =	sshrl.u32 s0, $0x1;
	s9 =	sshll.u32 s5, $0x2;
	s20 =	smul.u32 $0x180000, s5  }
0xa: {  	[dreg:$0x4] =	wrdreg s8;
	s23 =	smul.u32 $0x1B00, s5;
	p5 =	seq.s32 s5, $0x0  }
0xb: {  	s0 =	ssub.s32 s0, s17;
	s3 =	ssub.s32 s9, s8;
	s9 =	simm.s32 $0x1  }
0xc: {  	s6 =	sor.u32 $0x1, s2;
	[dreg:$0x5] =	wrdreg s20;
	s10 =	sadd.s32 $0x2, s2  }
0xd: {  	s25 =	sadd.s32 $0x3, s2;
	s0 =	smax.u32 s0, $0x1;
	s7 =	smul.u32 $0xAB, s6  }
0xe: {  	p0 =	slt.u32 s6, $0x3;
	s12 =	sand.u32 $0xFE, s10;
	s16 =	sand.u32 $0xFF, s25  }
0xf: {  	[dreg:$0x13] =	wrdreg s0;
	s15 =	smul.u32 $0xAB, s16;
	s7 =	sshrl.u32 s7, $0x9  }
0x10: {  	s12 =	smul.u32 $0xAB, s12;
	s18 =	sand.u32 $0x7, s7;
	s7 =	sand.u32 $0x7F, s7  }
0x11: {  	s16 =	sshrl.u32 s15, $0x9;
	p1 =	sne.s32 s18, $0x0;
	s11 =	smul.u32 $0xFFFFFFFD, s7  }
0x12: {  	s0 =	simm.s32 $0xA080;
	s20 =	smul.u32 $0xFFFFFFFD, s16;
	p0 =	por !p0, !p1  }
0x13: {  	s17 =	sshrl.u32 s12, $0xC;
	s13 =	sshll.u32 s7, $0x1;
	p0 =	por !p0, !p0  }
0x14: {  	s22 =	sadd.s32 s6, s11;
	s6 =	smul.u32 $0x480, s6;
	s5 =	sadd.s32 s25, s20  }
0x15: {  	s7 =	smul.u32 $0xC0000, s7;
	s9 =	simm.s32 @!p0 $0x0;
	s5 =	sshll.u32 s5, $0x12  }
0x16: {  	s8 =	ssub.s32 s21, s9;
	s21 =	sadd.s32 $0x4, s2;
	s6 =	sadd.s32 s4, s6  }
0x17: {  	s2 =	sadd.s32 $0x5, s2;
	s9 =	sshll.u32 s8, $0x4;
	[dreg:$0xa] =	wrdreg s6  }
0x18: {  	s8 =	sshll.u32 s22, $0x12;
	s22 =	smul.u32 $0xC0000, s16;
	[dreg:$0x6] =	wrdreg s9  }
0x19: {  	s11 =	ssub.s32 s13, s9;
	s13 =	sshrl.u32 s12, $0x9;
	s7 =	sadd.s32 s7, s8  }
0x1a: {  	s9 =	sadd.s32 s4, s23;
	s23 =	sand.u32 $0xFE, s21;
	s26 =	smul.u32 $0xFFFFFFFD, s13  }
0x1b: {  	[dreg:$0x7] =	wrdreg s7;
	s24 =	sand.u32 $0x7, s13;
	s18 =	smul.u32 $0xC0000, s13  }
0x1c: {  	s13 =	sshll.u32 s13, $0x1;
	s5 =	sadd.s32 s22, s5;
	p6 =	sne.s32 s24, $0x0  }
0x1d: {  	s24 =	smul.u32 $0xAB, s23;
	[dreg:$0xb] =	wrdreg s5;
	p0 =	por !p5, !p6  }
0x1e: {  	s8 =	sadd.s32 s10, s26;
	s10 =	smul.u32 $0x480, s10;
	s26 =	sshrl.u32 s15, $0x8  }
0x1f: {  	p0 =	por !p0, !p0;
	s8 =	sshll.u32 s8, $0x12;
	s25 =	sshrl.u32 s24, $0x9  }
0x20: {  	s15 =	sand.u32 $0xF0, s26;
	s14 =	simm.s32 @!p0 $0x0;
	s8 =	sadd.s32 s18, s8  }
0x21: {  	s4 =	sadd.s32 s4, s10;
	s12 =	smul.u32 $0xFFFFFFFD, s25;
	[dreg:$0xd] =	wrdreg s15  }
0x22: {  	s18 =	sand.u32 $0xFF, s2;
	s5 =	smul.u32 $0xC0000, s25;
	[dreg:$0x8] =	wrdreg s8  }
0x23: {  	s7 =	ssub.s32 s17, s14;
	[dreg:$0xc] =	wrdreg s4;
	s14 =	sshll.u32 s16, $0x1  }
0x24: {  	s20 =	smul.u32 $0xAB, s18;
	s18 =	simm.s32 $0x1;
	s17 =	sshll.u32 s7, $0x4  }
0x25: {  	s4 =	sadd.s32 s21, s12;
	s21 =	sshll.u32 s25, $0x1;
	s22 =	ssub.s32 s14, s15  }
0x26: {  	s25 =	sor.u32 $0x1, s11;
	[dreg:$0x9] =	wrdreg s17;
	s13 =	ssub.s32 s13, s17  }
0x27: {  	v0 =	vlaneseq.u32;
	v1 =	vmov s3;
	s17 =	sshrl.u32 s24, $0x8;
	s23 =	sshrl.u32 s20, $0x9;
	s6 =	sshrl.u32 s20, $0x8  }
0x28: {  	vm3 =	veq.s32 v1, v0;
	v3 =	vmov s11;
	s24 =	sor.u32 $0x1, s3;
	s12 =	sor.u32 $0x1, s22;
	s15 =	sshll.u32 s4, $0x12  }
0x29: {  	v1 =	vadd.s32 $0x32, v0;
	vm1 =	veq.s32 v3, v0;
	v4 =	vmov s25;
	s25 =	sadd.s32 $0x1200, s9;
	s4 =	simm.s32 $0x0;
	s16 =	sand.u32 $0xF0, s17  }
0x2a: {  	v3 =	vor.u32 $0x20, v0;
	v7 =	vmov s22;
	v2 =	vmov s24;
	s17 =	sand.u32 $0xF0, s6;
	s26 =	sor.u32 $0x1, s13;
	s14 =	smul.u32 $0xFFFFFFFD, s23  }
0x2b: {  	v5 =	vmov s13;
	s13 =	sshll.u32 s23, $0x1;
	v8 =	vmov s12;
	s23 =	smul.u32 $0xC0000, s23;
	s3 =	sadd.s32 s5, s15;
	vm0 =	veq.s32 v4, v0  }
0x2c: {  	v4 =	vimm.s32 $0x0;
	s24 =	sadd.s32 $0xD80, s9;
	[dreg:$0x11] =	wrdreg s25;
	s25 =	simm.s32 $0x3;
	vm7 =	veq.s32 v7, v0;
	v6 =	vmov s26  }
0x2d: {  	s7 =	ssub.s32 s21, s16;
	s20 =	ssub.s32 s13, s17;
	[dreg:$0xe] =	wrdreg s3;
	v4 =	vsel vm0, $0xFFFFFFFF, v4;
	vm2 =	veq.s32 v2, v0;
	v2 =	vor.u32 $0x30, v0  }
0x2e: {  	[dreg:$0xf] =	wrdreg s24;
	s26 =	sadd.s32 $0x1680, s9;
	vm5 =	veq.s32 v5, v0;
	vm6 =	veq.s32 v8, v0;
	v9 =	vmov s7;
	s2 =	sadd.s32 s2, s14  }
0x2f: {  	s21 =	sor.u32 $0x1, s7;
	s22 =	sor.u32 $0x1, s20;
	v11 =	vmov s20;
	[tilespmem:$0x1FFF0] =	vst v4;
	v4 =	vor.u32 $0x10, v0;
	vm4 =	veq.s32 v6, v0;
	s2 =	sshll.u32 s2, $0x12  }
0x30: {  	s3 =	simm.s32 $0x2;
	[dreg:$0x12] =	wrdreg s26;
	v10 =	vmov s21;
	v12 =	vmov s22;
	vm9 =	veq.s32 v9, v0;
	s2 =	sadd.s32 s23, s2  }
0x31: {  	s26 =	simm.s32 $0x400;
	vm11 =	veq.s32 v11, v0;
	vm8 =	veq.s32 v10, v0;
	vm10 =	veq.s32 v12, v0;
	[dreg:$0x10] =	wrdreg s2;
	s2 =	simm.s32 $0x7880  }
.LBB2_1:
0x32: {  	s5 =	rddreg [dreg:$0x1]  }
0x33: {  	[tilespmem:s19], [sflag:$0x3] =	stream.linear.gather [hbm4b:s5+s19], $0x80, $0x38;
	[tilespmem:$0xC480] =	vst v63  }
0x34: {  	_ =	swait.ge [sflag:s25], $0x80  }
0x35: {  	[sflag:s25] =	ssyncset.done $0x0  }
0x36: {  	s21 =	rddreg [dreg:$0x4];
	[sflag:s25] =	ssyncadd.s32 $0xFFFFFF80  }
0x37: {  	v5 =	vld [tilespmem:s21+$0x0];
	_ =	sdelay $0x4  }
0x38: {  	v5 =	vmul.f32 $4.460000000e+02, v5;
	_ =	sdelay $0x1  }
0x39: {  	v5 =	vtrunc.f32 v5  }
0x3a: {  	v5 =	vcvt.f32.s32 v5;
	_ =	sdelay $0x1  }
0x3b: {  	vm0 =	vgt.s32 v5, $0x0  }
0x3c: {  	v5 =	vnsel vm0, $0x0, v5  }
0x3d: {  	v5 =	vmin.u32 v5, $0x1BE  }
0x3e: {  	v5 =	vor.u32 $0x80000000, v5  }
0x3f: {  	v6 =	vnsel vm3, $0x80000000, v5  }
0x40: {  	(xrf0) =	vmax.scan.msk.u32 $0xffff, v6;
	_ =	sdelay $0x4  }
0x41: {  	v5 =	vnsel vm2, $0x80000000, v5  }
0x42: {  	v6, _, _ =	vpop (xrf0);
	(xrf0) =	vmax.scan.msk.u32 $0xffff, v5;
	_ =	sdelay $0x1  }
0x43: {  	(v2sf) =	vpush v6, $0xF;
	_ =	sdelay $0x3  }
0x44: {  	v5, _, _ =	vpop (xrf0)  }
0x45: {  	(v2sf) =	vpush v5, $0xF;
	_ =	sdelay $0x9  }
0x46: {  	s8 =	spop (v2sf)  }
0x47: {  	s10 =	simm.s32 $0x1;
	s22 =	sxor.u32 $0x80000000, s8  }
0x48: {  	p1 =	sgt.s32 s8, $0xFFFFFFFF;
	s6 =	sand.u32 $0x7, s8;
	p0 =	slt.s32 s22, $0x1  }
0x49: {  	s7 =	sshra.s32 s22, $0x1F;
	p3 =	sne.s32 s6, $0x0;
	p0 =	por p1, p0  }
0x4a: {  	s23 =	sshrl.u32 s7, $0x1D;
	s7 =	simm.s32 $0x1;
	p0 =	por !p3, !p0  }
0x4b: {  	s6 =	sadd.s32 s23, s22;
	p0 =	por !p0, !p0;
	s5 =	spop (v2sf)  }
0x4c: {  	s6 =	sshrl.u32 s6, $0x3;
	s7 =	simm.s32 @!p0 $0x0;
	s11 =	sxor.u32 $0x80000000, s5  }
0x4d: {  	p5 =	sgt.s32 s5, $0xFFFFFFFF;
	s21 =	sand.u32 $0x7F, s5;
	p4 =	slt.s32 s11, $0x1  }
0x4e: {  	s24 =	sshra.s32 s11, $0x1F;
	p6 =	sne.s32 s21, $0x0;
	p0 =	por p5, p4  }
0x4f: {  	s6 =	ssub.s32 s6, s7;
	s7 =	sshrl.u32 s24, $0x19;
	p0 =	por !p6, !p0  }
0x50: {  	s6 =	sshll.u32 s6, $0x3;
	s7 =	sadd.s32 s7, s11;
	p0 =	por !p0, !p0  }
0x51: {  	p1 =	slt.s32 s6, $0x1B0;
	s7 =	sshrl.u32 s7, $0x7;
	s10 =	simm.s32 @!p0 $0x0  }
0x52: {  	s6 =	simm.s32 @!p1 $0x1B0;
	s7 =	ssub.s32 s7, s10  }
0x53: {  	s10 =	rddreg [dreg:$0x5];
	s13 =	sshll.u32 s7, $0x7;
	s7 =	sshll.u32 s6, $0x9  }
0x54: {  	p0 =	slt.s32 s13, $0x100;
	s6 =	sadd.s32 s10, s7  }
0x55: {  	s13 =	simm.s32 @!p0 $0x100;
	s12 =	sshrl.u32 s6, $0x3  }
0x56: {  	s10 =	sadd.s32 s13, s12;
	s14 =	sshll.u32 s13, $0x3  }
0x57: {  	s10 =	sand.u32 $0x1FFFFFC0, s10;
	s6 =	sadd.s32 s6, s14  }
0x58: {  	s10 =	sadd.s32 s1, s10;
	s6 =	sadd.s32 $0x400, s6  }
0x59: {  	[tilespmem:s29], [sflag:$0x1] =	stream.strided.gather [hbm4b:s10+s26], $0x2800, s28, s26, $0x38;
	[tilespmem:$0xC480] =	vst v63  }
0x5a: {  	s6 =	sshrl.u32 s6, $0x3  }
0x5b: {  	s6 =	sadd.s32 s1, s6  }
0x5c: {  	[tilespmem:s30], [sflag:$0x1] =	stream.strided.gather [hbm4b:s6+s26], $0x2800, s28, s26, $0x38;
	[tilespmem:$0xC480] =	vst v63  }
0x5d: {  	_ =	swait.ge [sflag:s18], $0x2800  }
0x5e: {  	[sflag:s18] =	ssyncset.done $0x0  }
0x5f: {  	[sflag:s18] =	ssyncadd.s32 $0xFFFFD800  }
0x60: {  	_ =	swait.ge [sflag:s18], $0x2800  }
0x61: {  	[sflag:s18] =	ssyncset.done $0x0  }
0x62: {  	s15 =	rddreg [dreg:$0x6];
	[sflag:s18] =	ssyncadd.s32 $0xFFFFD800  }
0x63: {  	v5 =	vld [tilespmem:s15+$0x0];
	_ =	sdelay $0x4  }
0x64: {  	v5 =	vmul.f32 $4.460000000e+02, v5;
	_ =	sdelay $0x1  }
0x65: {  	v5 =	vtrunc.f32 v5  }
0x66: {  	v5 =	vcvt.f32.s32 v5;
	_ =	sdelay $0x1  }
0x67: {  	vm0 =	vgt.s32 v5, $0x0  }
0x68: {  	v5 =	vnsel vm0, $0x0, v5  }
0x69: {  	v5 =	vmin.u32 v5, $0x1BE  }
0x6a: {  	v5 =	vor.u32 $0x80000000, v5  }
0x6b: {  	v6 =	vnsel vm1, $0x80000000, v5  }
0x6c: {  	(xrf0) =	vmax.scan.msk.u32 $0xffff, v6;
	v6 =	vld [tilespmem:$0x1FFF0];
	_ =	sdelay $0x4  }
0x6d: {  	vm0 =	vnez.u8 v6  }
0x6e: {  	v5 =	vnsel vm0, $0x80000000, v5  }
0x6f: {  	v6, _, _ =	vpop (xrf0);
	(xrf0) =	vmax.scan.msk.u32 $0xffff, v5;
	_ =	sdelay $0x1  }
0x70: {  	(v2sf) =	vpush v6, $0xF;
	_ =	sdelay $0x3  }
0x71: {  	v5, _, _ =	vpop (xrf0)  }
0x72: {  	(v2sf) =	vpush v5, $0xF;
	_ =	sdelay $0x9  }
0x73: {  	s14 =	spop (v2sf)  }
0x74: {  	s19 =	sxor.u32 $0x80000000, s14;
	p2 =	sgt.s32 s14, $0xFFFFFFFF  }
0x75: {  	s20 =	sand.u32 $0x7, s14;
	p1 =	slt.s32 s19, $0x1;
	s12 =	sshra.s32 s19, $0x1F  }
0x76: {  	p3 =	sne.s32 s20, $0x0;
	p0 =	por p2, p1;
	s22 =	sshrl.u32 s12, $0x1D  }
0x77: {  	p0 =	por !p3, !p0;
	s10 =	sadd.s32 s22, s19;
	s19 =	simm.s32 $0x1  }
0x78: {  	s22 =	simm.s32 $0x1;
	p0 =	por !p0, !p0;
	s6 =	spop (v2sf)  }
0x79: {  	s10 =	sshrl.u32 s10, $0x3;
	s19 =	simm.s32 @!p0 $0x0;
	s12 =	sxor.u32 $0x80000000, s6  }
0x7a: {  	p5 =	sgt.s32 s6, $0xFFFFFFFF;
	s20 =	sand.u32 $0x7F, s6;
	p4 =	slt.s32 s12, $0x1  }
0x7b: {  	s23 =	sshra.s32 s12, $0x1F;
	p6 =	sne.s32 s20, $0x0;
	p0 =	por p5, p4  }
0x7c: {  	s10 =	ssub.s32 s10, s19;
	s19 =	sshrl.u32 s23, $0x19;
	p0 =	por !p6, !p0  }
0x7d: {  	s10 =	sshll.u32 s10, $0x3;
	s19 =	sadd.s32 s19, s12;
	p0 =	por !p0, !p0  }
0x7e: {  	p1 =	slt.s32 s10, $0x1B0;
	s19 =	sshrl.u32 s19, $0x7;
	s22 =	simm.s32 @!p0 $0x0  }
0x7f: {  	s10 =	simm.s32 @!p1 $0x1B0;
	s19 =	ssub.s32 s19, s22  }
0x80: {  	s15 =	rddreg [dreg:$0x7];
	s10 =	sshll.u32 s10, $0x9;
	s19 =	sshll.u32 s19, $0x7  }
0x81: {  	s24 =	sadd.s32 s10, s15;
	p0 =	slt.s32 s19, $0x100  }
0x82: {  	s23 =	sshrl.u32 s24, $0x3;
	s19 =	simm.s32 @!p0 $0x100  }
0x83: {  	s23 =	sadd.s32 s19, s23;
	s15 =	sshll.u32 s19, $0x3  }
0x84: {  	s23 =	sand.u32 $0x1FFFFFC0, s23;
	s22 =	sadd.s32 s24, s15  }
0x85: {  	s23 =	sadd.s32 s1, s23;
	s22 =	sadd.s32 $0x400, s22  }
0x86: {  	[tilespmem:s31], [sflag:$0x2] =	stream.strided.gather [hbm4b:s23+s26], $0x2800, s28, s26, $0x38;
	[tilespmem:$0xC480] =	vst v63  }
0x87: {  	s24 =	ssub.s32 s5, s13;
	s22 =	sshrl.u32 s22, $0x3  }
0x88: {  	s23 =	sshll.u32 s24, $0x2;
	s22 =	sadd.s32 s1, s22  }
0x89: {  	[tilespmem:s2], [sflag:$0x2] =	stream.strided.gather [hbm4b:s22+s26], $0x2800, s28, s26, $0x38;
	[tilespmem:$0xC480] =	vst v63  }
0x8a: {  	s15 =	sand.u32 $0xFFFFFE00, s23;
	s22 =	sshll.u32 s8, $0x9  }
0x8b: {  	s21 =	sshll.u32 s21, $0x2;
	s8 =	sadd.s32 s15, s22  }
0x8c: {  	s8 =	sor.u32 s21, s8  }
0x8d: {  	s8 =	ssub.s32 s8, s7  }
0x8e: {  	s8 =	sshra.s32 s8, $0x2  }
0x8f: {  	s24 =	sadd.s32 $0x80, s8  }
0x90: {  	s8 =	sadd.s32 $0x2800, s8;
	v5 =	vmov s24  }
0x91: {  	s21 =	sadd.s32 $0x10, s5;
	s24 =	sadd.s32 $0x40, s23;
	v6 =	vmov s8  }
0x92: {  	s15 =	sadd.s32 $0xFFFFFE40, s23;
	s21 =	sand.u32 $0x7F, s21;
	s24 =	sand.u32 $0xFFFFFE00, s24  }
0x93: {  	s21 =	sshll.u32 s21, $0x2;
	s8 =	sand.u32 $0xFFFFFE00, s15;
	s24 =	sadd.s32 s24, s22  }
0x94: {  	s15 =	sadd.s32 s8, s22;
	s8 =	simm.s32 $0x0;
	s24 =	sor.u32 s21, s24  }
0x95: {  	s15 =	sor.u32 s21, s15;
	s24 =	ssub.s32 s24, s7;
	v9 =	vld.idx.msk [tilespmem:v5+s8+$0x0 ss:$0x1], $0xffff  }
0x96: {  	s15 =	ssub.s32 s15, s7;
	s21 =	sshra.s32 s24, $0x2;
	v10 =	vld.idx.msk [tilespmem:v6+s8+$0x0 ss:$0x1], $0xffff  }
0x97: {  	s11 =	ssub.s32 s13, s11;
	s15 =	sshra.s32 s15, $0x2;
	s24 =	sadd.s32 $0x80, s21  }
0x98: {  	s11 =	sadd.s32 $0x80, s11;
	s13 =	sadd.s32 $0x2880, s15;
	v7 =	vmov s24  }
0x99: {  	v16 =	vmov s11;
	s15 =	sadd.s32 $0x20, s5;
	v8 =	vmov s13;
	s24 =	sadd.s32 $0x80, s23  }
0x9a: {  	vm12 =	vgt.s32 v16, v0;
	s21 =	sadd.s32 $0xFFFFFE80, s23;
	s11 =	sand.u32 $0x7F, s15;
	s15 =	sand.u32 $0xFFFFFE00, s24  }
0x9b: {  	s13 =	sand.u32 $0xFFFFFE00, s21;
	s11 =	sshll.u32 s11, $0x2;
	s15 =	sadd.s32 s15, s22;
	v9 =	vsel vm12, v9, v10  }
0x9c: {  	s13 =	sadd.s32 s13, s22;
	s15 =	sor.u32 s11, s15;
	[tilespmem:s8+$0xA080] =	vst v9  }
0x9d: {  	s11 =	sor.u32 s11, s13;
	s24 =	ssub.s32 s15, s7;
	v11 =	vld.idx.msk [tilespmem:v7+s8+$0x0 ss:$0x1], $0xffff  }
0x9e: {  	s11 =	ssub.s32 s11, s7;
	s13 =	sshra.s32 s24, $0x2;
	v12 =	vld.idx.msk [tilespmem:v8+s8+$0x0 ss:$0x1], $0xffff  }
0x9f: {  	s11 =	sshra.s32 s11, $0x2;
	s13 =	sadd.s32 $0x80, s13  }
0xa0: {  	s11 =	sadd.s32 $0x2880, s11;
	v9 =	vmov s13  }
0xa1: {  	s21 =	sadd.s32 $0xC0, s23;
	s15 =	sadd.s32 $0x30, s5;
	v10 =	vmov s11  }
0xa2: {  	vm13 =	vgt.s32 v16, v4;
	s24 =	sadd.s32 $0xFFFFFEC0, s23;
	s13 =	sand.u32 $0x7F, s15;
	s15 =	sand.u32 $0xFFFFFE00, s21  }
0xa3: {  	s11 =	sand.u32 $0xFFFFFE00, s24;
	s13 =	sshll.u32 s13, $0x2;
	s15 =	sadd.s32 s15, s22;
	v11 =	vsel vm13, v11, v12  }
0xa4: {  	s11 =	sadd.s32 s11, s22;
	s15 =	sor.u32 s13, s15;
	[tilespmem:s8+$0xA090] =	vst v11  }
0xa5: {  	s11 =	sor.u32 s13, s11;
	s15 =	ssub.s32 s15, s7;
	v13 =	vld.idx.msk [tilespmem:v9+s8+$0x0 ss:$0x1], $0xffff  }
0xa6: {  	s11 =	ssub.s32 s11, s7;
	s13 =	sshra.s32 s15, $0x2;
	v14 =	vld.idx.msk [tilespmem:v10+s8+$0x0 ss:$0x1], $0xffff  }
0xa7: {  	s11 =	sshra.s32 s11, $0x2;
	s13 =	sadd.s32 $0x80, s13  }
0xa8: {  	s11 =	sadd.s32 $0x2880, s11;
	v11 =	vmov s13  }
0xa9: {  	s5 =	sadd.s32 $0x32, s5;
	s21 =	sadd.s32 $0xC8, s23;
	v12 =	vmov s11  }
0xaa: {  	vm14 =	vgt.s32 v16, v3;
	s5 =	sand.u32 $0x7F, s5;
	s23 =	sadd.s32 $0xFFFFFEC8, s23;
	s11 =	sand.u32 $0xFFFFFE00, s21  }
0xab: {  	s5 =	sshll.u32 s5, $0x2;
	s13 =	sand.u32 $0xFFFFFE00, s23;
	s11 =	sadd.s32 s11, s22;
	v13 =	vsel vm14, v13, v14  }
0xac: {  	s13 =	sadd.s32 s13, s22;
	s11 =	sor.u32 s5, s11;
	[tilespmem:s8+$0xA0A0] =	vst v13  }
0xad: {  	s5 =	sor.u32 s5, s13;
	s11 =	ssub.s32 s11, s7;
	v15 =	vld.idx.msk [tilespmem:v11+s8+$0x0 ss:$0x1], $0xffff  }
0xae: {  	s5 =	ssub.s32 s5, s7;
	s24 =	sshra.s32 s11, $0x2;
	v17 =	vld.idx.msk [tilespmem:v12+s8+$0x0 ss:$0x1], $0xffff  }
0xaf: {  	s5 =	sshra.s32 s5, $0x2;
	s7 =	sadd.s32 $0x80, s24  }
0xb0: {  	s5 =	sadd.s32 $0x2880, s5;
	v13 =	vmov s7  }
0xb1: {  	v14 =	vmov s5  }
0xb2: {  	vm15 =	vgt.s32 v16, v2  }
0xb3: {  	v15 =	vsel vm15, v15, v17  }
0xb4: {  	[tilespmem:s8+$0xA0B0] =	vst v15  }
0xb5: {  	v15 =	vld.idx.msk [tilespmem:v13+s8+$0x0 ss:$0x1], $0xffff  }
0xb6: {  	vm0 =	vgt.s32 v16, v1;
	s5 =	simm.s32 $0x200;
	v16 =	vld.idx.msk [tilespmem:v14+s8+$0x0 ss:$0x1], $0xffff  }
.LBB2_2:
0xb7: {  	p0 =	sne.s32 s5, $0x8200;
	s7 =	smov.u32 s5;
	s5 =	sadd.s32 $0x200, s5  }
0xb8: {  	_ =	sdelay $0x2  }
0xb9: {  	v15 =	vsel vm0, v15, v16  }
0xba: {  	[tilespmem:s8+$0xA0B2] =	vst v15;
	s8 =	sshra.s32 s7, $0x2  }
0xbb: {  	v15 =	vld.idx.msk [tilespmem:v5+s8+$0x0 ss:$0x1], $0xffff  }
0xbc: {  	v16 =	vld.idx.msk [tilespmem:v6+s8+$0x0 ss:$0x1], $0xffff;
	_ =	sdelay $0x5  }
0xbd: {  	v15 =	vsel vm12, v15, v16  }
0xbe: {  	[tilespmem:s8+$0xA080] =	vst v15  }
0xbf: {  	v15 =	vld.idx.msk [tilespmem:v7+s8+$0x0 ss:$0x1], $0xffff  }
0xc0: {  	v16 =	vld.idx.msk [tilespmem:v8+s8+$0x0 ss:$0x1], $0xffff;
	_ =	sdelay $0x5  }
0xc1: {  	v15 =	vsel vm13, v15, v16  }
0xc2: {  	[tilespmem:s8+$0xA090] =	vst v15  }
0xc3: {  	v15 =	vld.idx.msk [tilespmem:v9+s8+$0x0 ss:$0x1], $0xffff  }
0xc4: {  	v16 =	vld.idx.msk [tilespmem:v10+s8+$0x0 ss:$0x1], $0xffff;
	_ =	sdelay $0x5  }
0xc5: {  	v15 =	vsel vm14, v15, v16  }
0xc6: {  	[tilespmem:s8+$0xA0A0] =	vst v15  }
0xc7: {  	v15 =	vld.idx.msk [tilespmem:v11+s8+$0x0 ss:$0x1], $0xffff  }
0xc8: {  	v16 =	vld.idx.msk [tilespmem:v12+s8+$0x0 ss:$0x1], $0xffff;
	_ =	sdelay $0x4  }
.Ltmp0:
0xc9: {  	(pc) =	sbr.rel @p0 .LBB2_2-.Ltmp0, $4  }
0xca: {  	v15 =	vsel vm15, v15, v16  }
0xcb: {  	[tilespmem:s8+$0xA0B0] =	vst v15  }
0xcc: {  	v15 =	vld.idx.msk [tilespmem:v13+s8+$0x0 ss:$0x1], $0xffff  }
0xcd: {  	v16 =	vld.idx.msk [tilespmem:v14+s8+$0x0 ss:$0x1], $0xffff  }
0xce: {  	_ =	sdelay $0x3  }
0xcf: {  	v5 =	vsel vm0, v15, v16  }
0xd0: {  	s5 =	simm.s32 $0x0;
	[tilespmem:s8+$0xA0B2] =	vst v5  }
0xd1: {  	[hbm4b:s9+s5] =	stream.linear.scatter [tilespmem:s0], [sflag:$0x3], $0x2100, $0x38;
	[tilespmem:$0xC480] =	vst v63  }
0xd2: {  	_ =	swait.ge [sflag:s25], $0x2100  }
0xd3: {  	[sflag:s25] =	ssyncset.done $0x0  }
0xd4: {  	[sflag:s25] =	ssyncadd.s32 $0xFFFFDF00  }
0xd5: {  	_ =	swait.ge [sflag:s3], $0x2800  }
0xd6: {  	[sflag:s3] =	ssyncset.done $0x0  }
0xd7: {  	[sflag:s3] =	ssyncadd.s32 $0xFFFFD800  }
0xd8: {  	_ =	swait.ge [sflag:s3], $0x2800  }
0xd9: {  	[sflag:s3] =	ssyncset.done $0x0  }
0xda: {  	s22 =	rddreg [dreg:$0x9];
	[sflag:s3] =	ssyncadd.s32 $0xFFFFD800  }
0xdb: {  	v5 =	vld [tilespmem:s22+$0x0];
	_ =	sdelay $0x4  }
0xdc: {  	v5 =	vmul.f32 $4.460000000e+02, v5;
	_ =	sdelay $0x1  }
0xdd: {  	v5 =	vtrunc.f32 v5  }
0xde: {  	v5 =	vcvt.f32.s32 v5;
	_ =	sdelay $0x1  }
0xdf: {  	vm0 =	vgt.s32 v5, $0x0  }
0xe0: {  	v5 =	vnsel vm0, $0x0, v5  }
0xe1: {  	v5 =	vmin.u32 v5, $0x1BE  }
0xe2: {  	v5 =	vor.u32 $0x80000000, v5  }
0xe3: {  	v6 =	vnsel vm5, $0x80000000, v5  }
0xe4: {  	(xrf0) =	vmax.scan.msk.u32 $0xffff, v6;
	_ =	sdelay $0x4  }
0xe5: {  	v5 =	vnsel vm4, $0x80000000, v5  }
0xe6: {  	v6, _, _ =	vpop (xrf0);
	(xrf0) =	vmax.scan.msk.u32 $0xffff, v5  }
0xe7: {  	(v2sf) =	vpush v6, $0xF;
	_ =	sdelay $0x4  }
0xe8: {  	v5, _, _ =	vpop (xrf0)  }
0xe9: {  	(v2sf) =	vpush v5, $0xF;
	_ =	sdelay $0x8  }
0xea: {  	s7 =	spop (v2sf)  }
0xeb: {  	s23 =	sxor.u32 $0x80000000, s7  }
0xec: {  	p1 =	sgt.s32 s7, $0xFFFFFFFF;
	s24 =	sand.u32 $0x7, s7;
	p0 =	slt.s32 s23, $0x1  }
0xed: {  	s11 =	sshra.s32 s23, $0x1F;
	p3 =	sne.s32 s24, $0x0;
	p0 =	por p1, p0  }
0xee: {  	s13 =	sshrl.u32 s11, $0x1D;
	p0 =	por !p3, !p0  }
0xef: {  	s11 =	simm.s32 $0x1;
	s5 =	sadd.s32 s13, s23;
	p0 =	por !p0, !p0  }
0xf0: {  	s5 =	sshrl.u32 s5, $0x3;
	s8 =	spop (v2sf);
	s11 =	simm.s32 @!p0 $0x0  }
0xf1: {  	s13 =	sxor.u32 $0x80000000, s8;
	s5 =	ssub.s32 s5, s11  }
0xf2: {  	p5 =	sgt.s32 s8, $0xFFFFFFFF;
	s21 =	sand.u32 $0x7F, s8;
	p4 =	slt.s32 s13, $0x1  }
0xf3: {  	s15 =	sshra.s32 s13, $0x1F;
	p6 =	sne.s32 s21, $0x0;
	p0 =	por p5, p4  }
0xf4: {  	s5 =	sshll.u32 s5, $0x3;
	s11 =	sshrl.u32 s15, $0x19;
	p0 =	por !p6, !p0  }
0xf5: {  	s15 =	simm.s32 $0x1;
	s11 =	sadd.s32 s11, s13;
	p0 =	por !p0, !p0  }
0xf6: {  	p1 =	slt.s32 s5, $0x1B0;
	s11 =	sshrl.u32 s11, $0x7;
	s15 =	simm.s32 @!p0 $0x0  }
0xf7: {  	s5 =	simm.s32 @!p1 $0x1B0;
	s11 =	ssub.s32 s11, s15  }
0xf8: {  	s22 =	rddreg [dreg:$0x8];
	s5 =	sshll.u32 s5, $0x9;
	s11 =	sshll.u32 s11, $0x7  }
0xf9: {  	s15 =	sadd.s32 s5, s22;
	p0 =	slt.s32 s11, $0x100  }
0xfa: {  	s22 =	sshrl.u32 s15, $0x3;
	s11 =	simm.s32 @!p0 $0x100  }
0xfb: {  	s22 =	sadd.s32 s11, s22;
	s23 =	sshll.u32 s11, $0x3  }
0xfc: {  	s22 =	sand.u32 $0x1FFFFFC0, s22;
	s15 =	sadd.s32 s15, s23  }
0xfd: {  	s22 =	sadd.s32 s1, s22;
	s15 =	sadd.s32 $0x400, s15  }
0xfe: {  	[tilespmem:s29], [sflag:$0x1] =	stream.strided.gather [hbm4b:s22+s26], $0x2800, s28, s26, $0x38;
	[tilespmem:$0xC480] =	vst v63  }
0xff: {  	s24 =	ssub.s32 s6, s19;
	s15 =	sshrl.u32 s15, $0x3  }
0x100: {  	s23 =	sshll.u32 s24, $0x2;
	s15 =	sadd.s32 s1, s15  }
0x101: {  	[tilespmem:s30], [sflag:$0x1] =	stream.strided.gather [hbm4b:s15+s26], $0x2800, s28, s26, $0x38;
	[tilespmem:$0xC480] =	vst v63  }
0x102: {  	s22 =	sshll.u32 s14, $0x9;
	s15 =	sand.u32 $0xFFFFFE00, s23  }
0x103: {  	s24 =	sshll.u32 s20, $0x2;
	s14 =	sadd.s32 s15, s22  }
0x104: {  	s14 =	sor.u32 s24, s14  }
0x105: {  	s14 =	ssub.s32 s14, s10  }
0x106: {  	s14 =	sshra.s32 s14, $0x2  }
0x107: {  	s20 =	sadd.s32 $0x5080, s14  }
0x108: {  	s14 =	sadd.s32 $0x7800, s14;
	v5 =	vmov s20  }
0x109: {  	s15 =	sadd.s32 $0x10, s6;
	s20 =	sadd.s32 $0x40, s23;
	v6 =	vmov s14  }
0x10a: {  	s24 =	sadd.s32 $0xFFFFFE40, s23;
	s15 =	sand.u32 $0x7F, s15;
	s20 =	sand.u32 $0xFFFFFE00, s20  }
0x10b: {  	s15 =	sshll.u32 s15, $0x2;
	s14 =	sand.u32 $0xFFFFFE00, s24;
	s20 =	sadd.s32 s20, s22  }
0x10c: {  	s24 =	sadd.s32 s14, s22;
	s14 =	simm.s32 $0x0;
	s20 =	sor.u32 s15, s20  }
0x10d: {  	s15 =	sor.u32 s15, s24;
	s20 =	ssub.s32 s20, s10;
	v9 =	vld.idx.msk [tilespmem:v5+s14+$0x0 ss:$0x1], $0xffff  }
0x10e: {  	s15 =	ssub.s32 s15, s10;
	s20 =	sshra.s32 s20, $0x2;
	v10 =	vld.idx.msk [tilespmem:v6+s14+$0x0 ss:$0x1], $0xffff  }
0x10f: {  	s12 =	ssub.s32 s19, s12;
	s15 =	sshra.s32 s15, $0x2;
	s24 =	sadd.s32 $0x5080, s20  }
0x110: {  	s12 =	sadd.s32 $0x80, s12;
	s15 =	sadd.s32 $0x7880, s15;
	v7 =	vmov s24  }
0x111: {  	v16 =	vmov s12;
	s19 =	sadd.s32 $0x20, s6;
	s24 =	sadd.s32 $0x80, s23;
	v8 =	vmov s15  }
0x112: {  	vm12 =	vgt.s32 v16, v0;
	s12 =	sand.u32 $0x7F, s19;
	s20 =	sadd.s32 $0xFFFFFE80, s23;
	s19 =	sand.u32 $0xFFFFFE00, s24  }
0x113: {  	s12 =	sshll.u32 s12, $0x2;
	s15 =	sand.u32 $0xFFFFFE00, s20;
	s19 =	sadd.s32 s19, s22;
	v9 =	vsel vm12, v9, v10  }
0x114: {  	s15 =	sadd.s32 s15, s22;
	s19 =	sor.u32 s12, s19;
	[tilespmem:s14+$0xA080] =	vst v9  }
0x115: {  	s12 =	sor.u32 s12, s15;
	s24 =	ssub.s32 s19, s10;
	v11 =	vld.idx.msk [tilespmem:v7+s14+$0x0 ss:$0x1], $0xffff  }
0x116: {  	s12 =	ssub.s32 s12, s10;
	s15 =	sshra.s32 s24, $0x2;
	v12 =	vld.idx.msk [tilespmem:v8+s14+$0x0 ss:$0x1], $0xffff  }
0x117: {  	s12 =	sshra.s32 s12, $0x2;
	s15 =	sadd.s32 $0x5080, s15  }
0x118: {  	s12 =	sadd.s32 $0x7880, s12;
	v9 =	vmov s15  }
0x119: {  	s19 =	sadd.s32 $0x30, s6;
	s24 =	sadd.s32 $0xC0, s23;
	v10 =	vmov s12  }
0x11a: {  	vm13 =	vgt.s32 v16, v4;
	s20 =	sadd.s32 $0xFFFFFEC0, s23;
	s15 =	sand.u32 $0x7F, s19;
	s19 =	sand.u32 $0xFFFFFE00, s24  }
0x11b: {  	s12 =	sand.u32 $0xFFFFFE00, s20;
	s15 =	sshll.u32 s15, $0x2;
	s19 =	sadd.s32 s19, s22;
	v11 =	vsel vm13, v11, v12  }
0x11c: {  	s12 =	sadd.s32 s12, s22;
	s19 =	sor.u32 s15, s19;
	[tilespmem:s14+$0xA090] =	vst v11  }
0x11d: {  	s12 =	sor.u32 s15, s12;
	s24 =	ssub.s32 s19, s10;
	v13 =	vld.idx.msk [tilespmem:v9+s14+$0x0 ss:$0x1], $0xffff  }
0x11e: {  	s12 =	ssub.s32 s12, s10;
	s15 =	sshra.s32 s24, $0x2;
	v14 =	vld.idx.msk [tilespmem:v10+s14+$0x0 ss:$0x1], $0xffff  }
0x11f: {  	s12 =	sshra.s32 s12, $0x2;
	s15 =	sadd.s32 $0x5080, s15  }
0x120: {  	s12 =	sadd.s32 $0x7880, s12;
	v11 =	vmov s15  }
0x121: {  	s20 =	sadd.s32 $0xC8, s23;
	s19 =	sadd.s32 $0x32, s6;
	v12 =	vmov s12  }
0x122: {  	vm14 =	vgt.s32 v16, v3;
	s23 =	sadd.s32 $0xFFFFFEC8, s23;
	s6 =	sand.u32 $0x7F, s19;
	s12 =	sand.u32 $0xFFFFFE00, s20  }
0x123: {  	s6 =	sshll.u32 s6, $0x2;
	s15 =	sand.u32 $0xFFFFFE00, s23;
	s12 =	sadd.s32 s12, s22;
	v13 =	vsel vm14, v13, v14  }
0x124: {  	s15 =	sadd.s32 s15, s22;
	s12 =	sor.u32 s6, s12;
	[tilespmem:s14+$0xA0A0] =	vst v13  }
0x125: {  	s6 =	sor.u32 s6, s15;
	s12 =	ssub.s32 s12, s10;
	v15 =	vld.idx.msk [tilespmem:v11+s14+$0x0 ss:$0x1], $0xffff  }
0x126: {  	s6 =	ssub.s32 s6, s10;
	s24 =	sshra.s32 s12, $0x2;
	v17 =	vld.idx.msk [tilespmem:v12+s14+$0x0 ss:$0x1], $0xffff  }
0x127: {  	s6 =	sshra.s32 s6, $0x2;
	s10 =	sadd.s32 $0x5080, s24  }
0x128: {  	s6 =	sadd.s32 $0x7880, s6;
	v13 =	vmov s10  }
0x129: {  	v14 =	vmov s6  }
0x12a: {  	vm15 =	vgt.s32 v16, v2  }
0x12b: {  	v15 =	vsel vm15, v15, v17  }
0x12c: {  	[tilespmem:s14+$0xA0B0] =	vst v15  }
0x12d: {  	v15 =	vld.idx.msk [tilespmem:v13+s14+$0x0 ss:$0x1], $0xffff  }
0x12e: {  	vm0 =	vgt.s32 v16, v1;
	s6 =	simm.s32 $0x200;
	v16 =	vld.idx.msk [tilespmem:v14+s14+$0x0 ss:$0x1], $0xffff  }
.LBB2_4:
0x12f: {  	p0 =	sne.s32 s6, $0x8200;
	s10 =	smov.u32 s6;
	s6 =	sadd.s32 $0x200, s6  }
0x130: {  	_ =	sdelay $0x2  }
0x131: {  	v15 =	vsel vm0, v15, v16  }
0x132: {  	[tilespmem:s14+$0xA0B2] =	vst v15;
	s14 =	sshra.s32 s10, $0x2  }
0x133: {  	v15 =	vld.idx.msk [tilespmem:v5+s14+$0x0 ss:$0x1], $0xffff  }
0x134: {  	v16 =	vld.idx.msk [tilespmem:v6+s14+$0x0 ss:$0x1], $0xffff;
	_ =	sdelay $0x5  }
0x135: {  	v15 =	vsel vm12, v15, v16  }
0x136: {  	[tilespmem:s14+$0xA080] =	vst v15  }
0x137: {  	v15 =	vld.idx.msk [tilespmem:v7+s14+$0x0 ss:$0x1], $0xffff  }
0x138: {  	v16 =	vld.idx.msk [tilespmem:v8+s14+$0x0 ss:$0x1], $0xffff;
	_ =	sdelay $0x5  }
0x139: {  	v15 =	vsel vm13, v15, v16  }
0x13a: {  	[tilespmem:s14+$0xA090] =	vst v15  }
0x13b: {  	v15 =	vld.idx.msk [tilespmem:v9+s14+$0x0 ss:$0x1], $0xffff  }
0x13c: {  	v16 =	vld.idx.msk [tilespmem:v10+s14+$0x0 ss:$0x1], $0xffff;
	_ =	sdelay $0x5  }
0x13d: {  	v15 =	vsel vm14, v15, v16  }
0x13e: {  	[tilespmem:s14+$0xA0A0] =	vst v15  }
0x13f: {  	v15 =	vld.idx.msk [tilespmem:v11+s14+$0x0 ss:$0x1], $0xffff  }
0x140: {  	v16 =	vld.idx.msk [tilespmem:v12+s14+$0x0 ss:$0x1], $0xffff;
	_ =	sdelay $0x4  }
.Ltmp1:
0x141: {  	(pc) =	sbr.rel @p0 .LBB2_4-.Ltmp1, $4  }
0x142: {  	v15 =	vsel vm15, v15, v16  }
0x143: {  	[tilespmem:s14+$0xA0B0] =	vst v15  }
0x144: {  	v15 =	vld.idx.msk [tilespmem:v13+s14+$0x0 ss:$0x1], $0xffff  }
0x145: {  	v16 =	vld.idx.msk [tilespmem:v14+s14+$0x0 ss:$0x1], $0xffff  }
0x146: {  	_ =	sdelay $0x3  }
0x147: {  	v5 =	vsel vm0, v15, v16  }
0x148: {  	s6 =	simm.s32 $0x0;
	s10 =	rddreg [dreg:$0xa];
	[tilespmem:s14+$0xA0B2] =	vst v5  }
0x149: {  	[hbm4b:s10+s6] =	stream.linear.scatter [tilespmem:s0], [sflag:$0x3], $0x2100, $0x38;
	[tilespmem:$0xC480] =	vst v63  }
0x14a: {  	_ =	swait.ge [sflag:s25], $0x2100  }
0x14b: {  	[sflag:s25] =	ssyncset.done $0x0  }
0x14c: {  	[sflag:s25] =	ssyncadd.s32 $0xFFFFDF00  }
0x14d: {  	_ =	swait.ge [sflag:s18], $0x2800  }
0x14e: {  	[sflag:s18] =	ssyncset.done $0x0  }
0x14f: {  	[sflag:s18] =	ssyncadd.s32 $0xFFFFD800  }
0x150: {  	_ =	swait.ge [sflag:s18], $0x2800  }
0x151: {  	[sflag:s18] =	ssyncset.done $0x0  }
0x152: {  	s22 =	rddreg [dreg:$0xd];
	[sflag:s18] =	ssyncadd.s32 $0xFFFFD800  }
0x153: {  	v5 =	vld [tilespmem:s22+$0x0];
	_ =	sdelay $0x4  }
0x154: {  	v5 =	vmul.f32 $4.460000000e+02, v5;
	_ =	sdelay $0x1  }
0x155: {  	v5 =	vtrunc.f32 v5  }
0x156: {  	v5 =	vcvt.f32.s32 v5;
	_ =	sdelay $0x1  }
0x157: {  	vm0 =	vgt.s32 v5, $0x0  }
0x158: {  	v5 =	vnsel vm0, $0x0, v5  }
0x159: {  	v5 =	vmin.u32 v5, $0x1BE  }
0x15a: {  	v5 =	vor.u32 $0x80000000, v5  }
0x15b: {  	v6 =	vnsel vm7, $0x80000000, v5  }
0x15c: {  	(xrf0) =	vmax.scan.msk.u32 $0xffff, v6;
	_ =	sdelay $0x4  }
0x15d: {  	v5 =	vnsel vm6, $0x80000000, v5  }
0x15e: {  	v6, _, _ =	vpop (xrf0);
	(xrf0) =	vmax.scan.msk.u32 $0xffff, v5  }
0x15f: {  	(v2sf) =	vpush v6, $0xF;
	_ =	sdelay $0x4  }
0x160: {  	v5, _, _ =	vpop (xrf0)  }
0x161: {  	(v2sf) =	vpush v5, $0xF;
	_ =	sdelay $0x8  }
0x162: {  	s14 =	spop (v2sf)  }
0x163: {  	s23 =	sxor.u32 $0x80000000, s14  }
0x164: {  	p1 =	sgt.s32 s14, $0xFFFFFFFF;
	s24 =	sand.u32 $0x7, s14;
	p0 =	slt.s32 s23, $0x1  }
0x165: {  	s12 =	sshra.s32 s23, $0x1F;
	p3 =	sne.s32 s24, $0x0;
	p0 =	por p1, p0  }
0x166: {  	s15 =	sshrl.u32 s12, $0x1D;
	p0 =	por !p3, !p0  }
0x167: {  	s10 =	sadd.s32 s15, s23;
	s15 =	simm.s32 $0x1;
	p0 =	por !p0, !p0  }
0x168: {  	s10 =	sshrl.u32 s10, $0x3;
	s6 =	spop (v2sf);
	s15 =	simm.s32 @!p0 $0x0  }
0x169: {  	s12 =	sxor.u32 $0x80000000, s6;
	s10 =	ssub.s32 s10, s15  }
0x16a: {  	p5 =	sgt.s32 s6, $0xFFFFFFFF;
	s20 =	sand.u32 $0x7F, s6;
	p4 =	slt.s32 s12, $0x1  }
0x16b: {  	s19 =	sshra.s32 s12, $0x1F;
	p6 =	sne.s32 s20, $0x0;
	p0 =	por p5, p4  }
0x16c: {  	s10 =	sshll.u32 s10, $0x3;
	s15 =	sshrl.u32 s19, $0x19;
	p0 =	por !p6, !p0  }
0x16d: {  	s19 =	simm.s32 $0x1;
	s15 =	sadd.s32 s15, s12;
	p0 =	por !p0, !p0  }
0x16e: {  	p1 =	slt.s32 s10, $0x1B0;
	s15 =	sshrl.u32 s15, $0x7;
	s19 =	simm.s32 @!p0 $0x0  }
0x16f: {  	s10 =	simm.s32 @!p1 $0x1B0;
	s15 =	ssub.s32 s15, s19  }
0x170: {  	s22 =	rddreg [dreg:$0xb];
	s10 =	sshll.u32 s10, $0x9;
	s19 =	sshll.u32 s15, $0x7  }
0x171: {  	s15 =	sadd.s32 s10, s22;
	p0 =	slt.s32 s19, $0x100  }
0x172: {  	s22 =	sshrl.u32 s15, $0x3;
	s19 =	simm.s32 @!p0 $0x100  }
0x173: {  	s22 =	sadd.s32 s19, s22;
	s23 =	sshll.u32 s19, $0x3  }
0x174: {  	s22 =	sand.u32 $0x1FFFFFC0, s22;
	s15 =	sadd.s32 s15, s23  }
0x175: {  	s22 =	sadd.s32 s1, s22;
	s15 =	sadd.s32 $0x400, s15  }
0x176: {  	[tilespmem:s31], [sflag:$0x2] =	stream.strided.gather [hbm4b:s22+s26], $0x2800, s28, s26, $0x38;
	[tilespmem:$0xC480] =	vst v63  }
0x177: {  	s24 =	ssub.s32 s8, s11;
	s15 =	sshrl.u32 s15, $0x3  }
0x178: {  	s23 =	sshll.u32 s24, $0x2;
	s15 =	sadd.s32 s1, s15  }
0x179: {  	[tilespmem:s2], [sflag:$0x2] =	stream.strided.gather [hbm4b:s15+s26], $0x2800, s28, s26, $0x38;
	[tilespmem:$0xC480] =	vst v63  }
0x17a: {  	s22 =	sshll.u32 s7, $0x9;
	s15 =	sand.u32 $0xFFFFFE00, s23  }
0x17b: {  	s24 =	sshll.u32 s21, $0x2;
	s7 =	sadd.s32 s15, s22  }
0x17c: {  	s7 =	sor.u32 s24, s7  }
0x17d: {  	s7 =	ssub.s32 s7, s5  }
0x17e: {  	s7 =	sshra.s32 s7, $0x2  }
0x17f: {  	s21 =	sadd.s32 $0x80, s7  }
0x180: {  	s7 =	sadd.s32 $0x2800, s7;
	v5 =	vmov s21  }
0x181: {  	s15 =	sadd.s32 $0x10, s8;
	s21 =	sadd.s32 $0x40, s23;
	v6 =	vmov s7  }
0x182: {  	s24 =	sadd.s32 $0xFFFFFE40, s23;
	s15 =	sand.u32 $0x7F, s15;
	s21 =	sand.u32 $0xFFFFFE00, s21  }
0x183: {  	s15 =	sshll.u32 s15, $0x2;
	s7 =	sand.u32 $0xFFFFFE00, s24;
	s21 =	sadd.s32 s21, s22  }
0x184: {  	s24 =	sadd.s32 s7, s22;
	s7 =	simm.s32 $0x0;
	s21 =	sor.u32 s15, s21  }
0x185: {  	s15 =	sor.u32 s15, s24;
	s21 =	ssub.s32 s21, s5;
	v9 =	vld.idx.msk [tilespmem:v5+s7+$0x0 ss:$0x1], $0xffff  }
0x186: {  	s15 =	ssub.s32 s15, s5;
	s21 =	sshra.s32 s21, $0x2;
	v10 =	vld.idx.msk [tilespmem:v6+s7+$0x0 ss:$0x1], $0xffff  }
0x187: {  	s13 =	ssub.s32 s11, s13;
	s15 =	sshra.s32 s15, $0x2;
	s24 =	sadd.s32 $0x80, s21  }
0x188: {  	s11 =	sadd.s32 $0x80, s13;
	s13 =	sadd.s32 $0x2880, s15;
	v7 =	vmov s24  }
0x189: {  	v16 =	vmov s11;
	s15 =	sadd.s32 $0x20, s8;
	s24 =	sadd.s32 $0x80, s23;
	v8 =	vmov s13  }
0x18a: {  	vm12 =	vgt.s32 v16, v0;
	s21 =	sadd.s32 $0xFFFFFE80, s23;
	s11 =	sand.u32 $0x7F, s15;
	s15 =	sand.u32 $0xFFFFFE00, s24  }
0x18b: {  	s13 =	sand.u32 $0xFFFFFE00, s21;
	s11 =	sshll.u32 s11, $0x2;
	s15 =	sadd.s32 s15, s22;
	v9 =	vsel vm12, v9, v10  }
0x18c: {  	s13 =	sadd.s32 s13, s22;
	s15 =	sor.u32 s11, s15;
	[tilespmem:s7+$0xA080] =	vst v9  }
0x18d: {  	s11 =	sor.u32 s11, s13;
	s24 =	ssub.s32 s15, s5;
	v11 =	vld.idx.msk [tilespmem:v7+s7+$0x0 ss:$0x1], $0xffff  }
0x18e: {  	s11 =	ssub.s32 s11, s5;
	s13 =	sshra.s32 s24, $0x2;
	v12 =	vld.idx.msk [tilespmem:v8+s7+$0x0 ss:$0x1], $0xffff  }
0x18f: {  	s11 =	sshra.s32 s11, $0x2;
	s13 =	sadd.s32 $0x80, s13  }
0x190: {  	s11 =	sadd.s32 $0x2880, s11;
	v9 =	vmov s13  }
0x191: {  	s15 =	sadd.s32 $0x30, s8;
	s24 =	sadd.s32 $0xC0, s23;
	v10 =	vmov s11  }
0x192: {  	vm13 =	vgt.s32 v16, v4;
	s21 =	sadd.s32 $0xFFFFFEC0, s23;
	s13 =	sand.u32 $0x7F, s15;
	s15 =	sand.u32 $0xFFFFFE00, s24  }
0x193: {  	s11 =	sand.u32 $0xFFFFFE00, s21;
	s13 =	sshll.u32 s13, $0x2;
	s15 =	sadd.s32 s15, s22;
	v11 =	vsel vm13, v11, v12  }
0x194: {  	s11 =	sadd.s32 s11, s22;
	s15 =	sor.u32 s13, s15;
	[tilespmem:s7+$0xA090] =	vst v11  }
0x195: {  	s11 =	sor.u32 s13, s11;
	s24 =	ssub.s32 s15, s5;
	v13 =	vld.idx.msk [tilespmem:v9+s7+$0x0 ss:$0x1], $0xffff  }
0x196: {  	s11 =	ssub.s32 s11, s5;
	s13 =	sshra.s32 s24, $0x2;
	v14 =	vld.idx.msk [tilespmem:v10+s7+$0x0 ss:$0x1], $0xffff  }
0x197: {  	s11 =	sshra.s32 s11, $0x2;
	s13 =	sadd.s32 $0x80, s13  }
0x198: {  	s11 =	sadd.s32 $0x2880, s11;
	v11 =	vmov s13  }
0x199: {  	s15 =	sadd.s32 $0xC8, s23;
	s13 =	sadd.s32 $0x32, s8;
	v12 =	vmov s11  }
0x19a: {  	vm14 =	vgt.s32 v16, v3;
	s21 =	sadd.s32 $0xFFFFFEC8, s23;
	s11 =	sand.u32 $0xFFFFFE00, s15;
	s8 =	sand.u32 $0x7F, s13  }
0x19b: {  	s13 =	sand.u32 $0xFFFFFE00, s21;
	s11 =	sadd.s32 s11, s22;
	s8 =	sshll.u32 s8, $0x2;
	v13 =	vsel vm14, v13, v14  }
0x19c: {  	s13 =	sadd.s32 s13, s22;
	s11 =	sor.u32 s8, s11;
	[tilespmem:s7+$0xA0A0] =	vst v13  }
0x19d: {  	s8 =	sor.u32 s8, s13;
	s11 =	ssub.s32 s11, s5;
	v15 =	vld.idx.msk [tilespmem:v11+s7+$0x0 ss:$0x1], $0xffff  }
0x19e: {  	s23 =	ssub.s32 s8, s5;
	s24 =	sshra.s32 s11, $0x2;
	v17 =	vld.idx.msk [tilespmem:v12+s7+$0x0 ss:$0x1], $0xffff  }
0x19f: {  	s5 =	sshra.s32 s23, $0x2;
	s8 =	sadd.s32 $0x80, s24  }
0x1a0: {  	s5 =	sadd.s32 $0x2880, s5;
	v13 =	vmov s8  }
0x1a1: {  	v14 =	vmov s5  }
0x1a2: {  	vm15 =	vgt.s32 v16, v2  }
0x1a3: {  	v15 =	vsel vm15, v15, v17  }
0x1a4: {  	[tilespmem:s7+$0xA0B0] =	vst v15  }
0x1a5: {  	v15 =	vld.idx.msk [tilespmem:v13+s7+$0x0 ss:$0x1], $0xffff  }
0x1a6: {  	vm0 =	vgt.s32 v16, v1;
	s5 =	simm.s32 $0x200;
	v16 =	vld.idx.msk [tilespmem:v14+s7+$0x0 ss:$0x1], $0xffff  }
.LBB2_6:
0x1a7: {  	p0 =	sne.s32 s5, $0x8200;
	s8 =	smov.u32 s5;
	s5 =	sadd.s32 $0x200, s5  }
0x1a8: {  	_ =	sdelay $0x2  }
0x1a9: {  	v15 =	vsel vm0, v15, v16  }
0x1aa: {  	[tilespmem:s7+$0xA0B2] =	vst v15;
	s7 =	sshra.s32 s8, $0x2  }
0x1ab: {  	v15 =	vld.idx.msk [tilespmem:v5+s7+$0x0 ss:$0x1], $0xffff  }
0x1ac: {  	v16 =	vld.idx.msk [tilespmem:v6+s7+$0x0 ss:$0x1], $0xffff;
	_ =	sdelay $0x5  }
0x1ad: {  	v15 =	vsel vm12, v15, v16  }
0x1ae: {  	[tilespmem:s7+$0xA080] =	vst v15  }
0x1af: {  	v15 =	vld.idx.msk [tilespmem:v7+s7+$0x0 ss:$0x1], $0xffff  }
0x1b0: {  	v16 =	vld.idx.msk [tilespmem:v8+s7+$0x0 ss:$0x1], $0xffff;
	_ =	sdelay $0x5  }
0x1b1: {  	v15 =	vsel vm13, v15, v16  }
0x1b2: {  	[tilespmem:s7+$0xA090] =	vst v15  }
0x1b3: {  	v15 =	vld.idx.msk [tilespmem:v9+s7+$0x0 ss:$0x1], $0xffff  }
0x1b4: {  	v16 =	vld.idx.msk [tilespmem:v10+s7+$0x0 ss:$0x1], $0xffff;
	_ =	sdelay $0x5  }
0x1b5: {  	v15 =	vsel vm14, v15, v16  }
0x1b6: {  	[tilespmem:s7+$0xA0A0] =	vst v15  }
0x1b7: {  	v15 =	vld.idx.msk [tilespmem:v11+s7+$0x0 ss:$0x1], $0xffff  }
0x1b8: {  	v16 =	vld.idx.msk [tilespmem:v12+s7+$0x0 ss:$0x1], $0xffff;
	_ =	sdelay $0x4  }
.Ltmp2:
0x1b9: {  	(pc) =	sbr.rel @p0 .LBB2_6-.Ltmp2, $4  }
0x1ba: {  	v15 =	vsel vm15, v15, v16  }
0x1bb: {  	[tilespmem:s7+$0xA0B0] =	vst v15  }
0x1bc: {  	v15 =	vld.idx.msk [tilespmem:v13+s7+$0x0 ss:$0x1], $0xffff  }
0x1bd: {  	v16 =	vld.idx.msk [tilespmem:v14+s7+$0x0 ss:$0x1], $0xffff  }
0x1be: {  	_ =	sdelay $0x3  }
0x1bf: {  	v5 =	vsel vm0, v15, v16  }
0x1c0: {  	s5 =	simm.s32 $0x0;
	s23 =	rddreg [dreg:$0xc];
	[tilespmem:s7+$0xA0B2] =	vst v5  }
0x1c1: {  	[hbm4b:s23+s5] =	stream.linear.scatter [tilespmem:s0], [sflag:$0x3], $0x2100, $0x38;
	[tilespmem:$0xC480] =	vst v63  }
0x1c2: {  	_ =	swait.ge [sflag:s25], $0x2100  }
0x1c3: {  	[sflag:s25] =	ssyncset.done $0x0  }
0x1c4: {  	[sflag:s25] =	ssyncadd.s32 $0xFFFFDF00  }
0x1c5: {  	_ =	swait.ge [sflag:s3], $0x2800  }
0x1c6: {  	[sflag:s3] =	ssyncset.done $0x0  }
0x1c7: {  	[sflag:s3] =	ssyncadd.s32 $0xFFFFD800  }
0x1c8: {  	_ =	swait.ge [sflag:s3], $0x2800  }
0x1c9: {  	[sflag:s3] =	ssyncset.done $0x0  }
0x1ca: {  	[sflag:s3] =	ssyncadd.s32 $0xFFFFD800  }
0x1cb: {  	v5 =	vld [tilespmem:s16+$0x0];
	_ =	sdelay $0x4  }
0x1cc: {  	v5 =	vmul.f32 $4.460000000e+02, v5;
	_ =	sdelay $0x1  }
0x1cd: {  	v5 =	vtrunc.f32 v5  }
0x1ce: {  	v5 =	vcvt.f32.s32 v5;
	_ =	sdelay $0x1  }
0x1cf: {  	vm0 =	vgt.s32 v5, $0x0  }
0x1d0: {  	v5 =	vnsel vm0, $0x0, v5  }
0x1d1: {  	v5 =	vmin.u32 v5, $0x1BE  }
0x1d2: {  	v5 =	vor.u32 $0x80000000, v5  }
0x1d3: {  	v6 =	vnsel vm9, $0x80000000, v5  }
0x1d4: {  	(xrf0) =	vmax.scan.msk.u32 $0xffff, v6;
	_ =	sdelay $0x4  }
0x1d5: {  	v5 =	vnsel vm8, $0x80000000, v5  }
0x1d6: {  	v6, _, _ =	vpop (xrf0);
	(xrf0) =	vmax.scan.msk.u32 $0xffff, v5  }
0x1d7: {  	(v2sf) =	vpush v6, $0xF;
	_ =	sdelay $0x4  }
0x1d8: {  	v5, _, _ =	vpop (xrf0)  }
0x1d9: {  	(v2sf) =	vpush v5, $0xF;
	_ =	sdelay $0x8  }
0x1da: {  	s7 =	spop (v2sf)  }
0x1db: {  	s24 =	sxor.u32 $0x80000000, s7  }
0x1dc: {  	p1 =	sgt.s32 s7, $0xFFFFFFFF;
	s8 =	sand.u32 $0x7, s7;
	p0 =	slt.s32 s24, $0x1  }
0x1dd: {  	s11 =	sshra.s32 s24, $0x1F;
	p3 =	sne.s32 s8, $0x0;
	p0 =	por p1, p0  }
0x1de: {  	s13 =	sshrl.u32 s11, $0x1D;
	p0 =	por !p3, !p0  }
0x1df: {  	s11 =	simm.s32 $0x1;
	s5 =	sadd.s32 s13, s24;
	p0 =	por !p0, !p0  }
0x1e0: {  	s5 =	sshrl.u32 s5, $0x3;
	s8 =	spop (v2sf);
	s11 =	simm.s32 @!p0 $0x0  }
0x1e1: {  	s13 =	sxor.u32 $0x80000000, s8;
	s5 =	ssub.s32 s5, s11  }
0x1e2: {  	p5 =	sgt.s32 s8, $0xFFFFFFFF;
	s21 =	sand.u32 $0x7F, s8;
	p4 =	slt.s32 s13, $0x1  }
0x1e3: {  	s15 =	sshra.s32 s13, $0x1F;
	p6 =	sne.s32 s21, $0x0;
	p0 =	por p5, p4  }
0x1e4: {  	s5 =	sshll.u32 s5, $0x3;
	s11 =	sshrl.u32 s15, $0x19;
	p0 =	por !p6, !p0  }
0x1e5: {  	s15 =	simm.s32 $0x1;
	s11 =	sadd.s32 s11, s13;
	p0 =	por !p0, !p0  }
0x1e6: {  	p1 =	slt.s32 s5, $0x1B0;
	s11 =	sshrl.u32 s11, $0x7;
	s15 =	simm.s32 @!p0 $0x0  }
0x1e7: {  	s5 =	simm.s32 @!p1 $0x1B0;
	s11 =	ssub.s32 s11, s15  }
0x1e8: {  	s22 =	rddreg [dreg:$0xe];
	s5 =	sshll.u32 s5, $0x9;
	s11 =	sshll.u32 s11, $0x7  }
0x1e9: {  	s15 =	sadd.s32 s5, s22;
	p0 =	slt.s32 s11, $0x100  }
0x1ea: {  	s22 =	sshrl.u32 s15, $0x3;
	s11 =	simm.s32 @!p0 $0x100  }
0x1eb: {  	s22 =	sadd.s32 s11, s22;
	s23 =	sshll.u32 s11, $0x3  }
0x1ec: {  	s22 =	sand.u32 $0x1FFFFFC0, s22;
	s15 =	sadd.s32 s15, s23  }
0x1ed: {  	s22 =	sadd.s32 s1, s22;
	s15 =	sadd.s32 $0x400, s15  }
0x1ee: {  	[tilespmem:s29], [sflag:$0x1] =	stream.strided.gather [hbm4b:s22+s26], $0x2800, s28, s26, $0x38;
	[tilespmem:$0xC480] =	vst v63  }
0x1ef: {  	s24 =	ssub.s32 s6, s19;
	s15 =	sshrl.u32 s15, $0x3  }
0x1f0: {  	s23 =	sshll.u32 s24, $0x2;
	s15 =	sadd.s32 s1, s15  }
0x1f1: {  	[tilespmem:s30], [sflag:$0x1] =	stream.strided.gather [hbm4b:s15+s26], $0x2800, s28, s26, $0x38;
	[tilespmem:$0xC480] =	vst v63  }
0x1f2: {  	s22 =	sshll.u32 s14, $0x9;
	s15 =	sand.u32 $0xFFFFFE00, s23  }
0x1f3: {  	s24 =	sshll.u32 s20, $0x2;
	s14 =	sadd.s32 s15, s22  }
0x1f4: {  	s14 =	sor.u32 s24, s14  }
0x1f5: {  	s14 =	ssub.s32 s14, s10  }
0x1f6: {  	s14 =	sshra.s32 s14, $0x2  }
0x1f7: {  	s20 =	sadd.s32 $0x5080, s14  }
0x1f8: {  	s14 =	sadd.s32 $0x7800, s14;
	v5 =	vmov s20  }
0x1f9: {  	s15 =	sadd.s32 $0x10, s6;
	s20 =	sadd.s32 $0x40, s23;
	v6 =	vmov s14  }
0x1fa: {  	s24 =	sadd.s32 $0xFFFFFE40, s23;
	s15 =	sand.u32 $0x7F, s15;
	s20 =	sand.u32 $0xFFFFFE00, s20  }
0x1fb: {  	s15 =	sshll.u32 s15, $0x2;
	s14 =	sand.u32 $0xFFFFFE00, s24;
	s20 =	sadd.s32 s20, s22  }
0x1fc: {  	s24 =	sadd.s32 s14, s22;
	s14 =	simm.s32 $0x0;
	s20 =	sor.u32 s15, s20  }
0x1fd: {  	s15 =	sor.u32 s15, s24;
	s20 =	ssub.s32 s20, s10;
	v9 =	vld.idx.msk [tilespmem:v5+s14+$0x0 ss:$0x1], $0xffff  }
0x1fe: {  	s15 =	ssub.s32 s15, s10;
	s20 =	sshra.s32 s20, $0x2;
	v10 =	vld.idx.msk [tilespmem:v6+s14+$0x0 ss:$0x1], $0xffff  }
0x1ff: {  	s12 =	ssub.s32 s19, s12;
	s15 =	sshra.s32 s15, $0x2;
	s24 =	sadd.s32 $0x5080, s20  }
0x200: {  	s12 =	sadd.s32 $0x80, s12;
	s15 =	sadd.s32 $0x7880, s15;
	v7 =	vmov s24  }
0x201: {  	v16 =	vmov s12;
	s19 =	sadd.s32 $0x20, s6;
	s24 =	sadd.s32 $0x80, s23;
	v8 =	vmov s15  }
0x202: {  	vm12 =	vgt.s32 v16, v0;
	s12 =	sand.u32 $0x7F, s19;
	s20 =	sadd.s32 $0xFFFFFE80, s23;
	s19 =	sand.u32 $0xFFFFFE00, s24  }
0x203: {  	s12 =	sshll.u32 s12, $0x2;
	s15 =	sand.u32 $0xFFFFFE00, s20;
	s19 =	sadd.s32 s19, s22;
	v9 =	vsel vm12, v9, v10  }
0x204: {  	s15 =	sadd.s32 s15, s22;
	s19 =	sor.u32 s12, s19;
	[tilespmem:s14+$0xA080] =	vst v9  }
0x205: {  	s12 =	sor.u32 s12, s15;
	s24 =	ssub.s32 s19, s10;
	v11 =	vld.idx.msk [tilespmem:v7+s14+$0x0 ss:$0x1], $0xffff  }
0x206: {  	s12 =	ssub.s32 s12, s10;
	s15 =	sshra.s32 s24, $0x2;
	v12 =	vld.idx.msk [tilespmem:v8+s14+$0x0 ss:$0x1], $0xffff  }
0x207: {  	s12 =	sshra.s32 s12, $0x2;
	s15 =	sadd.s32 $0x5080, s15  }
0x208: {  	s12 =	sadd.s32 $0x7880, s12;
	v9 =	vmov s15  }
0x209: {  	s19 =	sadd.s32 $0x30, s6;
	s24 =	sadd.s32 $0xC0, s23;
	v10 =	vmov s12  }
0x20a: {  	vm13 =	vgt.s32 v16, v4;
	s20 =	sadd.s32 $0xFFFFFEC0, s23;
	s15 =	sand.u32 $0x7F, s19;
	s19 =	sand.u32 $0xFFFFFE00, s24  }
0x20b: {  	s12 =	sand.u32 $0xFFFFFE00, s20;
	s15 =	sshll.u32 s15, $0x2;
	s19 =	sadd.s32 s19, s22;
	v11 =	vsel vm13, v11, v12  }
0x20c: {  	s12 =	sadd.s32 s12, s22;
	s19 =	sor.u32 s15, s19;
	[tilespmem:s14+$0xA090] =	vst v11  }
0x20d: {  	s12 =	sor.u32 s15, s12;
	s24 =	ssub.s32 s19, s10;
	v13 =	vld.idx.msk [tilespmem:v9+s14+$0x0 ss:$0x1], $0xffff  }
0x20e: {  	s12 =	ssub.s32 s12, s10;
	s15 =	sshra.s32 s24, $0x2;
	v14 =	vld.idx.msk [tilespmem:v10+s14+$0x0 ss:$0x1], $0xffff  }
0x20f: {  	s12 =	sshra.s32 s12, $0x2;
	s15 =	sadd.s32 $0x5080, s15  }
0x210: {  	s12 =	sadd.s32 $0x7880, s12;
	v11 =	vmov s15  }
0x211: {  	s20 =	sadd.s32 $0xC8, s23;
	s19 =	sadd.s32 $0x32, s6;
	v12 =	vmov s12  }
0x212: {  	vm14 =	vgt.s32 v16, v3;
	s23 =	sadd.s32 $0xFFFFFEC8, s23;
	s6 =	sand.u32 $0x7F, s19;
	s12 =	sand.u32 $0xFFFFFE00, s20  }
0x213: {  	s6 =	sshll.u32 s6, $0x2;
	s15 =	sand.u32 $0xFFFFFE00, s23;
	s12 =	sadd.s32 s12, s22;
	v13 =	vsel vm14, v13, v14  }
0x214: {  	s15 =	sadd.s32 s15, s22;
	s12 =	sor.u32 s6, s12;
	[tilespmem:s14+$0xA0A0] =	vst v13  }
0x215: {  	s6 =	sor.u32 s6, s15;
	s12 =	ssub.s32 s12, s10;
	v15 =	vld.idx.msk [tilespmem:v11+s14+$0x0 ss:$0x1], $0xffff  }
0x216: {  	s6 =	ssub.s32 s6, s10;
	s24 =	sshra.s32 s12, $0x2;
	v17 =	vld.idx.msk [tilespmem:v12+s14+$0x0 ss:$0x1], $0xffff  }
0x217: {  	s6 =	sshra.s32 s6, $0x2;
	s10 =	sadd.s32 $0x5080, s24  }
0x218: {  	s6 =	sadd.s32 $0x7880, s6;
	v13 =	vmov s10  }
0x219: {  	v14 =	vmov s6  }
0x21a: {  	vm15 =	vgt.s32 v16, v2  }
0x21b: {  	v15 =	vsel vm15, v15, v17  }
0x21c: {  	[tilespmem:s14+$0xA0B0] =	vst v15  }
0x21d: {  	v15 =	vld.idx.msk [tilespmem:v13+s14+$0x0 ss:$0x1], $0xffff  }
0x21e: {  	vm0 =	vgt.s32 v16, v1;
	s6 =	simm.s32 $0x200;
	v16 =	vld.idx.msk [tilespmem:v14+s14+$0x0 ss:$0x1], $0xffff  }
.LBB2_8:
0x21f: {  	p0 =	sne.s32 s6, $0x8200;
	s10 =	smov.u32 s6;
	s6 =	sadd.s32 $0x200, s6  }
0x220: {  	_ =	sdelay $0x2  }
0x221: {  	v15 =	vsel vm0, v15, v16  }
0x222: {  	[tilespmem:s14+$0xA0B2] =	vst v15;
	s14 =	sshra.s32 s10, $0x2  }
0x223: {  	v15 =	vld.idx.msk [tilespmem:v5+s14+$0x0 ss:$0x1], $0xffff  }
0x224: {  	v16 =	vld.idx.msk [tilespmem:v6+s14+$0x0 ss:$0x1], $0xffff;
	_ =	sdelay $0x5  }
0x225: {  	v15 =	vsel vm12, v15, v16  }
0x226: {  	[tilespmem:s14+$0xA080] =	vst v15  }
0x227: {  	v15 =	vld.idx.msk [tilespmem:v7+s14+$0x0 ss:$0x1], $0xffff  }
0x228: {  	v16 =	vld.idx.msk [tilespmem:v8+s14+$0x0 ss:$0x1], $0xffff;
	_ =	sdelay $0x5  }
0x229: {  	v15 =	vsel vm13, v15, v16  }
0x22a: {  	[tilespmem:s14+$0xA090] =	vst v15  }
0x22b: {  	v15 =	vld.idx.msk [tilespmem:v9+s14+$0x0 ss:$0x1], $0xffff  }
0x22c: {  	v16 =	vld.idx.msk [tilespmem:v10+s14+$0x0 ss:$0x1], $0xffff;
	_ =	sdelay $0x5  }
0x22d: {  	v15 =	vsel vm14, v15, v16  }
0x22e: {  	[tilespmem:s14+$0xA0A0] =	vst v15  }
0x22f: {  	v15 =	vld.idx.msk [tilespmem:v11+s14+$0x0 ss:$0x1], $0xffff  }
0x230: {  	v16 =	vld.idx.msk [tilespmem:v12+s14+$0x0 ss:$0x1], $0xffff;
	_ =	sdelay $0x4  }
.Ltmp3:
0x231: {  	(pc) =	sbr.rel @p0 .LBB2_8-.Ltmp3, $4  }
0x232: {  	v15 =	vsel vm15, v15, v16  }
0x233: {  	[tilespmem:s14+$0xA0B0] =	vst v15  }
0x234: {  	v15 =	vld.idx.msk [tilespmem:v13+s14+$0x0 ss:$0x1], $0xffff  }
0x235: {  	v16 =	vld.idx.msk [tilespmem:v14+s14+$0x0 ss:$0x1], $0xffff  }
0x236: {  	_ =	sdelay $0x3  }
0x237: {  	v5 =	vsel vm0, v15, v16  }
0x238: {  	s6 =	simm.s32 $0x0;
	s10 =	rddreg [dreg:$0xf];
	[tilespmem:s14+$0xA0B2] =	vst v5  }
0x239: {  	[hbm4b:s10+s6] =	stream.linear.scatter [tilespmem:s0], [sflag:$0x3], $0x2100, $0x38;
	[tilespmem:$0xC480] =	vst v63  }
0x23a: {  	_ =	swait.ge [sflag:s25], $0x2100  }
0x23b: {  	[sflag:s25] =	ssyncset.done $0x0  }
0x23c: {  	[sflag:s25] =	ssyncadd.s32 $0xFFFFDF00  }
0x23d: {  	_ =	swait.ge [sflag:s18], $0x2800  }
0x23e: {  	[sflag:s18] =	ssyncset.done $0x0  }
0x23f: {  	[sflag:s18] =	ssyncadd.s32 $0xFFFFD800  }
0x240: {  	_ =	swait.ge [sflag:s18], $0x2800  }
0x241: {  	[sflag:s18] =	ssyncset.done $0x0  }
0x242: {  	[sflag:s18] =	ssyncadd.s32 $0xFFFFD800  }
0x243: {  	v5 =	vld [tilespmem:s17+$0x0];
	_ =	sdelay $0x4  }
0x244: {  	v5 =	vmul.f32 $4.460000000e+02, v5;
	_ =	sdelay $0x1  }
0x245: {  	v5 =	vtrunc.f32 v5  }
0x246: {  	v5 =	vcvt.f32.s32 v5;
	_ =	sdelay $0x1  }
0x247: {  	vm0 =	vgt.s32 v5, $0x0  }
0x248: {  	v5 =	vnsel vm0, $0x0, v5  }
0x249: {  	v5 =	vmin.u32 v5, $0x1BE  }
0x24a: {  	v5 =	vor.u32 $0x80000000, v5  }
0x24b: {  	v6 =	vnsel vm11, $0x80000000, v5  }
0x24c: {  	(xrf0) =	vmax.scan.msk.u32 $0xffff, v6;
	_ =	sdelay $0x4  }
0x24d: {  	v5 =	vnsel vm10, $0x80000000, v5  }
0x24e: {  	v6, _, _ =	vpop (xrf0);
	(xrf0) =	vmax.scan.msk.u32 $0xffff, v5  }
0x24f: {  	(v2sf) =	vpush v6, $0xF;
	_ =	sdelay $0x4  }
0x250: {  	v5, _, _ =	vpop (xrf0)  }
0x251: {  	(v2sf) =	vpush v5, $0xF;
	_ =	sdelay $0x8  }
0x252: {  	s14 =	spop (v2sf)  }
0x253: {  	s23 =	sxor.u32 $0x80000000, s14  }
0x254: {  	p1 =	sgt.s32 s14, $0xFFFFFFFF;
	s24 =	sand.u32 $0x7, s14;
	p0 =	slt.s32 s23, $0x1  }
0x255: {  	s12 =	sshra.s32 s23, $0x1F;
	p3 =	sne.s32 s24, $0x0;
	p0 =	por p1, p0  }
0x256: {  	s15 =	sshrl.u32 s12, $0x1D;
	p0 =	por !p3, !p0  }
0x257: {  	s10 =	sadd.s32 s15, s23;
	s15 =	simm.s32 $0x1;
	p0 =	por !p0, !p0  }
0x258: {  	s10 =	sshrl.u32 s10, $0x3;
	s6 =	spop (v2sf);
	s15 =	simm.s32 @!p0 $0x0  }
0x259: {  	s12 =	sxor.u32 $0x80000000, s6;
	s10 =	ssub.s32 s10, s15  }
0x25a: {  	p5 =	sgt.s32 s6, $0xFFFFFFFF;
	s20 =	sand.u32 $0x7F, s6;
	p4 =	slt.s32 s12, $0x1  }
0x25b: {  	s19 =	sshra.s32 s12, $0x1F;
	p6 =	sne.s32 s20, $0x0;
	p0 =	por p5, p4  }
0x25c: {  	s10 =	sshll.u32 s10, $0x3;
	s15 =	sshrl.u32 s19, $0x19;
	p0 =	por !p6, !p0  }
0x25d: {  	s19 =	simm.s32 $0x1;
	s15 =	sadd.s32 s15, s12;
	p0 =	por !p0, !p0  }
0x25e: {  	p1 =	slt.s32 s10, $0x1B0;
	s15 =	sshrl.u32 s15, $0x7;
	s19 =	simm.s32 @!p0 $0x0  }
0x25f: {  	s10 =	simm.s32 @!p1 $0x1B0;
	s15 =	ssub.s32 s15, s19  }
0x260: {  	s22 =	rddreg [dreg:$0x10];
	s10 =	sshll.u32 s10, $0x9;
	s19 =	sshll.u32 s15, $0x7  }
0x261: {  	s15 =	sadd.s32 s10, s22;
	p0 =	slt.s32 s19, $0x100  }
0x262: {  	s22 =	sshrl.u32 s15, $0x3;
	s19 =	simm.s32 @!p0 $0x100  }
0x263: {  	s22 =	sadd.s32 s19, s22;
	s23 =	sshll.u32 s19, $0x3  }
0x264: {  	s22 =	sand.u32 $0x1FFFFFC0, s22;
	s15 =	sadd.s32 s15, s23  }
0x265: {  	s22 =	sadd.s32 s1, s22;
	s15 =	sadd.s32 $0x400, s15  }
0x266: {  	[tilespmem:s31], [sflag:$0x2] =	stream.strided.gather [hbm4b:s22+s26], $0x2800, s28, s26, $0x38;
	[tilespmem:$0xC480] =	vst v63  }
0x267: {  	s24 =	ssub.s32 s8, s11;
	s15 =	sshrl.u32 s15, $0x3  }
0x268: {  	s23 =	sshll.u32 s24, $0x2;
	s15 =	sadd.s32 s1, s15  }
0x269: {  	[tilespmem:s2], [sflag:$0x2] =	stream.strided.gather [hbm4b:s15+s26], $0x2800, s28, s26, $0x38;
	[tilespmem:$0xC480] =	vst v63  }
0x26a: {  	s22 =	sshll.u32 s7, $0x9;
	s15 =	sand.u32 $0xFFFFFE00, s23  }
0x26b: {  	s24 =	sshll.u32 s21, $0x2;
	s7 =	sadd.s32 s15, s22  }
0x26c: {  	s7 =	sor.u32 s24, s7  }
0x26d: {  	s7 =	ssub.s32 s7, s5  }
0x26e: {  	s7 =	sshra.s32 s7, $0x2  }
0x26f: {  	s21 =	sadd.s32 $0x80, s7  }
0x270: {  	s7 =	sadd.s32 $0x2800, s7;
	v5 =	vmov s21  }
0x271: {  	s15 =	sadd.s32 $0x10, s8;
	s21 =	sadd.s32 $0x40, s23;
	v6 =	vmov s7  }
0x272: {  	s24 =	sadd.s32 $0xFFFFFE40, s23;
	s15 =	sand.u32 $0x7F, s15;
	s21 =	sand.u32 $0xFFFFFE00, s21  }
0x273: {  	s15 =	sshll.u32 s15, $0x2;
	s7 =	sand.u32 $0xFFFFFE00, s24;
	s21 =	sadd.s32 s21, s22  }
0x274: {  	s24 =	sadd.s32 s7, s22;
	s7 =	simm.s32 $0x0;
	s21 =	sor.u32 s15, s21  }
0x275: {  	s15 =	sor.u32 s15, s24;
	s21 =	ssub.s32 s21, s5;
	v9 =	vld.idx.msk [tilespmem:v5+s7+$0x0 ss:$0x1], $0xffff  }
0x276: {  	s15 =	ssub.s32 s15, s5;
	s21 =	sshra.s32 s21, $0x2;
	v10 =	vld.idx.msk [tilespmem:v6+s7+$0x0 ss:$0x1], $0xffff  }
0x277: {  	s13 =	ssub.s32 s11, s13;
	s15 =	sshra.s32 s15, $0x2;
	s24 =	sadd.s32 $0x80, s21  }
0x278: {  	s11 =	sadd.s32 $0x80, s13;
	s13 =	sadd.s32 $0x2880, s15;
	v7 =	vmov s24  }
0x279: {  	v16 =	vmov s11;
	s15 =	sadd.s32 $0x20, s8;
	s24 =	sadd.s32 $0x80, s23;
	v8 =	vmov s13  }
0x27a: {  	vm12 =	vgt.s32 v16, v0;
	s21 =	sadd.s32 $0xFFFFFE80, s23;
	s11 =	sand.u32 $0x7F, s15;
	s15 =	sand.u32 $0xFFFFFE00, s24  }
0x27b: {  	s13 =	sand.u32 $0xFFFFFE00, s21;
	s11 =	sshll.u32 s11, $0x2;
	s15 =	sadd.s32 s15, s22;
	v9 =	vsel vm12, v9, v10  }
0x27c: {  	s13 =	sadd.s32 s13, s22;
	s15 =	sor.u32 s11, s15;
	[tilespmem:s7+$0xA080] =	vst v9  }
0x27d: {  	s11 =	sor.u32 s11, s13;
	s24 =	ssub.s32 s15, s5;
	v11 =	vld.idx.msk [tilespmem:v7+s7+$0x0 ss:$0x1], $0xffff  }
0x27e: {  	s11 =	ssub.s32 s11, s5;
	s13 =	sshra.s32 s24, $0x2;
	v12 =	vld.idx.msk [tilespmem:v8+s7+$0x0 ss:$0x1], $0xffff  }
0x27f: {  	s11 =	sshra.s32 s11, $0x2;
	s13 =	sadd.s32 $0x80, s13  }
0x280: {  	s11 =	sadd.s32 $0x2880, s11;
	v9 =	vmov s13  }
0x281: {  	s15 =	sadd.s32 $0x30, s8;
	s24 =	sadd.s32 $0xC0, s23;
	v10 =	vmov s11  }
0x282: {  	vm13 =	vgt.s32 v16, v4;
	s21 =	sadd.s32 $0xFFFFFEC0, s23;
	s13 =	sand.u32 $0x7F, s15;
	s15 =	sand.u32 $0xFFFFFE00, s24  }
0x283: {  	s11 =	sand.u32 $0xFFFFFE00, s21;
	s13 =	sshll.u32 s13, $0x2;
	s15 =	sadd.s32 s15, s22;
	v11 =	vsel vm13, v11, v12  }
0x284: {  	s11 =	sadd.s32 s11, s22;
	s15 =	sor.u32 s13, s15;
	[tilespmem:s7+$0xA090] =	vst v11  }
0x285: {  	s11 =	sor.u32 s13, s11;
	s24 =	ssub.s32 s15, s5;
	v13 =	vld.idx.msk [tilespmem:v9+s7+$0x0 ss:$0x1], $0xffff  }
0x286: {  	s11 =	ssub.s32 s11, s5;
	s13 =	sshra.s32 s24, $0x2;
	v14 =	vld.idx.msk [tilespmem:v10+s7+$0x0 ss:$0x1], $0xffff  }
0x287: {  	s11 =	sshra.s32 s11, $0x2;
	s13 =	sadd.s32 $0x80, s13  }
0x288: {  	s11 =	sadd.s32 $0x2880, s11;
	v11 =	vmov s13  }
0x289: {  	s15 =	sadd.s32 $0xC8, s23;
	s13 =	sadd.s32 $0x32, s8;
	v12 =	vmov s11  }
0x28a: {  	vm14 =	vgt.s32 v16, v3;
	s21 =	sadd.s32 $0xFFFFFEC8, s23;
	s11 =	sand.u32 $0xFFFFFE00, s15;
	s8 =	sand.u32 $0x7F, s13  }
0x28b: {  	s13 =	sand.u32 $0xFFFFFE00, s21;
	s11 =	sadd.s32 s11, s22;
	s8 =	sshll.u32 s8, $0x2;
	v13 =	vsel vm14, v13, v14  }
0x28c: {  	s13 =	sadd.s32 s13, s22;
	s11 =	sor.u32 s8, s11;
	[tilespmem:s7+$0xA0A0] =	vst v13  }
0x28d: {  	s8 =	sor.u32 s8, s13;
	s11 =	ssub.s32 s11, s5;
	v15 =	vld.idx.msk [tilespmem:v11+s7+$0x0 ss:$0x1], $0xffff  }
0x28e: {  	s23 =	ssub.s32 s8, s5;
	s24 =	sshra.s32 s11, $0x2;
	v17 =	vld.idx.msk [tilespmem:v12+s7+$0x0 ss:$0x1], $0xffff  }
0x28f: {  	s5 =	sshra.s32 s23, $0x2;
	s8 =	sadd.s32 $0x80, s24  }
0x290: {  	s5 =	sadd.s32 $0x2880, s5;
	v13 =	vmov s8  }
0x291: {  	v14 =	vmov s5  }
0x292: {  	vm15 =	vgt.s32 v16, v2  }
0x293: {  	v15 =	vsel vm15, v15, v17  }
0x294: {  	[tilespmem:s7+$0xA0B0] =	vst v15  }
0x295: {  	v15 =	vld.idx.msk [tilespmem:v13+s7+$0x0 ss:$0x1], $0xffff  }
0x296: {  	vm0 =	vgt.s32 v16, v1;
	s5 =	simm.s32 $0x200;
	v16 =	vld.idx.msk [tilespmem:v14+s7+$0x0 ss:$0x1], $0xffff  }
.LBB2_10:
0x297: {  	p0 =	sne.s32 s5, $0x8200;
	s8 =	smov.u32 s5;
	s5 =	sadd.s32 $0x200, s5  }
0x298: {  	_ =	sdelay $0x2  }
0x299: {  	v15 =	vsel vm0, v15, v16  }
0x29a: {  	[tilespmem:s7+$0xA0B2] =	vst v15;
	s7 =	sshra.s32 s8, $0x2  }
0x29b: {  	v15 =	vld.idx.msk [tilespmem:v5+s7+$0x0 ss:$0x1], $0xffff  }
0x29c: {  	v16 =	vld.idx.msk [tilespmem:v6+s7+$0x0 ss:$0x1], $0xffff;
	_ =	sdelay $0x5  }
0x29d: {  	v15 =	vsel vm12, v15, v16  }
0x29e: {  	[tilespmem:s7+$0xA080] =	vst v15  }
0x29f: {  	v15 =	vld.idx.msk [tilespmem:v7+s7+$0x0 ss:$0x1], $0xffff  }
0x2a0: {  	v16 =	vld.idx.msk [tilespmem:v8+s7+$0x0 ss:$0x1], $0xffff;
	_ =	sdelay $0x5  }
0x2a1: {  	v15 =	vsel vm13, v15, v16  }
0x2a2: {  	[tilespmem:s7+$0xA090] =	vst v15  }
0x2a3: {  	v15 =	vld.idx.msk [tilespmem:v9+s7+$0x0 ss:$0x1], $0xffff  }
0x2a4: {  	v16 =	vld.idx.msk [tilespmem:v10+s7+$0x0 ss:$0x1], $0xffff;
	_ =	sdelay $0x5  }
0x2a5: {  	v15 =	vsel vm14, v15, v16  }
0x2a6: {  	[tilespmem:s7+$0xA0A0] =	vst v15  }
0x2a7: {  	v15 =	vld.idx.msk [tilespmem:v11+s7+$0x0 ss:$0x1], $0xffff  }
0x2a8: {  	v16 =	vld.idx.msk [tilespmem:v12+s7+$0x0 ss:$0x1], $0xffff;
	_ =	sdelay $0x4  }
.Ltmp4:
0x2a9: {  	(pc) =	sbr.rel @p0 .LBB2_10-.Ltmp4, $4  }
0x2aa: {  	v15 =	vsel vm15, v15, v16  }
0x2ab: {  	[tilespmem:s7+$0xA0B0] =	vst v15  }
0x2ac: {  	v15 =	vld.idx.msk [tilespmem:v13+s7+$0x0 ss:$0x1], $0xffff  }
0x2ad: {  	v16 =	vld.idx.msk [tilespmem:v14+s7+$0x0 ss:$0x1], $0xffff  }
0x2ae: {  	_ =	sdelay $0x3  }
0x2af: {  	s13 =	ssub.s32 s6, s19;
	v5 =	vsel vm0, v15, v16  }
0x2b0: {  	s5 =	simm.s32 $0x0;
	s11 =	rddreg [dreg:$0x11];
	s8 =	sshll.u32 s13, $0x2;
	[tilespmem:s7+$0xA0B2] =	vst v5  }
0x2b1: {  	[hbm4b:s11+s5] =	stream.linear.scatter [tilespmem:s0], [sflag:$0x3], $0x2100, $0x38;
	[tilespmem:$0xC480] =	vst v63  }
0x2b2: {  	s7 =	sshll.u32 s14, $0x9;
	s5 =	sand.u32 $0xFFFFFE00, s8  }
0x2b3: {  	s11 =	sshll.u32 s20, $0x2;
	s5 =	sadd.s32 s5, s7  }
0x2b4: {  	_ =	swait.ge [sflag:s25], $0x2100;
	s5 =	sor.u32 s11, s5  }
0x2b5: {  	[sflag:s25] =	ssyncset.done $0x0;
	s5 =	ssub.s32 s5, s10  }
0x2b6: {  	s15 =	sadd.s32 $0x10, s6;
	[sflag:s25] =	ssyncadd.s32 $0xFFFFDF00;
	s5 =	sshra.s32 s5, $0x2  }
0x2b7: {  	s13 =	sadd.s32 $0x40, s8;
	_ =	swait.ge [sflag:s3], $0x2800;
	s14 =	sadd.s32 $0x5080, s5  }
0x2b8: {  	s13 =	sand.u32 $0xFFFFFE00, s13;
	[sflag:s3] =	ssyncset.done $0x0;
	s5 =	sadd.s32 $0x7800, s5;
	v5 =	vmov s14  }
0x2b9: {  	s20 =	sadd.s32 $0xFFFFFE40, s8;
	s11 =	sand.u32 $0x7F, s15;
	[sflag:s3] =	ssyncadd.s32 $0xFFFFD800;
	v6 =	vmov s5  }
0x2ba: {  	s13 =	sadd.s32 s13, s7;
	s11 =	sshll.u32 s11, $0x2;
	_ =	swait.ge [sflag:s3], $0x2800  }
0x2bb: {  	s13 =	sor.u32 s11, s13;
	s5 =	sand.u32 $0xFFFFFE00, s20;
	[sflag:s3] =	ssyncset.done $0x0  }
0x2bc: {  	s14 =	sadd.s32 s5, s7;
	s5 =	simm.s32 $0x0;
	[sflag:s3] =	ssyncadd.s32 $0xFFFFD800  }
0x2bd: {  	s13 =	ssub.s32 s13, s10;
	s11 =	sor.u32 s11, s14;
	v9 =	vld.idx.msk [tilespmem:v5+s5+$0x0 ss:$0x1], $0xffff  }
0x2be: {  	s13 =	sshra.s32 s13, $0x2;
	s11 =	ssub.s32 s11, s10;
	v10 =	vld.idx.msk [tilespmem:v6+s5+$0x0 ss:$0x1], $0xffff  }
0x2bf: {  	s12 =	ssub.s32 s19, s12;
	s13 =	sadd.s32 $0x5080, s13;
	s11 =	sshra.s32 s11, $0x2  }
0x2c0: {  	s12 =	sadd.s32 $0x80, s12;
	v7 =	vmov s13;
	s11 =	sadd.s32 $0x7880, s11  }
0x2c1: {  	s21 =	sadd.s32 $0x20, s6;
	s22 =	sadd.s32 $0x80, s8;
	v16 =	vmov s12;
	v8 =	vmov s11  }
0x2c2: {  	s23 =	sadd.s32 $0xFFFFFE80, s8;
	s12 =	sand.u32 $0x7F, s21;
	vm12 =	vgt.s32 v16, v0;
	s13 =	sand.u32 $0xFFFFFE00, s22  }
0x2c3: {  	s12 =	sshll.u32 s12, $0x2;
	s13 =	sadd.s32 s13, s7;
	s11 =	sand.u32 $0xFFFFFE00, s23;
	v9 =	vsel vm12, v9, v10  }
0x2c4: {  	s13 =	sor.u32 s12, s13;
	s11 =	sadd.s32 s11, s7;
	[tilespmem:s5+$0xA080] =	vst v9  }
0x2c5: {  	s24 =	ssub.s32 s13, s10;
	s11 =	sor.u32 s12, s11;
	v11 =	vld.idx.msk [tilespmem:v7+s5+$0x0 ss:$0x1], $0xffff  }
0x2c6: {  	s12 =	sshra.s32 s24, $0x2;
	s11 =	ssub.s32 s11, s10;
	v12 =	vld.idx.msk [tilespmem:v8+s5+$0x0 ss:$0x1], $0xffff  }
0x2c7: {  	s12 =	sadd.s32 $0x5080, s12;
	s11 =	sshra.s32 s11, $0x2  }
0x2c8: {  	s11 =	sadd.s32 $0x7880, s11;
	v9 =	vmov s12  }
0x2c9: {  	s14 =	sadd.s32 $0xC0, s8;
	s13 =	sadd.s32 $0x30, s6;
	v10 =	vmov s11  }
0x2ca: {  	vm13 =	vgt.s32 v16, v4;
	s15 =	sadd.s32 $0xFFFFFEC0, s8;
	s12 =	sand.u32 $0x7F, s13;
	s13 =	sand.u32 $0xFFFFFE00, s14  }
0x2cb: {  	s11 =	sand.u32 $0xFFFFFE00, s15;
	s12 =	sshll.u32 s12, $0x2;
	s13 =	sadd.s32 s13, s7;
	v11 =	vsel vm13, v11, v12  }
0x2cc: {  	s11 =	sadd.s32 s11, s7;
	s13 =	sor.u32 s12, s13;
	[tilespmem:s5+$0xA090] =	vst v11  }
0x2cd: {  	s11 =	sor.u32 s12, s11;
	s19 =	ssub.s32 s13, s10;
	v13 =	vld.idx.msk [tilespmem:v9+s5+$0x0 ss:$0x1], $0xffff  }
0x2ce: {  	s11 =	ssub.s32 s11, s10;
	s12 =	sshra.s32 s19, $0x2;
	v14 =	vld.idx.msk [tilespmem:v10+s5+$0x0 ss:$0x1], $0xffff  }
0x2cf: {  	s11 =	sshra.s32 s11, $0x2;
	s12 =	sadd.s32 $0x5080, s12  }
0x2d0: {  	s11 =	sadd.s32 $0x7880, s11;
	v11 =	vmov s12  }
0x2d1: {  	s21 =	sadd.s32 $0xC8, s8;
	s20 =	sadd.s32 $0x32, s6;
	v12 =	vmov s11  }
0x2d2: {  	vm14 =	vgt.s32 v16, v3;
	s8 =	sadd.s32 $0xFFFFFEC8, s8;
	s22 =	sand.u32 $0xFFFFFE00, s21;
	s6 =	sand.u32 $0x7F, s20  }
0x2d3: {  	s8 =	sand.u32 $0xFFFFFE00, s8;
	s6 =	sshll.u32 s6, $0x2;
	s11 =	sadd.s32 s22, s7;
	v13 =	vsel vm14, v13, v14  }
0x2d4: {  	s7 =	sadd.s32 s8, s7;
	s23 =	sor.u32 s6, s11;
	[tilespmem:s5+$0xA0A0] =	vst v13  }
0x2d5: {  	s6 =	sor.u32 s6, s7;
	s24 =	ssub.s32 s23, s10;
	v15 =	vld.idx.msk [tilespmem:v11+s5+$0x0 ss:$0x1], $0xffff  }
0x2d6: {  	s6 =	ssub.s32 s6, s10;
	s7 =	sshra.s32 s24, $0x2;
	v17 =	vld.idx.msk [tilespmem:v12+s5+$0x0 ss:$0x1], $0xffff  }
0x2d7: {  	s6 =	sshra.s32 s6, $0x2;
	s7 =	sadd.s32 $0x5080, s7  }
0x2d8: {  	s6 =	sadd.s32 $0x7880, s6;
	v13 =	vmov s7  }
0x2d9: {  	v14 =	vmov s6  }
0x2da: {  	vm15 =	vgt.s32 v16, v2  }
0x2db: {  	v15 =	vsel vm15, v15, v17  }
0x2dc: {  	[tilespmem:s5+$0xA0B0] =	vst v15  }
0x2dd: {  	v15 =	vld.idx.msk [tilespmem:v13+s5+$0x0 ss:$0x1], $0xffff  }
0x2de: {  	vm0 =	vgt.s32 v16, v1;
	s6 =	simm.s32 $0x200;
	v16 =	vld.idx.msk [tilespmem:v14+s5+$0x0 ss:$0x1], $0xffff  }
.LBB2_12:
0x2df: {  	p0 =	sne.s32 s6, $0x8200;
	s7 =	smov.u32 s6;
	s6 =	sadd.s32 $0x200, s6  }
0x2e0: {  	_ =	sdelay $0x2  }
0x2e1: {  	v15 =	vsel vm0, v15, v16  }
0x2e2: {  	[tilespmem:s5+$0xA0B2] =	vst v15;
	s5 =	sshra.s32 s7, $0x2  }
0x2e3: {  	v15 =	vld.idx.msk [tilespmem:v5+s5+$0x0 ss:$0x1], $0xffff  }
0x2e4: {  	v16 =	vld.idx.msk [tilespmem:v6+s5+$0x0 ss:$0x1], $0xffff;
	_ =	sdelay $0x5  }
0x2e5: {  	v15 =	vsel vm12, v15, v16  }
0x2e6: {  	[tilespmem:s5+$0xA080] =	vst v15  }
0x2e7: {  	v15 =	vld.idx.msk [tilespmem:v7+s5+$0x0 ss:$0x1], $0xffff  }
0x2e8: {  	v16 =	vld.idx.msk [tilespmem:v8+s5+$0x0 ss:$0x1], $0xffff;
	_ =	sdelay $0x5  }
0x2e9: {  	v15 =	vsel vm13, v15, v16  }
0x2ea: {  	[tilespmem:s5+$0xA090] =	vst v15  }
0x2eb: {  	v15 =	vld.idx.msk [tilespmem:v9+s5+$0x0 ss:$0x1], $0xffff  }
0x2ec: {  	v16 =	vld.idx.msk [tilespmem:v10+s5+$0x0 ss:$0x1], $0xffff;
	_ =	sdelay $0x5  }
0x2ed: {  	v15 =	vsel vm14, v15, v16  }
0x2ee: {  	[tilespmem:s5+$0xA0A0] =	vst v15  }
0x2ef: {  	v15 =	vld.idx.msk [tilespmem:v11+s5+$0x0 ss:$0x1], $0xffff  }
0x2f0: {  	v16 =	vld.idx.msk [tilespmem:v12+s5+$0x0 ss:$0x1], $0xffff;
	_ =	sdelay $0x4  }
.Ltmp5:
0x2f1: {  	(pc) =	sbr.rel @p0 .LBB2_12-.Ltmp5, $4  }
0x2f2: {  	v15 =	vsel vm15, v15, v16  }
0x2f3: {  	[tilespmem:s5+$0xA0B0] =	vst v15  }
0x2f4: {  	v15 =	vld.idx.msk [tilespmem:v13+s5+$0x0 ss:$0x1], $0xffff  }
0x2f5: {  	v16 =	vld.idx.msk [tilespmem:v14+s5+$0x0 ss:$0x1], $0xffff  }
0x2f6: {  	_ =	sdelay $0x3  }
0x2f7: {  	v5 =	vsel vm0, v15, v16  }
0x2f8: {  	s19 =	simm.s32 $0x0;
	s23 =	rddreg [dreg:$0x12];
	[tilespmem:s5+$0xA0B2] =	vst v5  }
0x2f9: {  	[hbm4b:s23+s19] =	stream.linear.scatter [tilespmem:s0], [sflag:$0x3], $0x2100, $0x38;
	[tilespmem:$0xC480] =	vst v63  }
0x2fa: {  	_ =	swait.ge [sflag:s25], $0x2100  }
0x2fb: {  	s4 =	sadd.s32 $0x1, s4;
	s24 =	rddreg [dreg:$0x13]  }
0x2fc: {  	p0 =	sne.s32 s4, s24  }
.Ltmp6:
0x2fd: {  	_ = 	snop;
	(pc) =	sbr.rel @p0 .LBB2_1-.Ltmp6, $3  }
0x2fe: {  	_ =	sdelay $0x1  }
0x2ff: {  	[sflag:s25] =	ssyncset.done $0x0  }
0x300: {  	[sflag:s25] =	ssyncadd.s32 $0xFFFFDF00  }
0x301: {  	_ =	sfence.sel $0x180000  }
0x302: {  	[bflag:$0x0] =	sbarrier.arrive $0xFFFF  }
0x303: {  	_ =	strace $0x90000047  }
0x304: {  	s0 =	stileid.u32;
	[bflag:$0x2] =	sbarrier.arrive $0xFFFF  }
0x305: {  	p0 =	sne.s32 s0, $0x0;
	s0 =	rddreg [dreg:$0x3]  }
0x306: {  	s0 =	sadd.s32 @!p0 $0x100000, s0  }
0x307: {  	[sflag:s0] =	ssyncadd.tile.s32 @!p0 $0x1;
	_ =	shalt  }
.Lfunc_end2:
_tile_overlayer_lowered:
.L_overlay_start_2:
0x308: {  	(tag) =	ssettag $0x2  }
0x309: {  	s0 =	rddreg [dreg:$0x0];
	s2 =	stileid.u32  }
0x30a: {  	s1 =	rddreg [dreg:$0x1];
	p0 =	sne.s32 s2, $0x0  }
0x30b: {  	s3 =	rddreg [dreg:$0x2];
	[bflag:$0x3] =	sbarrier.arrive $0xFFFF;
	s2 =	simm.s32 @!p0 $0x1C03  }
0x30c: {  	[timem:s3], [sflag:s2] =	dma.local @!p0 [hbm:s0], s1  }
0x30d: {  	s0 =	simm.s32 @!p0 $0x3  }
0x30e: {  	_ =	swait.ge @!p0 [sflag:s0], s1  }
0x30f: {  	s1 =	ssub.s32 @!p0 $0x0, s1;
	[sflag:s0] =	ssyncset.done @!p0 $0x0  }
0x310: {  	[sflag:s0] =	ssyncadd.s32 @!p0 s1  }
0x311: {  	[bflag:$0x3] =	sbarrier.arrive $0xFFFF  }
0x312: {  	_ =	shalt  }

</sc_bundles>
